<compile_context>
chip_gen: v7x
topology: tpu7x:2x2x1
jax: 0.10.2.dev20260603
libtpu: 0.0.44.dev20260713+nightly
codegen_flags: <defaults>
</compile_context>

<pallas_src>
import functools

import jax
import jax.numpy as jnp
from jax import lax
from jax.experimental import pallas as pl
from jax.experimental.pallas import tpu as pltpu
from jax.experimental.pallas import tpu_sc as plsc

PRE_NMS_THRESH = 0.05
PRE_NMS_TOP_N = 1000
NMS_THRESH = 0.6
FPN_POST_NMS_TOP_N = 100
NUM_CLASSES = 81
K = 1024

F = 1344000
NW = 32
TPI = 4
SEG = F // TPI
CH = 9600
CAPA = 8192
CAPB = 2048


HWB = 2400


def _score_body(cls_ref, ctr_ref, out_ref, max_ref):
    c = cls_ref[0]
    t = ctr_ref[0]
    sc = jax.nn.sigmoid(c)
    st = jax.nn.sigmoid(t)
    s = jnp.where(sc > PRE_NMS_THRESH, sc * st, 0.0)
    out_ref[0] = s
    max_ref[0] = jnp.max(s, axis=-1, keepdims=True)


def _scores_flat(box_cls, centerness):
    N, C, H, W = box_cls.shape
    HW = H * W
    t_cls = jnp.transpose(box_cls, (0, 2, 3, 1)).reshape(N, HW, C)
    ctr2 = centerness.reshape(N, HW, 1)
    out, maxes = pl.pallas_call(
        _score_body,
        out_shape=[
            jax.ShapeDtypeStruct((N, HW, C), jnp.float32),
            jax.ShapeDtypeStruct((N, HW, 1), jnp.float32),
        ],
        grid=(N, HW // HWB),
        in_specs=[
            pl.BlockSpec((1, HWB, C), lambda n, b: (n, b, 0)),
            pl.BlockSpec((1, HWB, 1), lambda n, b: (n, b, 0)),
        ],
        out_specs=[
            pl.BlockSpec((1, HWB, C), lambda n, b: (n, b, 0)),
            pl.BlockSpec((1, HWB, 1), lambda n, b: (n, b, 0)),
        ],
    )(t_cls, ctr2)
    return out.reshape(N, HW * C), maxes.reshape(N, HW)


def _sc_filter_kernel(scores_hbm, thr_hbm, vals_hbm, idx_hbm, cnt_hbm,
                      buf, mv, mi, fv, fi, tbuf, cbuf):
    wid = lax.axis_index("s") * 2 + lax.axis_index("c")
    t = wid % TPI
    lane = lax.iota(jnp.int32, 16)
    zf = jnp.zeros((16,), jnp.float32)
    zi = jnp.zeros((16,), jnp.int32)

    pltpu.sync_copy(thr_hbm.at[wid], tbuf)
    thr = tbuf[...]

    def zero_a(k, c):
        mv[pl.ds(k * 16, 16)] = zf
        mi[pl.ds(k * 16, 16)] = zi
        return c

    lax.fori_loop(0, CAPA // 16, zero_a, 0)

    def zero_b(k, c):
        fv[pl.ds(k * 16, 16)] = zf
        fi[pl.ds(k * 16, 16)] = zi
        return c

    lax.fori_loop(0, CAPB // 16, zero_b, 0)

    G = 8

    def chunk(ci, carry):
        pltpu.sync_copy(scores_hbm.at[wid, pl.ds(ci * CH, CH)], buf)

        def vec(j, carry):
            pos, iv = carry
            vs = [buf[pl.ds((j * G + g) * 16, 16)] for g in range(G)]
            ms = [v >= thr for v in vs]
            hits = [jnp.any(m) for m in ms]
            for g in range(G):
                posv = pos + lane
                mw = ms[g] & (posv < CAPA)
                posv = jnp.minimum(posv, CAPA - 1)
                plsc.store_scatter(mv, [posv], vs[g], mask=mw)
                plsc.store_scatter(mi, [posv], iv, mask=mw)
                pos = pos + jnp.where(hits[g], 16, 0)
                iv = iv + 16
            return pos, iv

        return lax.fori_loop(0, CH // (16 * G), vec, carry)

    init = (jnp.int32(0), t * SEG + lane)
    pos_a, _ = lax.fori_loop(0, SEG // CH, chunk, init)

    def vec_b(j, pos):
        v = mv[pl.ds(j * 16, 16)]
        ivv = mi[pl.ds(j * 16, 16)]
        m = v >= thr
        mi32 = m.astype(jnp.int32)
        cm = jnp.cumsum(mi32)
        pc = jnp.sum(mi32)
        posv = pos + cm - 1
        mw = m & (posv < CAPB)
        posv = jnp.clip(posv, 0, CAPB - 1)
        plsc.store_scatter(fv, [posv], v, mask=mw)
        plsc.store_scatter(fi, [posv], ivv, mask=mw)
        return pos + pc

    cnt_t = lax.fori_loop(0, CAPA // 16, vec_b, jnp.int32(0))

    pltpu.sync_copy(fv, vals_hbm.at[wid])
    pltpu.sync_copy(fi, idx_hbm.at[wid])
    cbuf[0, :] = zi + pos_a
    cbuf[1, :] = zi + cnt_t
    pltpu.sync_copy(cbuf, cnt_hbm.at[wid])


_SC_FILTER = functools.partial(
    pl.kernel,
    mesh=plsc.VectorSubcoreMesh(core_axis_name="c", subcore_axis_name="s"),
    compiler_params=pltpu.CompilerParams(needs_layout_passes=False),
    out_type=[
        jax.ShapeDtypeStruct((NW, CAPB), jnp.float32),
        jax.ShapeDtypeStruct((NW, CAPB), jnp.int32),
        jax.ShapeDtypeStruct((NW, 2, 16), jnp.int32),
    ],
    scratch_types=[
        pltpu.VMEM((CH,), jnp.float32),
        pltpu.VMEM((CAPA,), jnp.float32),
        pltpu.VMEM((CAPA,), jnp.int32),
        pltpu.VMEM((CAPB,), jnp.float32),
        pltpu.VMEM((CAPB,), jnp.int32),
        pltpu.VMEM((16,), jnp.float32),
        pltpu.VMEM((2, 16), jnp.int32),
    ],
)(_sc_filter_kernel)


def _topk1000(flat, maxes):
    thr = jax.lax.top_k(maxes, PRE_NMS_TOP_N)[0][:, -1]
    thr_w = jnp.broadcast_to(jnp.repeat(thr, TPI)[:, None], (NW, 16))
    scores32 = flat.reshape(NW, SEG)
    vals32, idx32, cnts = _SC_FILTER(scores32, thr_w)
    slots_a = cnts[:, 0, 0]
    cnt_t = cnts[:, 1, 0]
    ok = jnp.all(slots_a <= CAPA) & jnp.all(cnt_t <= CAPB) & jnp.all(thr > 0)
    vcat = vals32.reshape(flat.shape[0], TPI * CAPB)
    icat = idx32.reshape(flat.shape[0], TPI * CAPB)

    def fast(_):
        tv, tp = jax.lax.top_k(vcat, PRE_NMS_TOP_N)
        return tv, jnp.take_along_axis(icat, tp, axis=1)

    def slow(_):
        tv, ti = jax.lax.top_k(flat, PRE_NMS_TOP_N)
        return tv, ti

    return jax.lax.cond(ok, fast, slow, None)


def _nms_body(cols_ref, rows_ref, out_ref):
    A = cols_ref[0]
    B = rows_ref[0]
    f32 = jnp.float32

    x0c, y0c, x1c, y1c = A[:, 0:1], A[:, 1:2], A[:, 2:3], A[:, 3:4]
    labc, validc = A[:, 4:5], A[:, 5:6]
    x0r, y0r, x1r, y1r = B[0:1, :], B[1:2, :], B[2:3, :], B[3:4, :]
    labr, validr, detr = B[4:5, :], B[5:6, :], B[6:7, :]

    offc = labc * 4096.0
    offr = labr * 4096.0
    ax0c, ay0c, ax1c, ay1c = x0c + offc, y0c + offc, x1c + offc, y1c + offc
    ax0r, ay0r, ax1r, ay1r = x0r + offr, y0r + offr, x1r + offr, y1r + offr

    areac = jnp.clip(ax1c - ax0c, 0.0) * jnp.clip(ay1c - ay0c, 0.0)
    arear = jnp.clip(ax1r - ax0r, 0.0) * jnp.clip(ay1r - ay0r, 0.0)
    xx0 = jnp.maximum(ax0c, ax0r)
    yy0 = jnp.maximum(ay0c, ay0r)
    xx1 = jnp.minimum(ax1c, ax1r)
    yy1 = jnp.minimum(ay1c, ay1r)
    inter = jnp.clip(xx1 - xx0, 0.0) * jnp.clip(yy1 - yy0, 0.0)
    union = areac + arear - inter
    iou = inter / jnp.maximum(union, 1e-9)

    ri = jax.lax.broadcasted_iota(jnp.int32, (K, K), 0)
    ci = jax.lax.broadcasted_iota(jnp.int32, (K, K), 1)
    hot = iou > NMS_THRESH
    n1 = jnp.where(hot & (ci < ri), 1.0, 0.0).astype(f32)
    n2 = jnp.where(hot & (ri < ci), 1.0, 0.0).astype(f32)

    def cond(c):
        return c[2]

    def body(c):
        kr, kc, _ = c
        sup_r = jax.lax.dot_general(
            kr, n2, (((1,), (0,)), ((), ())), preferred_element_type=f32
        )
        sup_c = jax.lax.dot_general(
            n1, kc, (((1,), (0,)), ((), ())), preferred_element_type=f32
        )
        nr = jnp.where((validr > 0.5) & (sup_r < 0.5), 1.0, 0.0)
        nc = jnp.where((validc > 0.5) & (sup_c < 0.5), 1.0, 0.0)
        return nr, nc, jnp.any(nr != kr)

    kr0 = jnp.where(validr > 0.5, 1.0, 0.0)
    kc0 = jnp.where(validc > 0.5, 1.0, 0.0)
    kr, kc, _ = jax.lax.while_loop(cond, body, (kr0, kc0, jnp.bool_(True)))

    lo = jnp.where(ci <= ri, 1.0, 0.0).astype(f32)
    krank = jax.lax.dot_general(
        lo, kc, (((1,), (0,)), ((), ())), preferred_element_type=f32
    )
    nkrank = jax.lax.dot_general(
        lo, 1.0 - kc, (((1,), (0,)), ((), ())), preferred_element_type=f32
    )
    total = jnp.sum(kc)
    slot = jnp.where(kc > 0.5, krank - 1.0, total + nkrank - 1.0)
    slot_i = slot.astype(jnp.int32)
    lane = jax.lax.broadcasted_iota(jnp.int32, (K, 128), 1)
    sel = jnp.where((slot_i == lane), 1.0, 0.0).astype(f32)

    scorer = detr * kr - (1.0 - kr)
    v = jnp.concatenate([scorer, x0r, y0r, x1r, y1r, labr], axis=0)
    out6 = jax.lax.dot_general(
        v, sel, (((1,), (0,)), ((), ())), preferred_element_type=f32
    )
    out_ref[0, 0:6, :] = out6
    out_ref[0, 6:8, :] = jnp.zeros((2, 128), f32)


def _nms_select(cols, rows):
    N = cols.shape[0]
    return pl.pallas_call(
        _nms_body,
        out_shape=jax.ShapeDtypeStruct((N, 8, 128), jnp.float32),
        grid=(N,),
        in_specs=[
            pl.BlockSpec((1, K, 8), lambda n: (n, 0, 0)),
            pl.BlockSpec((1, 8, K), lambda n: (n, 0, 0)),
        ],
        out_specs=pl.BlockSpec((1, 8, 128), lambda n: (n, 0, 0)),
    )(cols, rows)


def kernel(locations, box_cls, box_regression, centerness, image_sizes):
    N, C, H, W = box_cls.shape
    flat, maxes = _scores_flat(box_cls, centerness)
    reg = jnp.transpose(box_regression, (0, 2, 3, 1)).reshape(N, -1, 4)
    vals, idx = _topk1000(flat, maxes)
    loc_idx = idx // C
    labels = ((idx % C) + 1).astype(jnp.float32)
    reg_g = jnp.take_along_axis(reg, loc_idx[:, :, None], axis=1)
    loc_xy = jnp.take(locations, loc_idx, axis=0)
    x0 = loc_xy[..., 0] - reg_g[..., 0]
    y0 = loc_xy[..., 1] - reg_g[..., 1]
    x1 = loc_xy[..., 0] + reg_g[..., 2]
    y1 = loc_xy[..., 1] + reg_g[..., 3]
    h_img = image_sizes[:, 0].astype(jnp.float32)[:, None]
    w_img = image_sizes[:, 1].astype(jnp.float32)[:, None]
    x0 = jnp.clip(x0, 0.0, w_img - 1.0)
    x1 = jnp.clip(x1, 0.0, w_img - 1.0)
    y0 = jnp.clip(y0, 0.0, h_img - 1.0)
    y1 = jnp.clip(y1, 0.0, h_img - 1.0)
    det_scores = jnp.sqrt(jnp.maximum(vals, 1e-12))
    valid = (vals > 0) & (x1 - x0 + 1.0 >= 0.0) & (y1 - y0 + 1.0 >= 0.0)
    valid = valid.astype(jnp.float32)

    pad = K - PRE_NMS_TOP_N
    rows = jnp.stack(
        [x0, y0, x1, y1, labels, valid, det_scores, jnp.zeros_like(x0)], axis=1
    )
    rows = jnp.pad(rows, ((0, 0), (0, 0), (0, pad)))
    cols = jnp.transpose(rows, (0, 2, 1))
    out = _nms_select(cols, rows)

    top = out[:, :, :FPN_POST_NMS_TOP_N]
    out_boxes = jnp.stack([top[:, 1], top[:, 2], top[:, 3], top[:, 4]], axis=-1)
    top_scores = top[:, 0]
    out_labels = top[:, 5].astype(jnp.int32)
    return out_boxes, top_scores, out_labels

# --- scband reference (transcript-rebuilt; emitter-appended) ---
"""Pipeline reference for scband-fcospost-processor-9345848836424 (READ-ONLY COPY).

The authoritative reference and input builder live on the scoring server;
editing this copy changes nothing except your own understanding.
"""

import jax, jax.numpy as jnp
import numpy as np

PRE_NMS_THRESH = 0.05
PRE_NMS_TOP_N = 1000
NMS_THRESH = 0.6
FPN_POST_NMS_TOP_N = 100
MIN_SIZE = 0
NUM_CLASSES = 81


def setup_inputs(seed: int = 0) -> dict:
    key = jax.random.key(seed)
    k0, k1, k2, k3, k4 = jax.random.split(key, 5)
    N, C, H, W = 8, 80, 100, 168
    HW = H * W
    locations = jax.random.uniform(k0, (HW, 2), dtype=jnp.float32) * jnp.array([1344.0, 800.0], dtype=jnp.float32)
    box_cls = jax.random.normal(k1, (N, C, H, W), dtype=jnp.float32)
    box_regression = jax.random.normal(k2, (N, 4, H, W), dtype=jnp.float32)
    centerness = jax.random.normal(k3, (N, 1, H, W), dtype=jnp.float32)
    image_sizes = jax.random.randint(k4, (N, 2), 512, 1344)  # (h, w) per image
    return {"locations": locations, "box_cls": box_cls, "box_regression": box_regression,
            "centerness": centerness, "image_sizes": image_sizes}


def _pairwise_iou(boxes):
    x0, y0, x1, y1 = boxes[:, 0], boxes[:, 1], boxes[:, 2], boxes[:, 3]
    area = jnp.clip(x1 - x0, 0.0) * jnp.clip(y1 - y0, 0.0)
    xx0 = jnp.maximum(x0[:, None], x0[None, :])
    yy0 = jnp.maximum(y0[:, None], y0[None, :])
    xx1 = jnp.minimum(x1[:, None], x1[None, :])
    yy1 = jnp.minimum(y1[:, None], y1[None, :])
    inter = jnp.clip(xx1 - xx0, 0.0) * jnp.clip(yy1 - yy0, 0.0)
    union = area[:, None] + area[None, :] - inter
    return inter / jnp.maximum(union, 1e-9)


def _greedy_nms_keep(boxes, valid, thresh):
    # boxes sorted by descending score; sequential greedy suppression
    K = boxes.shape[0]
    iou = _pairwise_iou(jax.lax.stop_gradient(boxes))
    idxs = jnp.arange(K)
    def body(i, keep):
        sup = (iou[i] > thresh) & (idxs > i) & keep[i]
        return keep & (~sup)
    return jax.lax.fori_loop(0, K, body, valid)


def reference(locations, box_cls, box_regression, centerness, image_sizes):
    N, C, H, W = box_cls.shape
    # permute/reshape + sigmoid, as in forward_for_single_feature_map
    cls = jax.nn.sigmoid(jnp.transpose(box_cls, (0, 2, 3, 1)).reshape(N, -1, C))
    reg = jnp.transpose(box_regression, (0, 2, 3, 1)).reshape(N, -1, 4)
    ctr = jax.nn.sigmoid(jnp.transpose(centerness, (0, 2, 3, 1)).reshape(N, -1))
    cand = cls > PRE_NMS_THRESH  # candidate_inds
    scores = cls * ctr[:, :, None]  # box_cls * centerness
    flat = (scores * cand).reshape(N, -1)  # mask out non-candidates (score 0)
    vals, idx = jax.lax.top_k(flat, PRE_NMS_TOP_N)  # pre-NMS top-n per image
    loc_idx = idx // C  # per_box_loc
    labels = (idx % C) + 1  # per_class
    reg_g = jnp.take_along_axis(reg, loc_idx[:, :, None], axis=1)  # [N,K,4]
    loc_xy = jnp.take(locations, loc_idx, axis=0)  # [N,K,2]
    x0 = loc_xy[..., 0] - reg_g[..., 0]
    y0 = loc_xy[..., 1] - reg_g[..., 1]
    x1 = loc_xy[..., 0] + reg_g[..., 2]
    y1 = loc_xy[..., 1] + reg_g[..., 3]
    h_img = image_sizes[:, 0].astype(jnp.float32)[:, None]
    w_img = image_sizes[:, 1].astype(jnp.float32)[:, None]
    # clip_to_image
    x0 = jnp.clip(x0, 0.0, w_img - 1.0)
    x1 = jnp.clip(x1, 0.0, w_img - 1.0)
    y0 = jnp.clip(y0, 0.0, h_img - 1.0)
    y1 = jnp.clip(y1, 0.0, h_img - 1.0)
    det_scores = jnp.sqrt(jnp.maximum(vals, 1e-12))  # torch.sqrt(per_box_cls)
    valid = vals > 0
    # remove_small_boxes
    ws = x1 - x0 + 1.0
    hs = y1 - y0 + 1.0
    valid = valid & (ws >= MIN_SIZE) & (hs >= MIN_SIZE)
    boxes = jnp.stack([x0, y0, x1, y1], axis=-1)  # [N,K,4]
    # class-aware NMS: offset boxes per class so cross-class boxes never overlap
    offset = labels.astype(jnp.float32) * 4096.0
    boxes_off = boxes + offset[..., None]
    keep = jax.vmap(lambda b, v: _greedy_nms_keep(b, v, NMS_THRESH))(boxes_off, valid)
    kept_scores = jnp.where(keep, det_scores, -1.0)
    # select_over_all_levels: keep top fpn_post_nms_top_n by score
    top_scores, top_idx = jax.lax.top_k(kept_scores, FPN_POST_NMS_TOP_N)
    out_boxes = jnp.take_along_axis(boxes, top_idx[:, :, None], axis=1)
    out_labels = jnp.take_along_axis(labels, top_idx, axis=1).astype(jnp.int32)
    return out_boxes, top_scores, out_labels

if __name__ == "__main__":
    import jax
    _d = setup_inputs()
    print(jax.jit(kernel)(*tuple(_d.values())))

</pallas_src>

<mosaic_0001>
#map = affine_map<(d0, d1) -> (0, 0)>
#map1 = affine_map<(d0, d1) -> (0, 0, 0)>
module attributes {stable_mosaic.version = 14 : i64} {
  func.func @_sc_filter_kernel(%arg0: i32, %arg1: i32, %arg2: memref<32x336000xf32, #tpu.memory_space<hbm>>, %arg3: memref<32x16xf32, #tpu.memory_space<hbm>>, %arg4: memref<32x2048xf32, #tpu.memory_space<hbm>>, %arg5: memref<32x2048xi32, #tpu.memory_space<hbm>>, %arg6: memref<32x2x16xi32, #tpu.memory_space<hbm>>, %arg7: memref<9600xf32, #tpu.memory_space<vmem>>, %arg8: memref<8192xf32, #tpu.memory_space<vmem>>, %arg9: memref<8192xi32, #tpu.memory_space<vmem>>, %arg10: memref<2048xf32, #tpu.memory_space<vmem>>, %arg11: memref<2048xi32, #tpu.memory_space<vmem>>, %arg12: memref<16xf32, #tpu.memory_space<vmem>>, %arg13: memref<2x16xi32, #tpu.memory_space<vmem>>) attributes {dimension_semantics = [#tpu.dimension_semantics<core_parallel>, #tpu.dimension_semantics<subcore_parallel>], iteration_bounds = array<i64: 2, 16>, scalar_prefetch = 0 : i64, scratch_operands = 7 : i64, tpu.core_type = #tpu.core_type<sc_vector_subcore>, window_params = [{transform_indices = #map}, {transform_indices = #map}, {transform_indices = #map}, {transform_indices = #map}, {transform_indices = #map1}]} {
    %mul3A = arith.constant 2 : i32
    %mul3A_0 = arith.muli %arg1, %mul3A : i32
    %add3A = arith.addi %mul3A_0, %arg0 : i32
    %jit3A = arith.constant 4 : i32
    %eq3A = arith.constant 0 : i32
    %eq3A_1 = arith.cmpi eq, %jit3A, %eq3A : i32
    %jit3A_2 = arith.constant 1 : i32
    %select_n3A = arith.select %eq3A_1, %jit3A_2, %jit3A : i32
    %rem3A = arith.remsi %add3A, %select_n3A : i32
    %ne3A = arith.constant 0 : i32
    %ne3A_3 = arith.cmpi ne, %rem3A, %ne3A : i32
    %lt3A = arith.constant 0 : i32
    %lt3A_4 = arith.cmpi slt, %rem3A, %lt3A : i32
    %lt3A_5 = arith.constant 0 : i32
    %lt3A_6 = arith.cmpi slt, %select_n3A, %lt3A_5 : i32
    %ne3A_7 = arith.xori %lt3A_4, %lt3A_6 : i1
    %and3A = arith.andi %ne3A_7, %ne3A_3 : i1
    %add3A_8 = arith.addi %rem3A, %select_n3A : i32
    %select_n3A_9 = arith.select %and3A, %add3A_8, %rem3A : i32
    %iota3A = tpu.iota {dimensions = array<i32: 0>} : vector<16xi32>
    %broadcast_in_dim3A = arith.constant 0.000000e+00 : f32
    %broadcast_in_dim3A_10 = vector.broadcast %broadcast_in_dim3A : f32 to vector<16xf32>
    %broadcast_in_dim3A_11 = arith.constant 0 : i32
    %broadcast_in_dim3A_12 = vector.broadcast %broadcast_in_dim3A_11 : i32 to vector<16xi32>
    "tpu.region"() ({
      %run_scoped3A = tpu.sem_alloc : memref<!tpu.dma_semaphore, #tpu.memory_space<semaphore_mem>>
      %dma_start3A = arith.constant 0 : i32
      %dma_start3A_54 = tpu.memref_slice %arg3[%add3A, %dma_start3A] : memref<32x16xf32, #tpu.memory_space<hbm>> -> memref<1x16xf32, #tpu.memory_space<hbm>>
      %dma_start3A_55 = tpu.memref_squeeze %dma_start3A_54 : memref<1x16xf32, #tpu.memory_space<hbm>> -> memref<16xf32, #tpu.memory_space<hbm>>
      %dma_start3A_56 = arith.constant 0 : i32
      %dma_start3A_57 = tpu.memref_slice %arg3[%add3A, %dma_start3A_56] : memref<32x16xf32, #tpu.memory_space<hbm>> -> memref<1x16xf32, #tpu.memory_space<hbm>>
      %dma_start3A_58 = tpu.memref_squeeze %dma_start3A_57 : memref<1x16xf32, #tpu.memory_space<hbm>> -> memref<16xf32, #tpu.memory_space<hbm>>
      tpu.enqueue_dma source(%dma_start3A_58 : memref<16xf32, #tpu.memory_space<hbm>>) target(%arg12 : memref<16xf32, #tpu.memory_space<vmem>>) target_semaphore(%run_scoped3A : memref<!tpu.dma_semaphore, #tpu.memory_space<semaphore_mem>>)
      %dma_wait3A = arith.constant 0 : i32
      %dma_wait3A_59 = tpu.memref_slice %arg3[%add3A, %dma_wait3A] : memref<32x16xf32, #tpu.memory_space<hbm>> -> memref<1x16xf32, #tpu.memory_space<hbm>>
      %dma_wait3A_60 = tpu.memref_squeeze %dma_wait3A_59 : memref<1x16xf32, #tpu.memory_space<hbm>> -> memref<16xf32, #tpu.memory_space<hbm>>
      %dma_wait3A_61 = arith.constant 0 : i32
      %dma_wait3A_62 = tpu.memref_slice %arg3[%add3A, %dma_wait3A_61] : memref<32x16xf32, #tpu.memory_space<hbm>> -> memref<1x16xf32, #tpu.memory_space<hbm>>
      %dma_wait3A_63 = tpu.memref_squeeze %dma_wait3A_62 : memref<1x16xf32, #tpu.memory_space<hbm>> -> memref<16xf32, #tpu.memory_space<hbm>>
      tpu.wait_dma2 semaphore(%run_scoped3A : memref<!tpu.dma_semaphore, #tpu.memory_space<semaphore_mem>>) src(%dma_wait3A_63 : memref<16xf32, #tpu.memory_space<hbm>>) dst(%arg12 : memref<16xf32, #tpu.memory_space<vmem>>)
      tpu.yield
    }) : () -> ()
    %get3A = arith.constant 0 : index
    %get3A_13 = tpu.vector_load %arg12[%get3A] {strides = array<i32>} : memref<16xf32, #tpu.memory_space<vmem>>, vector<16xf32>,
    %scan3A = arith.constant 0 : i32
    %scan3A_14 = arith.constant 0 : i32
    %scan3A_15 = arith.constant 512 : i32
    %scan3A_16 = arith.addi %scan3A_14, %scan3A_15 : i32
    %scan3A_17 = arith.constant 1 : i32
    scf.for %scan3A_54 = %scan3A_14 to %scan3A_16 step %scan3A_17  : i32 {
      %mul3A_55 = arith.constant 16 : i32
      %mul3A_56 = arith.muli %scan3A_54, %mul3A_55 : i32
      %swap3A_57 = arith.index_cast %mul3A_56 : i32 to index
      %swap3A_58 = tpu.vector_load %arg8[%swap3A_57] {strides = array<i32>} : memref<8192xf32, #tpu.memory_space<vmem>>, vector<16xf32>,
      tpu.vector_store %arg8[%swap3A_57], %broadcast_in_dim3A_10 {strides = array<i32>} : memref<8192xf32, #tpu.memory_space<vmem>>, vector<16xf32>,
      %mul3A_59 = arith.constant 16 : i32
      %mul3A_60 = arith.muli %scan3A_54, %mul3A_59 : i32
      %swap3A_61 = arith.index_cast %mul3A_60 : i32 to index
      %swap3A_62 = tpu.vector_load %arg9[%swap3A_61] {strides = array<i32>} : memref<8192xi32, #tpu.memory_space<vmem>>, vector<16xi32>,
      tpu.vector_store %arg9[%swap3A_61], %broadcast_in_dim3A_12 {strides = array<i32>} : memref<8192xi32, #tpu.memory_space<vmem>>, vector<16xi32>,
    }
    %scan3A_18 = arith.constant 512 : i32
    %scan3A_19 = arith.constant 0 : i32
    %scan3A_20 = arith.constant 0 : i32
    %scan3A_21 = arith.constant 128 : i32
    %scan3A_22 = arith.addi %scan3A_20, %scan3A_21 : i32
    %scan3A_23 = arith.constant 1 : i32
    scf.for %scan3A_54 = %scan3A_20 to %scan3A_22 step %scan3A_23  : i32 {
      %mul3A_55 = arith.constant 16 : i32
      %mul3A_56 = arith.muli %scan3A_54, %mul3A_55 : i32
      %swap3A_57 = arith.index_cast %mul3A_56 : i32 to index
      %swap3A_58 = tpu.vector_load %arg10[%swap3A_57] {strides = array<i32>} : memref<2048xf32, #tpu.memory_space<vmem>>, vector<16xf32>,
      tpu.vector_store %arg10[%swap3A_57], %broadcast_in_dim3A_10 {strides = array<i32>} : memref<2048xf32, #tpu.memory_space<vmem>>, vector<16xf32>,
      %mul3A_59 = arith.constant 16 : i32
      %mul3A_60 = arith.muli %scan3A_54, %mul3A_59 : i32
      %swap3A_61 = arith.index_cast %mul3A_60 : i32 to index
      %swap3A_62 = tpu.vector_load %arg11[%swap3A_61] {strides = array<i32>} : memref<2048xi32, #tpu.memory_space<vmem>>, vector<16xi32>,
      tpu.vector_store %arg11[%swap3A_61], %broadcast_in_dim3A_12 {strides = array<i32>} : memref<2048xi32, #tpu.memory_space<vmem>>, vector<16xi32>,
    }
    %scan3A_24 = arith.constant 128 : i32
    %mul3A_25 = arith.constant 336000 : i32
    %mul3A_26 = arith.muli %select_n3A_9, %mul3A_25 : i32
    %add3A_27 = vector.broadcast %mul3A_26 : i32 to vector<16xi32>
    %add3A_28 = arith.addi %add3A_27, %iota3A : vector<16xi32>
    %scan3A_29 = arith.constant 0 : i32
    %scan3A_30 = arith.constant 0 : i32
    %scan3A_31 = arith.constant 35 : i32
    %scan3A_32 = arith.addi %scan3A_30, %scan3A_31 : i32
    %scan3A_33 = arith.constant 1 : i32
    %scan3A_34:2 = scf.for %scan3A_54 = %scan3A_30 to %scan3A_32 step %scan3A_33 iter_args(%scan3A_55 = %scan3A_29, %scan3A_56 = %add3A_28) -> (i32, vector<16xi32>)  : i32 {
      %mul3A_57 = arith.constant 9600 : i32
      %mul3A_58 = arith.muli %scan3A_54, %mul3A_57 : i32
      "tpu.region"() ({
        %run_scoped3A = tpu.sem_alloc : memref<!tpu.dma_semaphore, #tpu.memory_space<semaphore_mem>>
        %dma_start3A = tpu.memref_slice %arg2[%add3A, %mul3A_58] : memref<32x336000xf32, #tpu.memory_space<hbm>> -> memref<1x9600xf32, #tpu.memory_space<hbm>>
        %dma_start3A_65 = tpu.memref_squeeze %dma_start3A : memref<1x9600xf32, #tpu.memory_space<hbm>> -> memref<9600xf32, #tpu.memory_space<hbm>>
        %dma_start3A_66 = tpu.memref_slice %arg2[%add3A, %mul3A_58] : memref<32x336000xf32, #tpu.memory_space<hbm>> -> memref<1x9600xf32, #tpu.memory_space<hbm>>
        %dma_start3A_67 = tpu.memref_squeeze %dma_start3A_66 : memref<1x9600xf32, #tpu.memory_space<hbm>> -> memref<9600xf32, #tpu.memory_space<hbm>>
        tpu.enqueue_dma source(%dma_start3A_67 : memref<9600xf32, #tpu.memory_space<hbm>>) target(%arg7 : memref<9600xf32, #tpu.memory_space<vmem>>) target_semaphore(%run_scoped3A : memref<!tpu.dma_semaphore, #tpu.memory_space<semaphore_mem>>)
        %dma_wait3A = tpu.memref_slice %arg2[%add3A, %mul3A_58] : memref<32x336000xf32, #tpu.memory_space<hbm>> -> memref<1x9600xf32, #tpu.memory_space<hbm>>
        %dma_wait3A_68 = tpu.memref_squeeze %dma_wait3A : memref<1x9600xf32, #tpu.memory_space<hbm>> -> memref<9600xf32, #tpu.memory_space<hbm>>
        %dma_wait3A_69 = tpu.memref_slice %arg2[%add3A, %mul3A_58] : memref<32x336000xf32, #tpu.memory_space<hbm>> -> memref<1x9600xf32, #tpu.memory_space<hbm>>
        %dma_wait3A_70 = tpu.memref_squeeze %dma_wait3A_69 : memref<1x9600xf32, #tpu.memory_space<hbm>> -> memref<9600xf32, #tpu.memory_space<hbm>>
        tpu.wait_dma2 semaphore(%run_scoped3A : memref<!tpu.dma_semaphore, #tpu.memory_space<semaphore_mem>>) src(%dma_wait3A_70 : memref<9600xf32, #tpu.memory_space<hbm>>) dst(%arg7 : memref<9600xf32, #tpu.memory_space<vmem>>)
        tpu.yield
      }) : () -> ()
      %scan3A_59 = arith.constant 0 : i32
      %scan3A_60 = arith.constant 75 : i32
      %scan3A_61 = arith.addi %scan3A_59, %scan3A_60 : i32
      %scan3A_62 = arith.constant 1 : i32
      %scan3A_63:2 = scf.for %scan3A_65 = %scan3A_59 to %scan3A_61 step %scan3A_62 iter_args(%scan3A_66 = %scan3A_55, %scan3A_67 = %scan3A_56) -> (i32, vector<16xi32>)  : i32 {
        %mul3A_68 = arith.constant 8 : i32
        %mul3A_69 = arith.muli %scan3A_65, %mul3A_68 : i32
        %add3A_70 = arith.constant 0 : i32
        %add3A_71 = arith.addi %mul3A_69, %add3A_70 : i32
        %mul3A_72 = arith.constant 16 : i32
        %mul3A_73 = arith.muli %add3A_71, %mul3A_72 : i32
        %get3A_74 = arith.index_cast %mul3A_73 : i32 to index
        %get3A_75 = tpu.vector_load %arg7[%get3A_74] {strides = array<i32>} : memref<9600xf32, #tpu.memory_space<vmem>>, vector<16xf32>,
        %mul3A_76 = arith.constant 8 : i32
        %mul3A_77 = arith.muli %scan3A_65, %mul3A_76 : i32
        %add3A_78 = arith.constant 1 : i32
        %add3A_79 = arith.addi %mul3A_77, %add3A_78 : i32
        %mul3A_80 = arith.constant 16 : i32
        %mul3A_81 = arith.muli %add3A_79, %mul3A_80 : i32
        %get3A_82 = arith.index_cast %mul3A_81 : i32 to index
        %get3A_83 = tpu.vector_load %arg7[%get3A_82] {strides = array<i32>} : memref<9600xf32, #tpu.memory_space<vmem>>, vector<16xf32>,
        %mul3A_84 = arith.constant 8 : i32
        %mul3A_85 = arith.muli %scan3A_65, %mul3A_84 : i32
        %add3A_86 = arith.constant 2 : i32
        %add3A_87 = arith.addi %mul3A_85, %add3A_86 : i32
        %mul3A_88 = arith.constant 16 : i32
        %mul3A_89 = arith.muli %add3A_87, %mul3A_88 : i32
        %get3A_90 = arith.index_cast %mul3A_89 : i32 to index
        %get3A_91 = tpu.vector_load %arg7[%get3A_90] {strides = array<i32>} : memref<9600xf32, #tpu.memory_space<vmem>>, vector<16xf32>,
        %mul3A_92 = arith.constant 8 : i32
        %mul3A_93 = arith.muli %scan3A_65, %mul3A_92 : i32
        %add3A_94 = arith.constant 3 : i32
        %add3A_95 = arith.addi %mul3A_93, %add3A_94 : i32
        %mul3A_96 = arith.constant 16 : i32
        %mul3A_97 = arith.muli %add3A_95, %mul3A_96 : i32
        %get3A_98 = arith.index_cast %mul3A_97 : i32 to index
        %get3A_99 = tpu.vector_load %arg7[%get3A_98] {strides = array<i32>} : memref<9600xf32, #tpu.memory_space<vmem>>, vector<16xf32>,
        %mul3A_100 = arith.constant 8 : i32
        %mul3A_101 = arith.muli %scan3A_65, %mul3A_100 : i32
        %add3A_102 = arith.constant 4 : i32
        %add3A_103 = arith.addi %mul3A_101, %add3A_102 : i32
        %mul3A_104 = arith.constant 16 : i32
        %mul3A_105 = arith.muli %add3A_103, %mul3A_104 : i32
        %get3A_106 = arith.index_cast %mul3A_105 : i32 to index
        %get3A_107 = tpu.vector_load %arg7[%get3A_106] {strides = array<i32>} : memref<9600xf32, #tpu.memory_space<vmem>>, vector<16xf32>,
        %mul3A_108 = arith.constant 8 : i32
        %mul3A_109 = arith.muli %scan3A_65, %mul3A_108 : i32
        %add3A_110 = arith.constant 5 : i32
        %add3A_111 = arith.addi %mul3A_109, %add3A_110 : i32
        %mul3A_112 = arith.constant 16 : i32
        %mul3A_113 = arith.muli %add3A_111, %mul3A_112 : i32
        %get3A_114 = arith.index_cast %mul3A_113 : i32 to index
        %get3A_115 = tpu.vector_load %arg7[%get3A_114] {strides = array<i32>} : memref<9600xf32, #tpu.memory_space<vmem>>, vector<16xf32>,
        %mul3A_116 = arith.constant 8 : i32
        %mul3A_117 = arith.muli %scan3A_65, %mul3A_116 : i32
        %add3A_118 = arith.constant 6 : i32
        %add3A_119 = arith.addi %mul3A_117, %add3A_118 : i32
        %mul3A_120 = arith.constant 16 : i32
        %mul3A_121 = arith.muli %add3A_119, %mul3A_120 : i32
        %get3A_122 = arith.index_cast %mul3A_121 : i32 to index
        %get3A_123 = tpu.vector_load %arg7[%get3A_122] {strides = array<i32>} : memref<9600xf32, #tpu.memory_space<vmem>>, vector<16xf32>,
        %mul3A_124 = arith.constant 8 : i32
        %mul3A_125 = arith.muli %scan3A_65, %mul3A_124 : i32
        %add3A_126 = arith.constant 7 : i32
        %add3A_127 = arith.addi %mul3A_125, %add3A_126 : i32
        %mul3A_128 = arith.constant 16 : i32
        %mul3A_129 = arith.muli %add3A_127, %mul3A_128 : i32
        %get3A_130 = arith.index_cast %mul3A_129 : i32 to index
        %get3A_131 = tpu.vector_load %arg7[%get3A_130] {strides = array<i32>} : memref<9600xf32, #tpu.memory_space<vmem>>, vector<16xf32>,
        %ge3A = arith.cmpf oge, %get3A_75, %get3A_13 : vector<16xf32>
        %ge3A_132 = arith.cmpf oge, %get3A_83, %get3A_13 : vector<16xf32>
        %ge3A_133 = arith.cmpf oge, %get3A_91, %get3A_13 : vector<16xf32>
        %ge3A_134 = arith.cmpf oge, %get3A_99, %get3A_13 : vector<16xf32>
        %ge3A_135 = arith.cmpf oge, %get3A_107, %get3A_13 : vector<16xf32>
        %ge3A_136 = arith.cmpf oge, %get3A_115, %get3A_13 : vector<16xf32>
        %ge3A_137 = arith.cmpf oge, %get3A_123, %get3A_13 : vector<16xf32>
        %ge3A_138 = arith.cmpf oge, %get3A_131, %get3A_13 : vector<16xf32>
        %reduce_or3A = arith.constant 1.000000e+00 : f32
        %reduce_or3A_139 = arith.constant 0.000000e+00 : f32
        %reduce_or3A_140 = vector.broadcast %reduce_or3A : f32 to vector<16xf32>
        %reduce_or3A_141 = vector.broadcast %reduce_or3A_139 : f32 to vector<16xf32>
        %reduce_or3A_142 = arith.select %ge3A, %reduce_or3A_140, %reduce_or3A_141 : vector<16xi1>, vector<16xf32>
        %reduce_or3A_143 = arith.constant true
        %reduce_or3A_144 = vector.broadcast %reduce_or3A_143 : i1 to vector<16xi1>
        %reduce_or3A_145 = tpu.scan <max>, %reduce_or3A_142 masked %reduce_or3A_144 : vector<16xf32>, vector<16xi1> -> vector<16xf32>
        %reduce_or3A_146 = vector.extract %reduce_or3A_145[15] : f32 from vector<16xf32>
        %reduce_or3A_147 = arith.constant 0.000000e+00 : f32
        %reduce_or3A_148 = arith.cmpf ogt, %reduce_or3A_146, %reduce_or3A_147 : f32
        %reduce_or3A_149 = arith.constant 1.000000e+00 : f32
        %reduce_or3A_150 = arith.constant 0.000000e+00 : f32
        %reduce_or3A_151 = vector.broadcast %reduce_or3A_149 : f32 to vector<16xf32>
        %reduce_or3A_152 = vector.broadcast %reduce_or3A_150 : f32 to vector<16xf32>
        %reduce_or3A_153 = arith.select %ge3A_132, %reduce_or3A_151, %reduce_or3A_152 : vector<16xi1>, vector<16xf32>
        %reduce_or3A_154 = arith.constant true
        %reduce_or3A_155 = vector.broadcast %reduce_or3A_154 : i1 to vector<16xi1>
        %reduce_or3A_156 = tpu.scan <max>, %reduce_or3A_153 masked %reduce_or3A_155 : vector<16xf32>, vector<16xi1> -> vector<16xf32>
        %reduce_or3A_157 = vector.extract %reduce_or3A_156[15] : f32 from vector<16xf32>
        %reduce_or3A_158 = arith.constant 0.000000e+00 : f32
        %reduce_or3A_159 = arith.cmpf ogt, %reduce_or3A_157, %reduce_or3A_158 : f32
        %reduce_or3A_160 = arith.constant 1.000000e+00 : f32
        %reduce_or3A_161 = arith.constant 0.000000e+00 : f32
        %reduce_or3A_162 = vector.broadcast %reduce_or3A_160 : f32 to vector<16xf32>
        %reduce_or3A_163 = vector.broadcast %reduce_or3A_161 : f32 to vector<16xf32>
        %reduce_or3A_164 = arith.select %ge3A_133, %reduce_or3A_162, %reduce_or3A_163 : vector<16xi1>, vector<16xf32>
        %reduce_or3A_165 = arith.constant true
        %reduce_or3A_166 = vector.broadcast %reduce_or3A_165 : i1 to vector<16xi1>
        %reduce_or3A_167 = tpu.scan <max>, %reduce_or3A_164 masked %reduce_or3A_166 : vector<16xf32>, vector<16xi1> -> vector<16xf32>
        %reduce_or3A_168 = vector.extract %reduce_or3A_167[15] : f32 from vector<16xf32>
        %reduce_or3A_169 = arith.constant 0.000000e+00 : f32
        %reduce_or3A_170 = arith.cmpf ogt, %reduce_or3A_168, %reduce_or3A_169 : f32
        %reduce_or3A_171 = arith.constant 1.000000e+00 : f32
        %reduce_or3A_172 = arith.constant 0.000000e+00 : f32
        %reduce_or3A_173 = vector.broadcast %reduce_or3A_171 : f32 to vector<16xf32>
        %reduce_or3A_174 = vector.broadcast %reduce_or3A_172 : f32 to vector<16xf32>
        %reduce_or3A_175 = arith.select %ge3A_134, %reduce_or3A_173, %reduce_or3A_174 : vector<16xi1>, vector<16xf32>
        %reduce_or3A_176 = arith.constant true
        %reduce_or3A_177 = vector.broadcast %reduce_or3A_176 : i1 to vector<16xi1>
        %reduce_or3A_178 = tpu.scan <max>, %reduce_or3A_175 masked %reduce_or3A_177 : vector<16xf32>, vector<16xi1> -> vector<16xf32>
        %reduce_or3A_179 = vector.extract %reduce_or3A_178[15] : f32 from vector<16xf32>
        %reduce_or3A_180 = arith.constant 0.000000e+00 : f32
        %reduce_or3A_181 = arith.cmpf ogt, %reduce_or3A_179, %reduce_or3A_180 : f32
        %reduce_or3A_182 = arith.constant 1.000000e+00 : f32
        %reduce_or3A_183 = arith.constant 0.000000e+00 : f32
        %reduce_or3A_184 = vector.broadcast %reduce_or3A_182 : f32 to vector<16xf32>
        %reduce_or3A_185 = vector.broadcast %reduce_or3A_183 : f32 to vector<16xf32>
        %reduce_or3A_186 = arith.select %ge3A_135, %reduce_or3A_184, %reduce_or3A_185 : vector<16xi1>, vector<16xf32>
        %reduce_or3A_187 = arith.constant true
        %reduce_or3A_188 = vector.broadcast %reduce_or3A_187 : i1 to vector<16xi1>
        %reduce_or3A_189 = tpu.scan <max>, %reduce_or3A_186 masked %reduce_or3A_188 : vector<16xf32>, vector<16xi1> -> vector<16xf32>
        %reduce_or3A_190 = vector.extract %reduce_or3A_189[15] : f32 from vector<16xf32>
        %reduce_or3A_191 = arith.constant 0.000000e+00 : f32
        %reduce_or3A_192 = arith.cmpf ogt, %reduce_or3A_190, %reduce_or3A_191 : f32
        %reduce_or3A_193 = arith.constant 1.000000e+00 : f32
        %reduce_or3A_194 = arith.constant 0.000000e+00 : f32
        %reduce_or3A_195 = vector.broadcast %reduce_or3A_193 : f32 to vector<16xf32>
        %reduce_or3A_196 = vector.broadcast %reduce_or3A_194 : f32 to vector<16xf32>
        %reduce_or3A_197 = arith.select %ge3A_136, %reduce_or3A_195, %reduce_or3A_196 : vector<16xi1>, vector<16xf32>
        %reduce_or3A_198 = arith.constant true
        %reduce_or3A_199 = vector.broadcast %reduce_or3A_198 : i1 to vector<16xi1>
        %reduce_or3A_200 = tpu.scan <max>, %reduce_or3A_197 masked %reduce_or3A_199 : vector<16xf32>, vector<16xi1> -> vector<16xf32>
        %reduce_or3A_201 = vector.extract %reduce_or3A_200[15] : f32 from vector<16xf32>
        %reduce_or3A_202 = arith.constant 0.000000e+00 : f32
        %reduce_or3A_203 = arith.cmpf ogt, %reduce_or3A_201, %reduce_or3A_202 : f32
        %reduce_or3A_204 = arith.constant 1.000000e+00 : f32
        %reduce_or3A_205 = arith.constant 0.000000e+00 : f32
        %reduce_or3A_206 = vector.broadcast %reduce_or3A_204 : f32 to vector<16xf32>
        %reduce_or3A_207 = vector.broadcast %reduce_or3A_205 : f32 to vector<16xf32>
        %reduce_or3A_208 = arith.select %ge3A_137, %reduce_or3A_206, %reduce_or3A_207 : vector<16xi1>, vector<16xf32>
        %reduce_or3A_209 = arith.constant true
        %reduce_or3A_210 = vector.broadcast %reduce_or3A_209 : i1 to vector<16xi1>
        %reduce_or3A_211 = tpu.scan <max>, %reduce_or3A_208 masked %reduce_or3A_210 : vector<16xf32>, vector<16xi1> -> vector<16xf32>
        %reduce_or3A_212 = vector.extract %reduce_or3A_211[15] : f32 from vector<16xf32>
        %reduce_or3A_213 = arith.constant 0.000000e+00 : f32
        %reduce_or3A_214 = arith.cmpf ogt, %reduce_or3A_212, %reduce_or3A_213 : f32
        %reduce_or3A_215 = arith.constant 1.000000e+00 : f32
        %reduce_or3A_216 = arith.constant 0.000000e+00 : f32
        %reduce_or3A_217 = vector.broadcast %reduce_or3A_215 : f32 to vector<16xf32>
        %reduce_or3A_218 = vector.broadcast %reduce_or3A_216 : f32 to vector<16xf32>
        %reduce_or3A_219 = arith.select %ge3A_138, %reduce_or3A_217, %reduce_or3A_218 : vector<16xi1>, vector<16xf32>
        %reduce_or3A_220 = arith.constant true
        %reduce_or3A_221 = vector.broadcast %reduce_or3A_220 : i1 to vector<16xi1>
        %reduce_or3A_222 = tpu.scan <max>, %reduce_or3A_219 masked %reduce_or3A_221 : vector<16xf32>, vector<16xi1> -> vector<16xf32>
        %reduce_or3A_223 = vector.extract %reduce_or3A_222[15] : f32 from vector<16xf32>
        %reduce_or3A_224 = arith.constant 0.000000e+00 : f32
        %reduce_or3A_225 = arith.cmpf ogt, %reduce_or3A_223, %reduce_or3A_224 : f32
        %add3A_226 = vector.broadcast %scan3A_66 : i32 to vector<16xi32>
        %add3A_227 = arith.addi %add3A_226, %iota3A : vector<16xi32>
        %lt3A_228 = arith.constant 8192 : i32
        %lt3A_229 = vector.broadcast %lt3A_228 : i32 to vector<16xi32>
        %lt3A_230 = arith.cmpi slt, %add3A_227, %lt3A_229 : vector<16xi32>
        %and3A_231 = arith.andi %ge3A, %lt3A_230 : vector<16xi1>
        %min3A = arith.constant 8191 : i32
        %min3A_232 = vector.broadcast %min3A : i32 to vector<16xi32>
        %min3A_233 = arith.minsi %add3A_227, %min3A_232 : vector<16xi32>
        tpu.vector_store_idx %arg8[%min3A_233], %get3A_75 masked %and3A_231 : memref<8192xf32, #tpu.memory_space<vmem>>[vector<16xi32>], vector<16xf32>, vector<16xi1>
        tpu.vector_store_idx %arg9[%min3A_233], %scan3A_67 masked %and3A_231 : memref<8192xi32, #tpu.memory_space<vmem>>[vector<16xi32>], vector<16xi32>, vector<16xi1>
        %jit3A_234 = arith.constant 16 : i32
        %jit3A_235 = arith.constant 0 : i32
        %select_n3A_236 = arith.select %reduce_or3A_148, %jit3A_234, %jit3A_235 : i32
        %add3A_237 = arith.addi %scan3A_66, %select_n3A_236 : i32
        %add3A_238 = arith.constant 16 : i32
        %add3A_239 = vector.broadcast %add3A_238 : i32 to vector<16xi32>
        %add3A_240 = arith.addi %scan3A_67, %add3A_239 : vector<16xi32>
        %add3A_241 = vector.broadcast %add3A_237 : i32 to vector<16xi32>
        %add3A_242 = arith.addi %add3A_241, %iota3A : vector<16xi32>
        %lt3A_243 = arith.constant 8192 : i32
        %lt3A_244 = vector.broadcast %lt3A_243 : i32 to vector<16xi32>
        %lt3A_245 = arith.cmpi slt, %add3A_242, %lt3A_244 : vector<16xi32>
        %and3A_246 = arith.andi %ge3A_132, %lt3A_245 : vector<16xi1>
        %min3A_247 = arith.constant 8191 : i32
        %min3A_248 = vector.broadcast %min3A_247 : i32 to vector<16xi32>
        %min3A_249 = arith.minsi %add3A_242, %min3A_248 : vector<16xi32>
        tpu.vector_store_idx %arg8[%min3A_249], %get3A_83 masked %and3A_246 : memref<8192xf32, #tpu.memory_space<vmem>>[vector<16xi32>], vector<16xf32>, vector<16xi1>
        tpu.vector_store_idx %arg9[%min3A_249], %add3A_240 masked %and3A_246 : memref<8192xi32, #tpu.memory_space<vmem>>[vector<16xi32>], vector<16xi32>, vector<16xi1>
        %jit3A_250 = arith.constant 16 : i32
        %jit3A_251 = arith.constant 0 : i32
        %select_n3A_252 = arith.select %reduce_or3A_159, %jit3A_250, %jit3A_251 : i32
        %add3A_253 = arith.addi %add3A_237, %select_n3A_252 : i32
        %add3A_254 = arith.constant 16 : i32
        %add3A_255 = vector.broadcast %add3A_254 : i32 to vector<16xi32>
        %add3A_256 = arith.addi %add3A_240, %add3A_255 : vector<16xi32>
        %add3A_257 = vector.broadcast %add3A_253 : i32 to vector<16xi32>
        %add3A_258 = arith.addi %add3A_257, %iota3A : vector<16xi32>
        %lt3A_259 = arith.constant 8192 : i32
        %lt3A_260 = vector.broadcast %lt3A_259 : i32 to vector<16xi32>
        %lt3A_261 = arith.cmpi slt, %add3A_258, %lt3A_260 : vector<16xi32>
        %and3A_262 = arith.andi %ge3A_133, %lt3A_261 : vector<16xi1>
        %min3A_263 = arith.constant 8191 : i32
        %min3A_264 = vector.broadcast %min3A_263 : i32 to vector<16xi32>
        %min3A_265 = arith.minsi %add3A_258, %min3A_264 : vector<16xi32>
        tpu.vector_store_idx %arg8[%min3A_265], %get3A_91 masked %and3A_262 : memref<8192xf32, #tpu.memory_space<vmem>>[vector<16xi32>], vector<16xf32>, vector<16xi1>
        tpu.vector_store_idx %arg9[%min3A_265], %add3A_256 masked %and3A_262 : memref<8192xi32, #tpu.memory_space<vmem>>[vector<16xi32>], vector<16xi32>, vector<16xi1>
        %jit3A_266 = arith.constant 16 : i32
        %jit3A_267 = arith.constant 0 : i32
        %select_n3A_268 = arith.select %reduce_or3A_170, %jit3A_266, %jit3A_267 : i32
        %add3A_269 = arith.addi %add3A_253, %select_n3A_268 : i32
        %add3A_270 = arith.constant 16 : i32
        %add3A_271 = vector.broadcast %add3A_270 : i32 to vector<16xi32>
        %add3A_272 = arith.addi %add3A_256, %add3A_271 : vector<16xi32>
        %add3A_273 = vector.broadcast %add3A_269 : i32 to vector<16xi32>
        %add3A_274 = arith.addi %add3A_273, %iota3A : vector<16xi32>
        %lt3A_275 = arith.constant 8192 : i32
        %lt3A_276 = vector.broadcast %lt3A_275 : i32 to vector<16xi32>
        %lt3A_277 = arith.cmpi slt, %add3A_274, %lt3A_276 : vector<16xi32>
        %and3A_278 = arith.andi %ge3A_134, %lt3A_277 : vector<16xi1>
        %min3A_279 = arith.constant 8191 : i32
        %min3A_280 = vector.broadcast %min3A_279 : i32 to vector<16xi32>
        %min3A_281 = arith.minsi %add3A_274, %min3A_280 : vector<16xi32>
        tpu.vector_store_idx %arg8[%min3A_281], %get3A_99 masked %and3A_278 : memref<8192xf32, #tpu.memory_space<vmem>>[vector<16xi32>], vector<16xf32>, vector<16xi1>
        tpu.vector_store_idx %arg9[%min3A_281], %add3A_272 masked %and3A_278 : memref<8192xi32, #tpu.memory_space<vmem>>[vector<16xi32>], vector<16xi32>, vector<16xi1>
        %jit3A_282 = arith.constant 16 : i32
        %jit3A_283 = arith.constant 0 : i32
        %select_n3A_284 = arith.select %reduce_or3A_181, %jit3A_282, %jit3A_283 : i32
        %add3A_285 = arith.addi %add3A_269, %select_n3A_284 : i32
        %add3A_286 = arith.constant 16 : i32
        %add3A_287 = vector.broadcast %add3A_286 : i32 to vector<16xi32>
        %add3A_288 = arith.addi %add3A_272, %add3A_287 : vector<16xi32>
        %add3A_289 = vector.broadcast %add3A_285 : i32 to vector<16xi32>
        %add3A_290 = arith.addi %add3A_289, %iota3A : vector<16xi32>
        %lt3A_291 = arith.constant 8192 : i32
        %lt3A_292 = vector.broadcast %lt3A_291 : i32 to vector<16xi32>
        %lt3A_293 = arith.cmpi slt, %add3A_290, %lt3A_292 : vector<16xi32>
        %and3A_294 = arith.andi %ge3A_135, %lt3A_293 : vector<16xi1>
        %min3A_295 = arith.constant 8191 : i32
        %min3A_296 = vector.broadcast %min3A_295 : i32 to vector<16xi32>
        %min3A_297 = arith.minsi %add3A_290, %min3A_296 : vector<16xi32>
        tpu.vector_store_idx %arg8[%min3A_297], %get3A_107 masked %and3A_294 : memref<8192xf32, #tpu.memory_space<vmem>>[vector<16xi32>], vector<16xf32>, vector<16xi1>
        tpu.vector_store_idx %arg9[%min3A_297], %add3A_288 masked %and3A_294 : memref<8192xi32, #tpu.memory_space<vmem>>[vector<16xi32>], vector<16xi32>, vector<16xi1>
        %jit3A_298 = arith.constant 16 : i32
        %jit3A_299 = arith.constant 0 : i32
        %select_n3A_300 = arith.select %reduce_or3A_192, %jit3A_298, %jit3A_299 : i32
        %add3A_301 = arith.addi %add3A_285, %select_n3A_300 : i32
        %add3A_302 = arith.constant 16 : i32
        %add3A_303 = vector.broadcast %add3A_302 : i32 to vector<16xi32>
        %add3A_304 = arith.addi %add3A_288, %add3A_303 : vector<16xi32>
        %add3A_305 = vector.broadcast %add3A_301 : i32 to vector<16xi32>
        %add3A_306 = arith.addi %add3A_305, %iota3A : vector<16xi32>
        %lt3A_307 = arith.constant 8192 : i32
        %lt3A_308 = vector.broadcast %lt3A_307 : i32 to vector<16xi32>
        %lt3A_309 = arith.cmpi slt, %add3A_306, %lt3A_308 : vector<16xi32>
        %and3A_310 = arith.andi %ge3A_136, %lt3A_309 : vector<16xi1>
        %min3A_311 = arith.constant 8191 : i32
        %min3A_312 = vector.broadcast %min3A_311 : i32 to vector<16xi32>
        %min3A_313 = arith.minsi %add3A_306, %min3A_312 : vector<16xi32>
        tpu.vector_store_idx %arg8[%min3A_313], %get3A_115 masked %and3A_310 : memref<8192xf32, #tpu.memory_space<vmem>>[vector<16xi32>], vector<16xf32>, vector<16xi1>
        tpu.vector_store_idx %arg9[%min3A_313], %add3A_304 masked %and3A_310 : memref<8192xi32, #tpu.memory_space<vmem>>[vector<16xi32>], vector<16xi32>, vector<16xi1>
        %jit3A_314 = arith.constant 16 : i32
        %jit3A_315 = arith.constant 0 : i32
        %select_n3A_316 = arith.select %reduce_or3A_203, %jit3A_314, %jit3A_315 : i32
        %add3A_317 = arith.addi %add3A_301, %select_n3A_316 : i32
        %add3A_318 = arith.constant 16 : i32
        %add3A_319 = vector.broadcast %add3A_318 : i32 to vector<16xi32>
        %add3A_320 = arith.addi %add3A_304, %add3A_319 : vector<16xi32>
        %add3A_321 = vector.broadcast %add3A_317 : i32 to vector<16xi32>
        %add3A_322 = arith.addi %add3A_321, %iota3A : vector<16xi32>
        %lt3A_323 = arith.constant 8192 : i32
        %lt3A_324 = vector.broadcast %lt3A_323 : i32 to vector<16xi32>
        %lt3A_325 = arith.cmpi slt, %add3A_322, %lt3A_324 : vector<16xi32>
        %and3A_326 = arith.andi %ge3A_137, %lt3A_325 : vector<16xi1>
        %min3A_327 = arith.constant 8191 : i32
        %min3A_328 = vector.broadcast %min3A_327 : i32 to vector<16xi32>
        %min3A_329 = arith.minsi %add3A_322, %min3A_328 : vector<16xi32>
        tpu.vector_store_idx %arg8[%min3A_329], %get3A_123 masked %and3A_326 : memref<8192xf32, #tpu.memory_space<vmem>>[vector<16xi32>], vector<16xf32>, vector<16xi1>
        tpu.vector_store_idx %arg9[%min3A_329], %add3A_320 masked %and3A_326 : memref<8192xi32, #tpu.memory_space<vmem>>[vector<16xi32>], vector<16xi32>, vector<16xi1>
        %jit3A_330 = arith.constant 16 : i32
        %jit3A_331 = arith.constant 0 : i32
        %select_n3A_332 = arith.select %reduce_or3A_214, %jit3A_330, %jit3A_331 : i32
        %add3A_333 = arith.addi %add3A_317, %select_n3A_332 : i32
        %add3A_334 = arith.constant 16 : i32
        %add3A_335 = vector.broadcast %add3A_334 : i32 to vector<16xi32>
        %add3A_336 = arith.addi %add3A_320, %add3A_335 : vector<16xi32>
        %add3A_337 = vector.broadcast %add3A_333 : i32 to vector<16xi32>
        %add3A_338 = arith.addi %add3A_337, %iota3A : vector<16xi32>
        %lt3A_339 = arith.constant 8192 : i32
        %lt3A_340 = vector.broadcast %lt3A_339 : i32 to vector<16xi32>
        %lt3A_341 = arith.cmpi slt, %add3A_338, %lt3A_340 : vector<16xi32>
        %and3A_342 = arith.andi %ge3A_138, %lt3A_341 : vector<16xi1>
        %min3A_343 = arith.constant 8191 : i32
        %min3A_344 = vector.broadcast %min3A_343 : i32 to vector<16xi32>
        %min3A_345 = arith.minsi %add3A_338, %min3A_344 : vector<16xi32>
        tpu.vector_store_idx %arg8[%min3A_345], %get3A_131 masked %and3A_342 : memref<8192xf32, #tpu.memory_space<vmem>>[vector<16xi32>], vector<16xf32>, vector<16xi1>
        tpu.vector_store_idx %arg9[%min3A_345], %add3A_336 masked %and3A_342 : memref<8192xi32, #tpu.memory_space<vmem>>[vector<16xi32>], vector<16xi32>, vector<16xi1>
        %jit3A_346 = arith.constant 16 : i32
        %jit3A_347 = arith.constant 0 : i32
        %select_n3A_348 = arith.select %reduce_or3A_225, %jit3A_346, %jit3A_347 : i32
        %add3A_349 = arith.addi %add3A_333, %select_n3A_348 : i32
        %add3A_350 = arith.constant 16 : i32
        %add3A_351 = vector.broadcast %add3A_350 : i32 to vector<16xi32>
        %add3A_352 = arith.addi %add3A_336, %add3A_351 : vector<16xi32>
        scf.yield %add3A_349, %add3A_352 : i32, vector<16xi32>
      }
      %scan3A_64 = arith.constant 75 : i32
      scf.yield %scan3A_63#0, %scan3A_63#1 : i32, vector<16xi32>
    }
    %scan3A_35 = arith.constant 35 : i32
    %scan3A_36 = arith.constant 0 : i32
    %scan3A_37 = arith.constant 0 : i32
    %scan3A_38 = arith.constant 512 : i32
    %scan3A_39 = arith.addi %scan3A_37, %scan3A_38 : i32
    %scan3A_40 = arith.constant 1 : i32
    %scan3A_41 = scf.for %scan3A_54 = %scan3A_37 to %scan3A_39 step %scan3A_40 iter_args(%scan3A_55 = %scan3A_36) -> (i32)  : i32 {
      %mul3A_56 = arith.constant 16 : i32
      %mul3A_57 = arith.muli %scan3A_54, %mul3A_56 : i32
      %get3A_58 = arith.index_cast %mul3A_57 : i32 to index
      %get3A_59 = tpu.vector_load %arg8[%get3A_58] {strides = array<i32>} : memref<8192xf32, #tpu.memory_space<vmem>>, vector<16xf32>,
      %mul3A_60 = arith.constant 16 : i32
      %mul3A_61 = arith.muli %scan3A_54, %mul3A_60 : i32
      %get3A_62 = arith.index_cast %mul3A_61 : i32 to index
      %get3A_63 = tpu.vector_load %arg9[%get3A_62] {strides = array<i32>} : memref<8192xi32, #tpu.memory_space<vmem>>, vector<16xi32>,
      %ge3A = arith.cmpf oge, %get3A_59, %get3A_13 : vector<16xf32>
      %convert_element_type3A = arith.extui %ge3A : vector<16xi1> to vector<16xi32>
      %cumsum3A = arith.constant true
      %cumsum3A_64 = vector.broadcast %cumsum3A : i1 to vector<16xi1>
      %cumsum3A_65 = tpu.scan <sum>, %convert_element_type3A masked %cumsum3A_64 : vector<16xi32>, vector<16xi1> -> vector<16xi32>
      %reduce_sum3A = arith.constant true
      %reduce_sum3A_66 = vector.broadcast %reduce_sum3A : i1 to vector<16xi1>
      %reduce_sum3A_67 = tpu.scan <sum>, %convert_element_type3A masked %reduce_sum3A_66 : vector<16xi32>, vector<16xi1> -> vector<16xi32>
      %reduce_sum3A_68 = vector.extract %reduce_sum3A_67[15] : i32 from vector<16xi32>
      %add3A_69 = vector.broadcast %scan3A_55 : i32 to vector<16xi32>
      %add3A_70 = arith.addi %add3A_69, %cumsum3A_65 : vector<16xi32>
      %sub3A = arith.constant 1 : i32
      %sub3A_71 = vector.broadcast %sub3A : i32 to vector<16xi32>
      %sub3A_72 = arith.subi %add3A_70, %sub3A_71 : vector<16xi32>
      %lt3A_73 = arith.constant 2048 : i32
      %lt3A_74 = vector.broadcast %lt3A_73 : i32 to vector<16xi32>
      %lt3A_75 = arith.cmpi slt, %sub3A_72, %lt3A_74 : vector<16xi32>
      %and3A_76 = arith.andi %ge3A, %lt3A_75 : vector<16xi1>
      %jit3A_77 = arith.constant 0 : i32
      %jit3A_78 = arith.constant 2047 : i32
      %max3A = vector.broadcast %jit3A_77 : i32 to vector<16xi32>
      %max3A_79 = arith.maxsi %max3A, %sub3A_72 : vector<16xi32>
      %min3A = vector.broadcast %jit3A_78 : i32 to vector<16xi32>
      %min3A_80 = arith.minsi %min3A, %max3A_79 : vector<16xi32>
      tpu.vector_store_idx %arg10[%min3A_80], %get3A_59 masked %and3A_76 : memref<2048xf32, #tpu.memory_space<vmem>>[vector<16xi32>], vector<16xf32>, vector<16xi1>
      tpu.vector_store_idx %arg11[%min3A_80], %get3A_63 masked %and3A_76 : memref<2048xi32, #tpu.memory_space<vmem>>[vector<16xi32>], vector<16xi32>, vector<16xi1>
      %add3A_81 = arith.addi %scan3A_55, %reduce_sum3A_68 : i32
      scf.yield %add3A_81 : i32
    }
    %scan3A_42 = arith.constant 512 : i32
    "tpu.region"() ({
      %run_scoped3A = tpu.sem_alloc : memref<!tpu.dma_semaphore, #tpu.memory_space<semaphore_mem>>
      %dma_start3A = arith.constant 0 : i32
      %dma_start3A_54 = tpu.memref_slice %arg4[%add3A, %dma_start3A] : memref<32x2048xf32, #tpu.memory_space<hbm>> -> memref<1x2048xf32, #tpu.memory_space<hbm>>
      %dma_start3A_55 = tpu.memref_squeeze %dma_start3A_54 : memref<1x2048xf32, #tpu.memory_space<hbm>> -> memref<2048xf32, #tpu.memory_space<hbm>>
      %dma_start3A_56 = arith.constant 0 : i32
      %dma_start3A_57 = tpu.memref_slice %arg4[%add3A, %dma_start3A_56] : memref<32x2048xf32, #tpu.memory_space<hbm>> -> memref<1x2048xf32, #tpu.memory_space<hbm>>
      %dma_start3A_58 = tpu.memref_squeeze %dma_start3A_57 : memref<1x2048xf32, #tpu.memory_space<hbm>> -> memref<2048xf32, #tpu.memory_space<hbm>>
      tpu.enqueue_dma source(%arg10 : memref<2048xf32, #tpu.memory_space<vmem>>) target(%dma_start3A_58 : memref<2048xf32, #tpu.memory_space<hbm>>) target_semaphore(%run_scoped3A : memref<!tpu.dma_semaphore, #tpu.memory_space<semaphore_mem>>)
      %dma_wait3A = arith.constant 0 : i32
      %dma_wait3A_59 = tpu.memref_slice %arg4[%add3A, %dma_wait3A] : memref<32x2048xf32, #tpu.memory_space<hbm>> -> memref<1x2048xf32, #tpu.memory_space<hbm>>
      %dma_wait3A_60 = tpu.memref_squeeze %dma_wait3A_59 : memref<1x2048xf32, #tpu.memory_space<hbm>> -> memref<2048xf32, #tpu.memory_space<hbm>>
      %dma_wait3A_61 = arith.constant 0 : i32
      %dma_wait3A_62 = tpu.memref_slice %arg4[%add3A, %dma_wait3A_61] : memref<32x2048xf32, #tpu.memory_space<hbm>> -> memref<1x2048xf32, #tpu.memory_space<hbm>>
      %dma_wait3A_63 = tpu.memref_squeeze %dma_wait3A_62 : memref<1x2048xf32, #tpu.memory_space<hbm>> -> memref<2048xf32, #tpu.memory_space<hbm>>
      tpu.wait_dma2 semaphore(%run_scoped3A : memref<!tpu.dma_semaphore, #tpu.memory_space<semaphore_mem>>) src(%arg10 : memref<2048xf32, #tpu.memory_space<vmem>>) dst(%dma_wait3A_63 : memref<2048xf32, #tpu.memory_space<hbm>>)
      tpu.yield
    }) : () -> ()
    "tpu.region"() ({
      %run_scoped3A = tpu.sem_alloc : memref<!tpu.dma_semaphore, #tpu.memory_space<semaphore_mem>>
      %dma_start3A = arith.constant 0 : i32
      %dma_start3A_54 = tpu.memref_slice %arg5[%add3A, %dma_start3A] : memref<32x2048xi32, #tpu.memory_space<hbm>> -> memref<1x2048xi32, #tpu.memory_space<hbm>>
      %dma_start3A_55 = tpu.memref_squeeze %dma_start3A_54 : memref<1x2048xi32, #tpu.memory_space<hbm>> -> memref<2048xi32, #tpu.memory_space<hbm>>
      %dma_start3A_56 = arith.constant 0 : i32
      %dma_start3A_57 = tpu.memref_slice %arg5[%add3A, %dma_start3A_56] : memref<32x2048xi32, #tpu.memory_space<hbm>> -> memref<1x2048xi32, #tpu.memory_space<hbm>>
      %dma_start3A_58 = tpu.memref_squeeze %dma_start3A_57 : memref<1x2048xi32, #tpu.memory_space<hbm>> -> memref<2048xi32, #tpu.memory_space<hbm>>
      tpu.enqueue_dma source(%arg11 : memref<2048xi32, #tpu.memory_space<vmem>>) target(%dma_start3A_58 : memref<2048xi32, #tpu.memory_space<hbm>>) target_semaphore(%run_scoped3A : memref<!tpu.dma_semaphore, #tpu.memory_space<semaphore_mem>>)
      %dma_wait3A = arith.constant 0 : i32
      %dma_wait3A_59 = tpu.memref_slice %arg5[%add3A, %dma_wait3A] : memref<32x2048xi32, #tpu.memory_space<hbm>> -> memref<1x2048xi32, #tpu.memory_space<hbm>>
      %dma_wait3A_60 = tpu.memref_squeeze %dma_wait3A_59 : memref<1x2048xi32, #tpu.memory_space<hbm>> -> memref<2048xi32, #tpu.memory_space<hbm>>
      %dma_wait3A_61 = arith.constant 0 : i32
      %dma_wait3A_62 = tpu.memref_slice %arg5[%add3A, %dma_wait3A_61] : memref<32x2048xi32, #tpu.memory_space<hbm>> -> memref<1x2048xi32, #tpu.memory_space<hbm>>
      %dma_wait3A_63 = tpu.memref_squeeze %dma_wait3A_62 : memref<1x2048xi32, #tpu.memory_space<hbm>> -> memref<2048xi32, #tpu.memory_space<hbm>>
      tpu.wait_dma2 semaphore(%run_scoped3A : memref<!tpu.dma_semaphore, #tpu.memory_space<semaphore_mem>>) src(%arg11 : memref<2048xi32, #tpu.memory_space<vmem>>) dst(%dma_wait3A_63 : memref<2048xi32, #tpu.memory_space<hbm>>)
      tpu.yield
    }) : () -> ()
    %add3A_43 = vector.broadcast %scan3A_34#0 : i32 to vector<16xi32>
    %add3A_44 = arith.addi %broadcast_in_dim3A_12, %add3A_43 : vector<16xi32>
    %swap3A = arith.constant 0 : i32
    %swap3A_45 = arith.index_cast %swap3A : i32 to index
    %swap3A_46 = arith.constant 0 : index
    %swap3A_47 = tpu.vector_load %arg13[%swap3A_45, %swap3A_46] {strides = array<i32>} : memref<2x16xi32, #tpu.memory_space<vmem>>, vector<16xi32>,
    tpu.vector_store %arg13[%swap3A_45, %swap3A_46], %add3A_44 {strides = array<i32>} : memref<2x16xi32, #tpu.memory_space<vmem>>, vector<16xi32>,
    %add3A_48 = vector.broadcast %scan3A_41 : i32 to vector<16xi32>
    %add3A_49 = arith.addi %broadcast_in_dim3A_12, %add3A_48 : vector<16xi32>
    %swap3A_50 = arith.constant 1 : i32
    %swap3A_51 = arith.index_cast %swap3A_50 : i32 to index
    %swap3A_52 = arith.constant 0 : index
    %swap3A_53 = tpu.vector_load %arg13[%swap3A_51, %swap3A_52] {strides = array<i32>} : memref<2x16xi32, #tpu.memory_space<vmem>>, vector<16xi32>,
    tpu.vector_store %arg13[%swap3A_51, %swap3A_52], %add3A_49 {strides = array<i32>} : memref<2x16xi32, #tpu.memory_space<vmem>>, vector<16xi32>,
    "tpu.region"() ({
      %run_scoped3A = tpu.sem_alloc : memref<!tpu.dma_semaphore, #tpu.memory_space<semaphore_mem>>
      %dma_start3A = arith.constant 0 : i32
      %dma_start3A_54 = arith.constant 0 : i32
      %dma_start3A_55 = tpu.memref_slice %arg6[%add3A, %dma_start3A, %dma_start3A_54] : memref<32x2x16xi32, #tpu.memory_space<hbm>> -> memref<1x2x16xi32, #tpu.memory_space<hbm>>
      %dma_start3A_56 = tpu.memref_squeeze %dma_start3A_55 : memref<1x2x16xi32, #tpu.memory_space<hbm>> -> memref<2x16xi32, #tpu.memory_space<hbm>>
      %dma_start3A_57 = arith.constant 0 : i32
      %dma_start3A_58 = arith.constant 0 : i32
      %dma_start3A_59 = tpu.memref_slice %arg6[%add3A, %dma_start3A_57, %dma_start3A_58] : memref<32x2x16xi32, #tpu.memory_space<hbm>> -> memref<1x2x16xi32, #tpu.memory_space<hbm>>
      %dma_start3A_60 = tpu.memref_squeeze %dma_start3A_59 : memref<1x2x16xi32, #tpu.memory_space<hbm>> -> memref<2x16xi32, #tpu.memory_space<hbm>>
      tpu.enqueue_dma source(%arg13 : memref<2x16xi32, #tpu.memory_space<vmem>>) target(%dma_start3A_60 : memref<2x16xi32, #tpu.memory_space<hbm>>) target_semaphore(%run_scoped3A : memref<!tpu.dma_semaphore, #tpu.memory_space<semaphore_mem>>)
      %dma_wait3A = arith.constant 0 : i32
      %dma_wait3A_61 = arith.constant 0 : i32
      %dma_wait3A_62 = tpu.memref_slice %arg6[%add3A, %dma_wait3A, %dma_wait3A_61] : memref<32x2x16xi32, #tpu.memory_space<hbm>> -> memref<1x2x16xi32, #tpu.memory_space<hbm>>
      %dma_wait3A_63 = tpu.memref_squeeze %dma_wait3A_62 : memref<1x2x16xi32, #tpu.memory_space<hbm>> -> memref<2x16xi32, #tpu.memory_space<hbm>>
      %dma_wait3A_64 = arith.constant 0 : i32
      %dma_wait3A_65 = arith.constant 0 : i32
      %dma_wait3A_66 = tpu.memref_slice %arg6[%add3A, %dma_wait3A_64, %dma_wait3A_65] : memref<32x2x16xi32, #tpu.memory_space<hbm>> -> memref<1x2x16xi32, #tpu.memory_space<hbm>>
      %dma_wait3A_67 = tpu.memref_squeeze %dma_wait3A_66 : memref<1x2x16xi32, #tpu.memory_space<hbm>> -> memref<2x16xi32, #tpu.memory_space<hbm>>
      tpu.wait_dma2 semaphore(%run_scoped3A : memref<!tpu.dma_semaphore, #tpu.memory_space<semaphore_mem>>) src(%arg13 : memref<2x16xi32, #tpu.memory_space<vmem>>) dst(%dma_wait3A_67 : memref<2x16xi32, #tpu.memory_space<hbm>>)
      tpu.yield
    }) : () -> ()
    return
  }
}

module attributes {stable_mosaic.version = 14 : i64} {
  func.func @_score_body(%arg0: i32, %arg1: i32, %arg2: memref<1x2400x80xf32, #tpu.memory_space<vmem>>, %arg3: memref<1x2400x1xf32, #tpu.memory_space<vmem>>, %arg4: memref<1x2400x80xf32, #tpu.memory_space<vmem>>, %arg5: memref<1x2400x1xf32, #tpu.memory_space<vmem>>) attributes {dimension_semantics = [#tpu.dimension_semantics<arbitrary>, #tpu.dimension_semantics<arbitrary>], iteration_bounds = array<i64: 8, 7>, scalar_prefetch = 0 : i64, scratch_operands = 0 : i64, tpu.core_type = #tpu.core_type<tc>, window_params = [{transform_indices = @transform_0, window_bounds = array<i64: 1, 2400, 80>}, {transform_indices = @transform_1, window_bounds = array<i64: 1, 2400, 1>}, {transform_indices = @transform_2, window_bounds = array<i64: 1, 2400, 80>}, {transform_indices = @transform_3, window_bounds = array<i64: 1, 2400, 1>}]} {
    %get3A = arith.constant 0 : index
    %get3A_0 = arith.constant 0 : index
    %get3A_1 = arith.constant 0 : index
    %get3A_2 = vector.load %arg2[%get3A, %get3A_0, %get3A_1] : memref<1x2400x80xf32, #tpu.memory_space<vmem>>, vector<1x2400x80xf32>
    %get3A_3 = vector.shape_cast %get3A_2 : vector<1x2400x80xf32> to vector<2400x80xf32>
    %get3A_4 = arith.constant 0 : index
    %get3A_5 = arith.constant 0 : index
    %get3A_6 = arith.constant 0 : index
    %get3A_7 = vector.load %arg3[%get3A_4, %get3A_5, %get3A_6] : memref<1x2400x1xf32, #tpu.memory_space<vmem>>, vector<1x2400x1xf32>
    %get3A_8 = vector.shape_cast %get3A_7 : vector<1x2400x1xf32> to vector<2400x1xf32>
    %logistic3A = arith.negf %get3A_3 : vector<2400x80xf32>
    %logistic3A_9 = math.exp %logistic3A : vector<2400x80xf32>
    %logistic3A_10 = arith.constant 1.000000e+00 : f32
    %logistic3A_11 = vector.broadcast %logistic3A_10 : f32 to vector<2400x80xf32>
    %logistic3A_12 = arith.addf %logistic3A_11, %logistic3A_9 : vector<2400x80xf32>
    %logistic3A_13 = arith.divf %logistic3A_11, %logistic3A_12 : vector<2400x80xf32>
    %logistic3A_14 = arith.negf %get3A_8 : vector<2400x1xf32>
    %logistic3A_15 = math.exp %logistic3A_14 : vector<2400x1xf32>
    %logistic3A_16 = arith.constant 1.000000e+00 : f32
    %logistic3A_17 = vector.broadcast %logistic3A_16 : f32 to vector<2400x1xf32>
    %logistic3A_18 = arith.addf %logistic3A_17, %logistic3A_15 : vector<2400x1xf32>
    %logistic3A_19 = arith.divf %logistic3A_17, %logistic3A_18 : vector<2400x1xf32>
    %gt3A = arith.constant 5.000000e-02 : f32
    %gt3A_20 = vector.broadcast %gt3A : f32 to vector<2400x80xf32>
    %gt3A_21 = arith.cmpf ogt, %logistic3A_13, %gt3A_20 : vector<2400x80xf32>
    %mul3A = vector.broadcast %logistic3A_19 : vector<2400x1xf32> to vector<2400x80xf32>
    %mul3A_22 = arith.mulf %logistic3A_13, %mul3A : vector<2400x80xf32>
    %jit3A = arith.constant 0.000000e+00 : f32
    %broadcast_in_dim3A = vector.broadcast %jit3A : f32 to vector<2400x80xf32>
    %select_n3A = arith.select %gt3A_21, %mul3A_22, %broadcast_in_dim3A : vector<2400x80xi1>, vector<2400x80xf32>
    %swap3A = arith.constant 0 : index
    %swap3A_23 = arith.constant 0 : index
    %swap3A_24 = arith.constant 0 : index
    %swap3A_25 = vector.load %arg4[%swap3A, %swap3A_23, %swap3A_24] : memref<1x2400x80xf32, #tpu.memory_space<vmem>>, vector<1x2400x80xf32>
    %swap3A_26 = vector.shape_cast %swap3A_25 : vector<1x2400x80xf32> to vector<2400x80xf32>
    %swap3A_27 = vector.shape_cast %select_n3A : vector<2400x80xf32> to vector<1x2400x80xf32>
    tpu.vector_store %arg4[%swap3A, %swap3A_23, %swap3A_24], %swap3A_27 {strides = array<i32>} : memref<1x2400x80xf32, #tpu.memory_space<vmem>>, vector<1x2400x80xf32>,
    %reduce_max3A = arith.constant dense<0xFF800000> : vector<2400xf32>
    %reduce_max3A_28 = vector.multi_reduction <maximumf>, %select_n3A, %reduce_max3A [1] : vector<2400x80xf32> to vector<2400xf32>
    %broadcast_in_dim3A_29 = vector.shape_cast %reduce_max3A_28 : vector<2400xf32> to vector<2400x1xf32>
    %swap3A_30 = arith.constant 0 : index
    %swap3A_31 = arith.constant 0 : index
    %swap3A_32 = arith.constant 0 : index
    %swap3A_33 = vector.load %arg5[%swap3A_30, %swap3A_31, %swap3A_32] : memref<1x2400x1xf32, #tpu.memory_space<vmem>>, vector<1x2400x1xf32>
    %swap3A_34 = vector.shape_cast %swap3A_33 : vector<1x2400x1xf32> to vector<2400x1xf32>
    %swap3A_35 = vector.shape_cast %broadcast_in_dim3A_29 : vector<2400x1xf32> to vector<1x2400x1xf32>
    tpu.vector_store %arg5[%swap3A_30, %swap3A_31, %swap3A_32], %swap3A_35 {strides = array<i32>} : memref<1x2400x1xf32, #tpu.memory_space<vmem>>, vector<1x2400x1xf32>,
    return
  }
  func.func @transform_0(%arg0: i32, %arg1: i32) -> (i32, i32, i32) {
    %c0_i32 = arith.constant 0 : i32
    %c0_i32_0 = arith.constant 0 : i32
    return %arg0, %arg1, %c0_i32 : i32, i32, i32
  }
  func.func @transform_1(%arg0: i32, %arg1: i32) -> (i32, i32, i32) {
    %c0_i32 = arith.constant 0 : i32
    %c0_i32_0 = arith.constant 0 : i32
    return %arg0, %arg1, %c0_i32 : i32, i32, i32
  }
  func.func @transform_2(%arg0: i32, %arg1: i32) -> (i32, i32, i32) {
    %c0_i32 = arith.constant 0 : i32
    %c0_i32_0 = arith.constant 0 : i32
    return %arg0, %arg1, %c0_i32 : i32, i32, i32
  }
  func.func @transform_3(%arg0: i32, %arg1: i32) -> (i32, i32, i32) {
    %c0_i32 = arith.constant 0 : i32
    %c0_i32_0 = arith.constant 0 : i32
    return %arg0, %arg1, %c0_i32 : i32, i32, i32
  }
}

module attributes {stable_mosaic.version = 14 : i64} {
  func.func @_nms_body(%arg0: i32, %arg1: memref<1x1024x8xf32, #tpu.memory_space<vmem>>, %arg2: memref<1x8x1024xf32, #tpu.memory_space<vmem>>, %arg3: memref<1x8x128xf32, #tpu.memory_space<vmem>>) attributes {dimension_semantics = [#tpu.dimension_semantics<arbitrary>], iteration_bounds = array<i64: 8>, scalar_prefetch = 0 : i64, scratch_operands = 0 : i64, tpu.core_type = #tpu.core_type<tc>, window_params = [{transform_indices = @transform_0, window_bounds = array<i64: 1, 1024, 8>}, {transform_indices = @transform_1, window_bounds = array<i64: 1, 8, 1024>}, {transform_indices = @transform_2, window_bounds = array<i64: 1, 8, 128>}]} {
    %get3A = arith.constant 0 : index
    %get3A_0 = arith.constant 0 : index
    %get3A_1 = arith.constant 0 : index
    %get3A_2 = vector.load %arg1[%get3A, %get3A_0, %get3A_1] : memref<1x1024x8xf32, #tpu.memory_space<vmem>>, vector<1x1024x8xf32>
    %get3A_3 = vector.shape_cast %get3A_2 : vector<1x1024x8xf32> to vector<1024x8xf32>
    %get3A_4 = arith.constant 0 : index
    %get3A_5 = arith.constant 0 : index
    %get3A_6 = arith.constant 0 : index
    %get3A_7 = vector.load %arg2[%get3A_4, %get3A_5, %get3A_6] : memref<1x8x1024xf32, #tpu.memory_space<vmem>>, vector<1x8x1024xf32>
    %get3A_8 = vector.shape_cast %get3A_7 : vector<1x8x1024xf32> to vector<8x1024xf32>
    %slice3A = vector.extract_strided_slice %get3A_3 {offsets = [0, 0], sizes = [1024, 1], strides = [1, 1]} : vector<1024x8xf32> to vector<1024x1xf32>
    %slice3A_9 = vector.extract_strided_slice %get3A_3 {offsets = [0, 1], sizes = [1024, 1], strides = [1, 1]} : vector<1024x8xf32> to vector<1024x1xf32>
    %slice3A_10 = vector.extract_strided_slice %get3A_3 {offsets = [0, 2], sizes = [1024, 1], strides = [1, 1]} : vector<1024x8xf32> to vector<1024x1xf32>
    %slice3A_11 = vector.extract_strided_slice %get3A_3 {offsets = [0, 3], sizes = [1024, 1], strides = [1, 1]} : vector<1024x8xf32> to vector<1024x1xf32>
    %slice3A_12 = vector.extract_strided_slice %get3A_3 {offsets = [0, 4], sizes = [1024, 1], strides = [1, 1]} : vector<1024x8xf32> to vector<1024x1xf32>
    %slice3A_13 = vector.extract_strided_slice %get3A_3 {offsets = [0, 5], sizes = [1024, 1], strides = [1, 1]} : vector<1024x8xf32> to vector<1024x1xf32>
    %slice3A_14 = vector.extract_strided_slice %get3A_8 {offsets = [0, 0], sizes = [1, 1024], strides = [1, 1]} : vector<8x1024xf32> to vector<1x1024xf32>
    %slice3A_15 = vector.extract_strided_slice %get3A_8 {offsets = [1, 0], sizes = [1, 1024], strides = [1, 1]} : vector<8x1024xf32> to vector<1x1024xf32>
    %slice3A_16 = vector.extract_strided_slice %get3A_8 {offsets = [2, 0], sizes = [1, 1024], strides = [1, 1]} : vector<8x1024xf32> to vector<1x1024xf32>
    %slice3A_17 = vector.extract_strided_slice %get3A_8 {offsets = [3, 0], sizes = [1, 1024], strides = [1, 1]} : vector<8x1024xf32> to vector<1x1024xf32>
    %slice3A_18 = vector.extract_strided_slice %get3A_8 {offsets = [4, 0], sizes = [1, 1024], strides = [1, 1]} : vector<8x1024xf32> to vector<1x1024xf32>
    %slice3A_19 = vector.extract_strided_slice %get3A_8 {offsets = [5, 0], sizes = [1, 1024], strides = [1, 1]} : vector<8x1024xf32> to vector<1x1024xf32>
    %slice3A_20 = vector.extract_strided_slice %get3A_8 {offsets = [6, 0], sizes = [1, 1024], strides = [1, 1]} : vector<8x1024xf32> to vector<1x1024xf32>
    %mul3A = arith.constant 4.096000e+03 : f32
    %mul3A_21 = vector.broadcast %mul3A : f32 to vector<1024x1xf32>
    %mul3A_22 = arith.mulf %slice3A_12, %mul3A_21 : vector<1024x1xf32>
    %mul3A_23 = arith.constant 4.096000e+03 : f32
    %mul3A_24 = vector.broadcast %mul3A_23 : f32 to vector<1x1024xf32>
    %mul3A_25 = arith.mulf %slice3A_18, %mul3A_24 : vector<1x1024xf32>
    %add3A = arith.addf %slice3A, %mul3A_22 : vector<1024x1xf32>
    %add3A_26 = arith.addf %slice3A_9, %mul3A_22 : vector<1024x1xf32>
    %add3A_27 = arith.addf %slice3A_10, %mul3A_22 : vector<1024x1xf32>
    %add3A_28 = arith.addf %slice3A_11, %mul3A_22 : vector<1024x1xf32>
    %add3A_29 = arith.addf %slice3A_14, %mul3A_25 : vector<1x1024xf32>
    %add3A_30 = arith.addf %slice3A_15, %mul3A_25 : vector<1x1024xf32>
    %add3A_31 = arith.addf %slice3A_16, %mul3A_25 : vector<1x1024xf32>
    %add3A_32 = arith.addf %slice3A_17, %mul3A_25 : vector<1x1024xf32>
    %sub3A = arith.subf %add3A_27, %add3A : vector<1024x1xf32>
    %jit3A = arith.constant 0.000000e+00 : f32
    %max3A = vector.broadcast %jit3A : f32 to vector<1024x1xf32>
    %max3A_33 = arith.maximumf %max3A, %sub3A : vector<1024x1xf32>
    %sub3A_34 = arith.subf %add3A_28, %add3A_26 : vector<1024x1xf32>
    %jit3A_35 = arith.constant 0.000000e+00 : f32
    %max3A_36 = vector.broadcast %jit3A_35 : f32 to vector<1024x1xf32>
    %max3A_37 = arith.maximumf %max3A_36, %sub3A_34 : vector<1024x1xf32>
    %mul3A_38 = arith.mulf %max3A_33, %max3A_37 : vector<1024x1xf32>
    %sub3A_39 = arith.subf %add3A_31, %add3A_29 : vector<1x1024xf32>
    %jit3A_40 = arith.constant 0.000000e+00 : f32
    %max3A_41 = vector.broadcast %jit3A_40 : f32 to vector<1x1024xf32>
    %max3A_42 = arith.maximumf %max3A_41, %sub3A_39 : vector<1x1024xf32>
    %sub3A_43 = arith.subf %add3A_32, %add3A_30 : vector<1x1024xf32>
    %jit3A_44 = arith.constant 0.000000e+00 : f32
    %max3A_45 = vector.broadcast %jit3A_44 : f32 to vector<1x1024xf32>
    %max3A_46 = arith.maximumf %max3A_45, %sub3A_43 : vector<1x1024xf32>
    %mul3A_47 = arith.mulf %max3A_42, %max3A_46 : vector<1x1024xf32>
    %max3A_48 = vector.broadcast %add3A : vector<1024x1xf32> to vector<1024x1024xf32>
    %max3A_49 = vector.broadcast %add3A_29 : vector<1x1024xf32> to vector<1024x1024xf32>
    %max3A_50 = arith.maximumf %max3A_48, %max3A_49 : vector<1024x1024xf32>
    %max3A_51 = vector.broadcast %add3A_26 : vector<1024x1xf32> to vector<1024x1024xf32>
    %max3A_52 = vector.broadcast %add3A_30 : vector<1x1024xf32> to vector<1024x1024xf32>
    %max3A_53 = arith.maximumf %max3A_51, %max3A_52 : vector<1024x1024xf32>
    %min3A = vector.broadcast %add3A_27 : vector<1024x1xf32> to vector<1024x1024xf32>
    %min3A_54 = vector.broadcast %add3A_31 : vector<1x1024xf32> to vector<1024x1024xf32>
    %min3A_55 = arith.minimumf %min3A, %min3A_54 : vector<1024x1024xf32>
    %min3A_56 = vector.broadcast %add3A_28 : vector<1024x1xf32> to vector<1024x1024xf32>
    %min3A_57 = vector.broadcast %add3A_32 : vector<1x1024xf32> to vector<1024x1024xf32>
    %min3A_58 = arith.minimumf %min3A_56, %min3A_57 : vector<1024x1024xf32>
    %sub3A_59 = arith.subf %min3A_55, %max3A_50 : vector<1024x1024xf32>
    %jit3A_60 = arith.constant 0.000000e+00 : f32
    %max3A_61 = vector.broadcast %jit3A_60 : f32 to vector<1024x1024xf32>
    %max3A_62 = arith.maximumf %max3A_61, %sub3A_59 : vector<1024x1024xf32>
    %sub3A_63 = arith.subf %min3A_58, %max3A_53 : vector<1024x1024xf32>
    %jit3A_64 = arith.constant 0.000000e+00 : f32
    %max3A_65 = vector.broadcast %jit3A_64 : f32 to vector<1024x1024xf32>
    %max3A_66 = arith.maximumf %max3A_65, %sub3A_63 : vector<1024x1024xf32>
    %mul3A_67 = arith.mulf %max3A_62, %max3A_66 : vector<1024x1024xf32>
    %add3A_68 = vector.broadcast %mul3A_38 : vector<1024x1xf32> to vector<1024x1024xf32>
    %add3A_69 = vector.broadcast %mul3A_47 : vector<1x1024xf32> to vector<1024x1024xf32>
    %add3A_70 = arith.addf %add3A_68, %add3A_69 : vector<1024x1024xf32>
    %sub3A_71 = arith.subf %add3A_70, %mul3A_67 : vector<1024x1024xf32>
    %max3A_72 = arith.constant 9.99999971E-10 : f32
    %max3A_73 = vector.broadcast %max3A_72 : f32 to vector<1024x1024xf32>
    %max3A_74 = arith.maximumf %sub3A_71, %max3A_73 : vector<1024x1024xf32>
    %div3A = arith.divf %mul3A_67, %max3A_74 : vector<1024x1024xf32>
    %iota3A = tpu.iota {dimensions = array<i32: 0>} : vector<1024x1024xi32>
    %iota3A_75 = tpu.iota {dimensions = array<i32: 1>} : vector<1024x1024xi32>
    %gt3A = arith.constant 6.000000e-01 : f32
    %gt3A_76 = vector.broadcast %gt3A : f32 to vector<1024x1024xf32>
    %gt3A_77 = arith.cmpf ogt, %div3A, %gt3A_76 : vector<1024x1024xf32>
    %lt3A = arith.cmpi slt, %iota3A_75, %iota3A : vector<1024x1024xi32>
    %and3A = arith.andi %gt3A_77, %lt3A : vector<1024x1024xi1>
    %jit3A_78 = arith.constant 1.000000e+00 : f32
    %jit3A_79 = arith.constant 0.000000e+00 : f32
    %broadcast_in_dim3A = vector.broadcast %jit3A_78 : f32 to vector<1024x1024xf32>
    %broadcast_in_dim3A_80 = vector.broadcast %jit3A_79 : f32 to vector<1024x1024xf32>
    %select_n3A = arith.select %and3A, %broadcast_in_dim3A, %broadcast_in_dim3A_80 : vector<1024x1024xi1>, vector<1024x1024xf32>
    %lt3A_81 = arith.cmpi slt, %iota3A, %iota3A_75 : vector<1024x1024xi32>
    %and3A_82 = arith.andi %gt3A_77, %lt3A_81 : vector<1024x1024xi1>
    %jit3A_83 = arith.constant 1.000000e+00 : f32
    %jit3A_84 = arith.constant 0.000000e+00 : f32
    %broadcast_in_dim3A_85 = vector.broadcast %jit3A_83 : f32 to vector<1024x1024xf32>
    %broadcast_in_dim3A_86 = vector.broadcast %jit3A_84 : f32 to vector<1024x1024xf32>
    %select_n3A_87 = arith.select %and3A_82, %broadcast_in_dim3A_85, %broadcast_in_dim3A_86 : vector<1024x1024xi1>, vector<1024x1024xf32>
    %gt3A_88 = arith.constant 5.000000e-01 : f32
    %gt3A_89 = vector.broadcast %gt3A_88 : f32 to vector<1x1024xf32>
    %gt3A_90 = arith.cmpf ogt, %slice3A_19, %gt3A_89 : vector<1x1024xf32>
    %jit3A_91 = arith.constant 1.000000e+00 : f32
    %jit3A_92 = arith.constant 0.000000e+00 : f32
    %broadcast_in_dim3A_93 = vector.broadcast %jit3A_91 : f32 to vector<1x1024xf32>
    %broadcast_in_dim3A_94 = vector.broadcast %jit3A_92 : f32 to vector<1x1024xf32>
    %select_n3A_95 = arith.select %gt3A_90, %broadcast_in_dim3A_93, %broadcast_in_dim3A_94 : vector<1x1024xi1>, vector<1x1024xf32>
    %gt3A_96 = arith.constant 5.000000e-01 : f32
    %gt3A_97 = vector.broadcast %gt3A_96 : f32 to vector<1024x1xf32>
    %gt3A_98 = arith.cmpf ogt, %slice3A_13, %gt3A_97 : vector<1024x1xf32>
    %jit3A_99 = arith.constant 1.000000e+00 : f32
    %jit3A_100 = arith.constant 0.000000e+00 : f32
    %broadcast_in_dim3A_101 = vector.broadcast %jit3A_99 : f32 to vector<1024x1xf32>
    %broadcast_in_dim3A_102 = vector.broadcast %jit3A_100 : f32 to vector<1024x1xf32>
    %select_n3A_103 = arith.select %gt3A_98, %broadcast_in_dim3A_101, %broadcast_in_dim3A_102 : vector<1024x1xi1>, vector<1024x1xf32>
    %while3A = arith.constant true
    %while3A_104:3 = scf.while (%while3A_159 = %select_n3A_95, %while3A_160 = %select_n3A_103, %while3A_161 = %while3A) : (vector<1x1024xf32>, vector<1024x1xf32>, i1) -> (vector<1x1024xf32>, vector<1024x1xf32>, i1) {
      scf.condition(%while3A_161) %while3A_159, %while3A_160, %while3A_161 : vector<1x1024xf32>, vector<1024x1xf32>, i1
    } do {
    ^bb0(%while3A_159: vector<1x1024xf32>, %while3A_160: vector<1024x1xf32>, %while3A_161: i1):
      %dot_general3A_162 = arith.constant dense<0.000000e+00> : vector<1x1024xf32>
      %dot_general3A_163 = tpu.matmul %while3A_159, %select_n3A_87, %dot_general3A_162 {dimension_numbers = #tpu.dot_dimension_numbers<[1], [0], [0], [1], [0, 0, 1, 1], [], []>, transpose_lhs_hint = false} : vector<1x1024xf32>, vector<1024x1024xf32>, vector<1x1024xf32> -> vector<1x1024xf32>
      %dot_general3A_164 = arith.constant dense<0.000000e+00> : vector<1024x1xf32>
      %dot_general3A_165 = tpu.matmul %select_n3A, %while3A_160, %dot_general3A_164 {dimension_numbers = #tpu.dot_dimension_numbers<[1], [0], [0], [1], [0, 0, 1, 1], [], []>, transpose_lhs_hint = false} : vector<1024x1024xf32>, vector<1024x1xf32>, vector<1024x1xf32> -> vector<1024x1xf32>
      %gt3A_166 = arith.constant 5.000000e-01 : f32
      %gt3A_167 = vector.broadcast %gt3A_166 : f32 to vector<1x1024xf32>
      %gt3A_168 = arith.cmpf ogt, %slice3A_19, %gt3A_167 : vector<1x1024xf32>
      %lt3A_169 = arith.constant 5.000000e-01 : f32
      %lt3A_170 = vector.broadcast %lt3A_169 : f32 to vector<1x1024xf32>
      %lt3A_171 = arith.cmpf olt, %dot_general3A_163, %lt3A_170 : vector<1x1024xf32>
      %and3A_172 = arith.andi %gt3A_168, %lt3A_171 : vector<1x1024xi1>
      %jit3A_173 = arith.constant 1.000000e+00 : f32
      %jit3A_174 = arith.constant 0.000000e+00 : f32
      %broadcast_in_dim3A_175 = vector.broadcast %jit3A_173 : f32 to vector<1x1024xf32>
      %broadcast_in_dim3A_176 = vector.broadcast %jit3A_174 : f32 to vector<1x1024xf32>
      %select_n3A_177 = arith.select %and3A_172, %broadcast_in_dim3A_175, %broadcast_in_dim3A_176 : vector<1x1024xi1>, vector<1x1024xf32>
      %gt3A_178 = arith.constant 5.000000e-01 : f32
      %gt3A_179 = vector.broadcast %gt3A_178 : f32 to vector<1024x1xf32>
      %gt3A_180 = arith.cmpf ogt, %slice3A_13, %gt3A_179 : vector<1024x1xf32>
      %lt3A_181 = arith.constant 5.000000e-01 : f32
      %lt3A_182 = vector.broadcast %lt3A_181 : f32 to vector<1024x1xf32>
      %lt3A_183 = arith.cmpf olt, %dot_general3A_165, %lt3A_182 : vector<1024x1xf32>
      %and3A_184 = arith.andi %gt3A_180, %lt3A_183 : vector<1024x1xi1>
      %jit3A_185 = arith.constant 1.000000e+00 : f32
      %jit3A_186 = arith.constant 0.000000e+00 : f32
      %broadcast_in_dim3A_187 = vector.broadcast %jit3A_185 : f32 to vector<1024x1xf32>
      %broadcast_in_dim3A_188 = vector.broadcast %jit3A_186 : f32 to vector<1024x1xf32>
      %select_n3A_189 = arith.select %and3A_184, %broadcast_in_dim3A_187, %broadcast_in_dim3A_188 : vector<1024x1xi1>, vector<1024x1xf32>
      %ne3A = arith.cmpf one, %select_n3A_177, %while3A_159 : vector<1x1024xf32>
      %reduce_or3A = arith.constant 1.000000e+00 : f32
      %reduce_or3A_190 = arith.constant 0.000000e+00 : f32
      %reduce_or3A_191 = vector.broadcast %reduce_or3A : f32 to vector<1x1024xf32>
      %reduce_or3A_192 = vector.broadcast %reduce_or3A_190 : f32 to vector<1x1024xf32>
      %reduce_or3A_193 = arith.select %ne3A, %reduce_or3A_191, %reduce_or3A_192 : vector<1x1024xi1>, vector<1x1024xf32>
      %reduce_or3A_194 = vector.shape_cast %reduce_or3A_193 : vector<1x1024xf32> to vector<1x1x1024xf32>
      %reduce_or3A_195 = arith.constant dense<0xFF800000> : vector<1xf32>
      %reduce_or3A_196 = vector.multi_reduction <maximumf>, %reduce_or3A_194, %reduce_or3A_195 [1, 2] : vector<1x1x1024xf32> to vector<1xf32>
      %reduce_or3A_197 = vector.shape_cast %reduce_or3A_196 : vector<1xf32> to vector<1x1x1xf32>
      %reduce_or3A_198 = vector.extract %reduce_or3A_197[0, 0, 0] : f32 from vector<1x1x1xf32>
      %reduce_or3A_199 = arith.constant 0.000000e+00 : f32
      %reduce_or3A_200 = arith.cmpf ogt, %reduce_or3A_198, %reduce_or3A_199 : f32
      scf.yield %select_n3A_177, %select_n3A_189, %reduce_or3A_200 : vector<1x1024xf32>, vector<1024x1xf32>, i1
    }
    %le3A = arith.cmpi sle, %iota3A_75, %iota3A : vector<1024x1024xi32>
    %jit3A_105 = arith.constant 1.000000e+00 : f32
    %jit3A_106 = arith.constant 0.000000e+00 : f32
    %broadcast_in_dim3A_107 = vector.broadcast %jit3A_105 : f32 to vector<1024x1024xf32>
    %broadcast_in_dim3A_108 = vector.broadcast %jit3A_106 : f32 to vector<1024x1024xf32>
    %select_n3A_109 = arith.select %le3A, %broadcast_in_dim3A_107, %broadcast_in_dim3A_108 : vector<1024x1024xi1>, vector<1024x1024xf32>
    %dot_general3A = arith.constant dense<0.000000e+00> : vector<1024x1xf32>
    %dot_general3A_110 = tpu.matmul %select_n3A_109, %while3A_104#1, %dot_general3A {dimension_numbers = #tpu.dot_dimension_numbers<[1], [0], [0], [1], [0, 0, 1, 1], [], []>, transpose_lhs_hint = false} : vector<1024x1024xf32>, vector<1024x1xf32>, vector<1024x1xf32> -> vector<1024x1xf32>
    %sub3A_111 = arith.constant 1.000000e+00 : f32
    %sub3A_112 = vector.broadcast %sub3A_111 : f32 to vector<1024x1xf32>
    %sub3A_113 = arith.subf %sub3A_112, %while3A_104#1 : vector<1024x1xf32>
    %dot_general3A_114 = arith.constant dense<0.000000e+00> : vector<1024x1xf32>
    %dot_general3A_115 = tpu.matmul %select_n3A_109, %sub3A_113, %dot_general3A_114 {dimension_numbers = #tpu.dot_dimension_numbers<[1], [0], [0], [1], [0, 0, 1, 1], [], []>, transpose_lhs_hint = false} : vector<1024x1024xf32>, vector<1024x1xf32>, vector<1024x1xf32> -> vector<1024x1xf32>
    %reduce_sum3A = vector.shape_cast %while3A_104#1 : vector<1024x1xf32> to vector<1x1024x1xf32>
    %reduce_sum3A_116 = arith.constant dense<0.000000e+00> : vector<1xf32>
    %reduce_sum3A_117 = vector.multi_reduction <add>, %reduce_sum3A, %reduce_sum3A_116 [1, 2] : vector<1x1024x1xf32> to vector<1xf32>
    %reduce_sum3A_118 = vector.shape_cast %reduce_sum3A_117 : vector<1xf32> to vector<1x1x1xf32>
    %reduce_sum3A_119 = vector.extract %reduce_sum3A_118[0, 0, 0] : f32 from vector<1x1x1xf32>
    %gt3A_120 = arith.constant 5.000000e-01 : f32
    %gt3A_121 = vector.broadcast %gt3A_120 : f32 to vector<1024x1xf32>
    %gt3A_122 = arith.cmpf ogt, %while3A_104#1, %gt3A_121 : vector<1024x1xf32>
    %sub3A_123 = arith.constant 1.000000e+00 : f32
    %sub3A_124 = vector.broadcast %sub3A_123 : f32 to vector<1024x1xf32>
    %sub3A_125 = arith.subf %dot_general3A_110, %sub3A_124 : vector<1024x1xf32>
    %add3A_126 = vector.broadcast %reduce_sum3A_119 : f32 to vector<1024x1xf32>
    %add3A_127 = arith.addf %add3A_126, %dot_general3A_115 : vector<1024x1xf32>
    %sub3A_128 = arith.constant 1.000000e+00 : f32
    %sub3A_129 = vector.broadcast %sub3A_128 : f32 to vector<1024x1xf32>
    %sub3A_130 = arith.subf %add3A_127, %sub3A_129 : vector<1024x1xf32>
    %select_n3A_131 = arith.select %gt3A_122, %sub3A_125, %sub3A_130 : vector<1024x1xi1>, vector<1024x1xf32>
    %convert_element_type3A = arith.fptosi %select_n3A_131 : vector<1024x1xf32> to vector<1024x1xi32>
    %iota3A_132 = tpu.iota {dimensions = array<i32: 1>} : vector<1024x128xi32>
    %eq3A = vector.broadcast %convert_element_type3A : vector<1024x1xi32> to vector<1024x128xi32>
    %eq3A_133 = arith.cmpi eq, %eq3A, %iota3A_132 : vector<1024x128xi32>
    %jit3A_134 = arith.constant 1.000000e+00 : f32
    %jit3A_135 = arith.constant 0.000000e+00 : f32
    %broadcast_in_dim3A_136 = vector.broadcast %jit3A_134 : f32 to vector<1024x128xf32>
    %broadcast_in_dim3A_137 = vector.broadcast %jit3A_135 : f32 to vector<1024x128xf32>
    %select_n3A_138 = arith.select %eq3A_133, %broadcast_in_dim3A_136, %broadcast_in_dim3A_137 : vector<1024x128xi1>, vector<1024x128xf32>
    %mul3A_139 = arith.mulf %slice3A_20, %while3A_104#0 : vector<1x1024xf32>
    %sub3A_140 = arith.constant 1.000000e+00 : f32
    %sub3A_141 = vector.broadcast %sub3A_140 : f32 to vector<1x1024xf32>
    %sub3A_142 = arith.subf %sub3A_141, %while3A_104#0 : vector<1x1024xf32>
    %sub3A_143 = arith.subf %mul3A_139, %sub3A_142 : vector<1x1024xf32>
    %concatenate3A = tpu.concatenate %sub3A_143, %slice3A_14, %slice3A_15, %slice3A_16, %slice3A_17, %slice3A_18 in 0 : vector<1x1024xf32>, vector<1x1024xf32>, vector<1x1024xf32>, vector<1x1024xf32>, vector<1x1024xf32>, vector<1x1024xf32> -> vector<6x1024xf32>
    %dot_general3A_144 = arith.constant dense<0.000000e+00> : vector<6x128xf32>
    %dot_general3A_145 = tpu.matmul %concatenate3A, %select_n3A_138, %dot_general3A_144 {dimension_numbers = #tpu.dot_dimension_numbers<[1], [0], [0], [1], [0, 0, 1, 1], [], []>, transpose_lhs_hint = false} : vector<6x1024xf32>, vector<1024x128xf32>, vector<6x128xf32> -> vector<6x128xf32>
    %swap3A = arith.constant 0 : index
    %swap3A_146 = arith.constant 0 : index
    %swap3A_147 = arith.constant 0 : index
    %swap3A_148 = vector.load %arg3[%swap3A, %swap3A_146, %swap3A_147] : memref<1x8x128xf32, #tpu.memory_space<vmem>>, vector<1x6x128xf32>
    %swap3A_149 = vector.shape_cast %swap3A_148 : vector<1x6x128xf32> to vector<6x128xf32>
    %swap3A_150 = vector.shape_cast %dot_general3A_145 : vector<6x128xf32> to vector<1x6x128xf32>
    tpu.vector_store %arg3[%swap3A, %swap3A_146, %swap3A_147], %swap3A_150 {strides = array<i32>} : memref<1x8x128xf32, #tpu.memory_space<vmem>>, vector<1x6x128xf32>,
    %broadcast_in_dim3A_151 = arith.constant 0.000000e+00 : f32
    %broadcast_in_dim3A_152 = vector.broadcast %broadcast_in_dim3A_151 : f32 to vector<2x128xf32>
    %swap3A_153 = arith.constant 0 : index
    %swap3A_154 = arith.constant 6 : index
    %swap3A_155 = arith.constant 0 : index
    %swap3A_156 = vector.load %arg3[%swap3A_153, %swap3A_154, %swap3A_155] : memref<1x8x128xf32, #tpu.memory_space<vmem>>, vector<1x2x128xf32>
    %swap3A_157 = vector.shape_cast %swap3A_156 : vector<1x2x128xf32> to vector<2x128xf32>
    %swap3A_158 = vector.shape_cast %broadcast_in_dim3A_152 : vector<2x128xf32> to vector<1x2x128xf32>
    tpu.vector_store %arg3[%swap3A_153, %swap3A_154, %swap3A_155], %swap3A_158 {strides = array<i32>} : memref<1x8x128xf32, #tpu.memory_space<vmem>>, vector<1x2x128xf32>,
    return
  }
  func.func @transform_0(%arg0: i32) -> (i32, i32, i32) {
    %c0_i32 = arith.constant 0 : i32
    %c0_i32_0 = arith.constant 0 : i32
    %c0_i32_1 = arith.constant 0 : i32
    return %arg0, %c0_i32, %c0_i32_0 : i32, i32, i32
  }
  func.func @transform_1(%arg0: i32) -> (i32, i32, i32) {
    %c0_i32 = arith.constant 0 : i32
    %c0_i32_0 = arith.constant 0 : i32
    %c0_i32_1 = arith.constant 0 : i32
    return %arg0, %c0_i32, %c0_i32_0 : i32, i32, i32
  }
  func.func @transform_2(%arg0: i32) -> (i32, i32, i32) {
    %c0_i32 = arith.constant 0 : i32
    %c0_i32_0 = arith.constant 0 : i32
    %c0_i32_1 = arith.constant 0 : i32
    return %arg0, %c0_i32, %c0_i32_0 : i32, i32, i32
  }
}

</mosaic_0001>

<sc_bundles>
// kernel: gather_offload_async_start.1
scs
__scs_entry_jumppad:
0x0: {  	(pc) =	sbr.rel $0x88, $3  }
0x1: {  	(tag) =	ssettag $0x0;
	lr =	simm.s32 $0x1  }
0x2: {  	[smem:$0x3F9C] =	sst lr;
	_ =	strace $0xD0000000  }
0x3: {  	_ = 	snop  }
0x4: {  	_ = 	snop  }
0x5: {  	_ = 	snop  }
0x6: {  	_ = 	snop  }
0x7: {  	_ = 	snop  }
__scs_overlays_trampoline_lowered:
0x8: {  	[smem:$0x3FAB] =	sst s0  }
0x9: {  	[smem:$0x3FAC] =	sst s1  }
0xa: {  	[smem:$0x3FAD] =	sst s2  }
0xb: {  	[smem:$0x3FAE] =	sst s3  }
0xc: {  	[smem:$0x3FAF] =	sst s4  }
0xd: {  	[smem:$0x3FB0] =	sst s5  }
0xe: {  	[smem:$0x3FB1] =	sst s6  }
0xf: {  	[smem:$0x3FB2] =	sst s7  }
0x10: {  	[smem:$0x3FB3] =	sst s8  }
0x11: {  	[smem:$0x3FB4] =	sst s9;
	s0 =	simm.s32 @!p0 $0x0  }
0x12: {  	s1 =	sld [smem:$0x3F9A];
	s0 =	simm.s32 @p0 $0x1  }
0x13: {  	[smem:$0x3FB5] =	sst s0;
	s0 =	simm.s32 @!p1 $0x0  }
0x14: {  	s2 =	sld [smem:$0x3F99];
	s0 =	simm.s32 @p1 $0x1  }
0x15: {  	[smem:$0x3FB6] =	sst s0;
	s0 =	simm.s32 @!p2 $0x0  }
0x16: {  	s3 =	sld [smem:$0x3FDB];
	s0 =	simm.s32 @p2 $0x1  }
0x17: {  	s4 =	simm.s32 $0x1BF5;
	[smem:$0x3FB8] =	sst s0  }
0x18: {  	s0 =	sld [smem:$0x3F9B];
	_ =	swait.ge [sflag:s4], $0x0  }
0x19: {  	s7 =	sld [smem:$0x3F9C]  }
0x1a: {  	s8 =	sadd.s32 $0xFFFFE003, lr  }
0x1b: {  	s9 =	sadd.s32 $0xFFFFFEF7, lr;
	s5 =	simm.s32 $0xFFFFFFFF;
	p2 =	slt.u32 s8, $0xFFFFF086  }
0x1c: {  	p1 =	slt.u32 s9, $0xF7A;
	s5 =	simm.s32 @!p2 $0x0  }
0x1d: {  	s5 =	simm.s32 @p1 $0x1;
	p0 =	seq.s32 s7, s2  }
0x1e: {  	s7 =	smul.u32 @!p0 $0xF7A, s2;
	p2 =	seq.s32 @!p0 s5, $0x0  }
0x1f: {  	s9 =	smul.u32 $0xF7A, s1;
	s8 =	simm.s32 @!p0 $0x1BF5;
	p2 =	por !p2, p0  }
0x20: {  	[sflag:s8] =	ssyncset.s32 @!p0 $0xFFFFF086;
	s6 =	sadd.s32 @!p0 s3, s7;
	s7 =	simm.s32 @!p0 $0x108  }
0x21: {  	s3 =	sadd.s32 s3, s9;
	s6 =	sadd.s32 @!p0 $0x88, s6;
	s7 =	simm.s32 @p2 $0x1082  }
0x22: {  	[simem:s7], [sflag:s8] =	dma.local @!p0 [hbm:s6], $0xF7A  }
0x23: {  	s9 =	sor.u32 $0xD0000000, s2;
	s6 =	simm.s32 $0x108;
	_ =	swait.ge @!p0 [sflag:s8], $0x0  }
0x24: {  	s3 =	sadd.s32 $0x88, s3;
	s6 =	simm.s32 @!p1 $0x1082;
	[sflag:s4] =	ssyncset.s32 $0xFFFFF086  }
0x25: {  	[simem:s6], [sflag:s4] =	dma.local [hbm:s3], $0xF7A  }
0x26: {  	[smem:$0x3F9C] =	sst s1;
	(tag) =	ssettag s2;
	_ =	strace s9  }
0x27: {  	s1 =	sld [smem:$0x3FAC]  }
0x28: {  	s2 =	sld [smem:$0x3FAD]  }
0x29: {  	s4 =	sld [smem:$0x3FAF]  }
0x2a: {  	p0 =	seq.s32 s5, $0x0;
	s5 =	sld [smem:$0x3FB0]  }
0x2b: {  	s6 =	sld [smem:$0x3FB1]  }
0x2c: {  	s7 =	sld [smem:$0x3FB2]  }
0x2d: {  	s3 =	simm.s32 $0x108;
	s8 =	sld [smem:$0x3FB3]  }
0x2e: {  	s3 =	simm.s32 @!p0 $0x1082;
	s9 =	sld [smem:$0x3FB4]  }
0x2f: {  	lr =	sadd.s32 s0, s3;
	s0 =	sld [smem:$0x3FAB]  }
0x30: {  	s3 =	sld [smem:$0x3FAE]  }
0x31: {  	[smem:$0x3FB7] =	sst s10  }
0x32: {  	s10 =	sld [smem:$0x3FB5];
	_ =	sdelay $0x3  }
0x33: {  	p0 =	seq.s32 s10, $0x1;
	s10 =	sld [smem:$0x3FB7];
	_ =	sdelay $0x3  }
0x34: {  	[smem:$0x3FB7] =	sst s10  }
0x35: {  	s10 =	sld [smem:$0x3FB6];
	_ =	sdelay $0x3  }
0x36: {  	p1 =	seq.s32 s10, $0x1;
	s10 =	sld [smem:$0x3FB7];
	_ =	sdelay $0x3  }
0x37: {  	[smem:$0x3FB7] =	sst s10  }
0x38: {  	s10 =	sld [smem:$0x3FB8]  }
0x39: {  	_ = 	snop;
	(pc) =	sbr.ind lr, $3  }
0x3a: {  	_ = 	snop  }
0x3b: {  	_ = 	snop  }
0x3c: {  	p2 =	seq.s32 s10, $0x1;
	s10 =	sld [smem:$0x3FB7]  }
0x3d: {  	_ =	shalt  }
0x3e: {  	_ =	shalt  }
0x3f: {  	_ =	shalt  }
0x40: {  	_ =	shalt  }
0x41: {  	_ =	shalt  }
0x42: {  	_ =	shalt  }
0x43: {  	_ =	shalt  }
0x44: {  	_ =	shalt  }
0x45: {  	_ =	shalt  }
0x46: {  	_ =	shalt  }
0x47: {  	_ =	shalt  }
0x48: {  	_ =	shalt  }
0x49: {  	_ =	shalt  }
0x4a: {  	_ =	shalt  }
0x4b: {  	_ =	shalt  }
0x4c: {  	_ =	shalt  }
0x4d: {  	_ =	shalt  }
0x4e: {  	_ =	shalt  }
0x4f: {  	_ =	shalt  }
0x50: {  	_ =	shalt  }
0x51: {  	_ =	shalt  }
0x52: {  	_ =	shalt  }
0x53: {  	_ =	shalt  }
0x54: {  	_ =	shalt  }
0x55: {  	_ =	shalt  }
0x56: {  	_ =	shalt  }
0x57: {  	_ =	shalt  }
0x58: {  	_ =	shalt  }
0x59: {  	_ =	shalt  }
0x5a: {  	_ =	shalt  }
0x5b: {  	_ =	shalt  }
0x5c: {  	_ =	shalt  }
0x5d: {  	_ =	shalt  }
0x5e: {  	_ =	shalt  }
0x5f: {  	_ =	shalt  }
0x60: {  	_ =	shalt  }
0x61: {  	_ =	shalt  }
0x62: {  	_ =	shalt  }
0x63: {  	_ =	shalt  }
0x64: {  	_ =	shalt  }
0x65: {  	_ =	shalt  }
0x66: {  	_ =	shalt  }
0x67: {  	_ =	shalt  }
0x68: {  	_ =	shalt  }
0x69: {  	_ =	shalt  }
0x6a: {  	_ =	shalt  }
0x6b: {  	_ =	shalt  }
0x6c: {  	_ =	shalt  }
0x6d: {  	_ =	shalt  }
0x6e: {  	_ =	shalt  }
0x6f: {  	_ =	shalt  }
0x70: {  	_ =	shalt  }
0x71: {  	_ =	shalt  }
0x72: {  	_ =	shalt  }
0x73: {  	_ =	shalt  }
0x74: {  	_ =	shalt  }
0x75: {  	_ =	shalt  }
0x76: {  	_ =	shalt  }
0x77: {  	_ =	shalt  }
0x78: {  	_ =	shalt  }
0x79: {  	_ =	shalt  }
0x7a: {  	_ =	shalt  }
0x7b: {  	_ =	shalt  }
0x7c: {  	_ =	shalt  }
0x7d: {  	_ =	shalt  }
0x7e: {  	_ =	shalt  }
0x7f: {  	_ =	shalt  }
0x80: {  	_ =	shalt  }
0x81: {  	_ =	shalt  }
0x82: {  	_ =	shalt  }
0x83: {  	_ =	shalt  }
0x84: {  	_ =	shalt  }
0x85: {  	_ =	shalt  }
0x86: {  	_ =	shalt  }
0x87: {  	_ =	shalt  }
.Lfunc_end0:
.L_simem_size_0:
called_computation.3_lowered:
.L_overlay_start_0:
0x88: {  	s2 =	sld [smem:$0x3FD9]  }
0x89: {  	s3 =	sld [smem:$0x3FFE];
	_ =	sdelay $0x1  }
0x8a: {  	s1 =	srdreg.scid  }
0x8b: {  	s0 =	sand.u32 $0x1, s1  }
0x8c: {  	s16 =	sshll.u32 s0, $0xA;
	s2 =	sadd.s32 s3, s2  }
0x8d: {  	s2 =	sadd.s32 s2, s16  }
0x8e: {  	[smem:$0x3FC3] =	sst s2  }
0x8f: {  	_ = 	snop  }
0x90: {  	(tm) =	ssettm $0x1  }
0x91: {  	s17 =	sld [smem:$0x3FFB];
	_ =	sdelay $0x3  }
0x92: {  	_ =	strace s17  }
0x93: {  	s2 =	sld [smem:$0x3FFC];
	_ =	sdelay $0x3  }
0x94: {  	_ =	strace s2  }
0x95: {  	s2 =	sld [smem:$0x3FFD];
	_ =	sdelay $0x3  }
0x96: {  	_ =	strace s2  }
0x97: {  	_ =	strace $0x8FFFFFFF  }
0x98: {  	s18 =	sld [smem:$0x3FDB];
	_ =	sdelay $0x1  }
0x99: {  	s19 =	simm.s32 $_scs_section_size  }
0x9a: {  	s4 =	simm.s32 $_size__tile_overlayer_lowered;
	s5 =	simm.s32 $_tile_overlayer_lowered  }
0x9b: {  	s22 =	simm.s32 $0x1BFF;
	s21 =	sshll.u32 s5, $0x1;
	s2 =	sadd.s32 s19, s18  }
0x9c: {  	s6 =	simm.s32 $0x0;
	s20 =	sshll.u32 s4, $0x1;
	s4 =	sadd.s32 s21, s2  }
0x9d: {  	[timem:s6], [sflag:s22] =	dma.local [hbm:s4], s20  }
0x9e: {  	_ =	swait.ge [sflag:s22], s20  }
0x9f: {  	s3 =	ssub.s32 $0x0, s20;
	[sflag:s22] =	ssyncset.done $0x0  }
0xa0: {  	[sflag:s22] =	ssyncadd.s32 s3;
	_ =	sdelay $0x1  }
0xa1: {  	s23 =	simm.s32 $0x1B8B  }
0xa2: {  	_ =	swait.ge [sflag:s23], $0x1  }
0xa3: {  	[sflag:s23] =	ssyncset.done $0x0  }
0xa4: {  	s25 =	simm.s32 $0x1B8E;
	s24 =	sld [smem:$0x3FFE];
	[sflag:s23] =	ssyncadd.s32 $0xFFFFFFFF  }
0xa5: {  	s26 =	simm.s32 $execute0_lowered;
	[smem:$0x3FD2] =	sst s25  }
0xa6: {  	s4 =	sshll.u32 s26, $0x1;
	_ =	strace $0x80000052;
	[dreg:$0x1] =	wrdreg $0xFFFFFFFF  }
0xa7: {  	s28 =	simm.s32 $_size_execute0_lowered;
	s2 =	sadd.s32 s2, s4;
	[dreg:$0x0] =	wrdreg $0x0  }
0xa8: {  	s4 =	sshll.u32 s28, $0x1;
	[dreg:$0x2] =	wrdreg s2  }
0xa9: {  	[dreg:$0x3] =	wrdreg s4  }
0xaa: {  	[dreg:$0x4] =	wrdreg $0xC0  }
0xab: {  	_ =	task [dreg:s6], $0x5FFFF  }
0xac: {  	[dreg:$0x1] =	wrdreg $0xFFFFFFFF  }
0xad: {  	[dreg:$0x0] =	wrdreg $0x60  }
0xae: {  	[dreg:$0x2] =	wrdreg s24  }
0xaf: {  	[dreg:$0x3] =	wrdreg $0x9  }
0xb0: {  	_ =	task.clear_ibuf [dreg:s6], $0x4FFFF;
	_ =	strace $0x90000052  }
0xb1: {  	s29 =	simm.s32 $0x9;
	_ =	strace $0x80000054  }
0xb2: {  	_ =	swait.ge [sflag:s29], $0x1  }
0xb3: {  	[sflag:s29] =	ssyncadd.s32 $0xFFFFFFFF  }
0xb4: {  	_ =	strace $0x90000054  }
0xb5: {  	_ =	sfence  }
0xb6: {  	s30 =	sld [smem:$0x0];
	_ =	sdelay $0x2  }
0xb7: {  	s31 =	sshll.u32 s1, $0xD;
	s1 =	sshrl.u32 s1, $0x2  }
0xb8: {  	s3 =	sand.u32 $0x4000, s31;
	s1 =	sadd.s32 s1, s30  }
0xb9: {  	s0 =	sor.u32 s3, s0;
	s1 =	sshll.u32 s1, $0x11  }
0xba: {  	s0 =	sor.u32 s1, s0  }
0xbb: {  	s0 =	sadd.s32 $0x8F2B, s0  }
0xbc: {  	[sflag:s0] =	ssyncadd.remote.s32 $0x1  }
0xbd: {  	_ =	sfence.sel $0xFFFF  }
0xbe: {  	[dreg:$0x0] =	wrdreg $0xFFFFFFFF;
	(pc) =	sbr.abs _section_cstart, $3  }
0xbf: {  	[dreg:$0x1] =	wrdreg $0xFFFFFFFF  }
0xc0: {  	_ =	task.clear_ibuf [dreg:s6], $0x2FFFF;
	_ =	strace $0x9FFFFFFF  }
0xc1: {  	(tm) =	ssettm $0x7FFFFFFF  }
tec
execute0_lowered:
.L_overlay_start_1:
0x0: {  	(tag) =	ssettag $0x1  }
0x1: {  	s0 =	srdreg.scid  }
0x2: {  	s1 =	sshll.u32 s0, $0x4  }
0x3: {  	s0 =	stileid.u32;
	s1 =	sand.u32 $0x10, s1  }
0x4: {  	s1 =	sor.u32 s0, s1  }
0x5: {  	s2 =	smin.u32 s1, $0x12  }
0x6: {  	s2 =	sadd.s32 s1, s2  }
0x7: {  	p0 =	slt.u32 s1, $0x12;
	s1 =	simm.s32 $0x140;
	s2 =	smul.u32 $0xA0, s2  }
0x8: {  	s1 =	simm.s32 @!p0 $0xA0  }
0x9: {  	s1 =	sadd.s32 s1, s2  }
0xa: {  	s3 =	smin.u32 s1, $0x1F40  }
0xb: {  	s7 =	ssub.s32 s3, s2  }
0xc: {  	p0 =	sgt.s32 s7, $0x0  }
0xd: {  	s7 =	simm.s32 @!p0 $0x0  }
0xe: {  	s31 =	smul.u32 $0xCCCD, s7  }
0xf: {  	s4 =	rddreg [dreg:$0x0];
	s6 =	simm.s32 $0x1  }
0x10: {  	s10 =	simm.s32 $0x3;
	s13 =	simm.s32 $0x0;
	s8 =	sshrl.u32 s31, $0x17  }
0x11: {  	s12 =	simm.s32 $0x0;
	s5 =	sadd.s32 $0x14C600, s4;
	s9 =	smul.u32 $0xA0, s8  }
.Ltmp0:
0x12: {  	s11 =	smov.u32 s2;
	s1 =	rddreg [dreg:$0x1];
	(pc) =	sbr.rel .LBB2_1-.Ltmp0, $4  }
0x13: {  	_ =	strace $0x80000053;
	p0 =	sne.s32 s7, s9;
	s9 =	simm.s32 $0x1  }
0x14: {  	[sflag:s6] =	ssyncpa.u1 $0x0;
	s7 =	simm.s32 $0x2;
	s9 =	simm.s32 @!p0 $0x0  }
0x15: {  	[sflag:s7] =	ssyncpa.u1 $0x0;
	p0 =	por $0x0, $0x0;
	s8 =	sadd.s32 s8, s9  }
0x16: {  	vm0 =	vmmov $0xff;
	vm1 =	vcmask $0x3F20;
	s9 =	sadd.s32 $0x400, s4;
	[sflag:s10] =	ssyncpa.u1 $0x0;
	s10 =	sadd.s32 $0x1, s8  }
.LBB2_6:
0x17: {  	[hbm:s17] =	stream.linear.scatter [tilespmem:s14], [sflag:$0x3], $0x400, $0x38;
	[tilespmem:$0xA140] =	vst v63  }
.LBB2_7:
0x18: {  	s13 =	sadd.s32 $0xA0, s11  }
0x19: {  	s15 =	smov.u32 s2;
	p2 =	slt.s32 s13, s3  }
0x1a: {  	s15 =	smov.u32 @p2 s13;
	p2 =	sne.s32 s12, s10  }
.Ltmp1:
0x1b: {  	p1 =	slt.u32 s12, $0x2;
	(pc) =	sbr.rel @!p2 .LBB2_8-.Ltmp1, $4  }
0x1c: {  	s14 =	simm.s32 @!p1 $0x3  }
0x1d: {  	s16 =	sadd.s32 $0x1, s12;
	_ =	swait.ge @!p1 [sflag:s14], $0x5000  }
0x1e: {  	p0 =	por !p0, !p0;
	s13 =	smov.u32 s11;
	[sflag:s14] =	ssyncset.done @!p1 $0x0  }
0x1f: {  	s12 =	smov.u32 s16;
	s11 =	smov.u32 s15;
	[sflag:s14] =	ssyncadd.s32 @!p1 $0xFFFFB000  }
.LBB2_1:
0x20: {  	p1 =	sge.u32 s12, s8  }
0x21: {  	s14 =	sxor.u32 @!p1 $0xFFFFFFFF, s12  }
0x22: {  	s14 =	sand.u32 @!p1 $0x1, s14  }
0x23: {  	s14 =	smul.u32 @!p1 $0x280, s14  }
0x24: {  	s31 =	sadd.s32 $0xFFFFFFFF, s12;
	s15 =	sshrl.u32 @!p1 s11, $0x3  }
0x25: {  	s16 =	sand.u32 @!p1 $0x7, s11;
	s15 =	sadd.s32 @!p1 s4, s15;
	s14 =	sshrl.u32 @!p1 s14, $0x2  }
0x26: {  	[tilespmem:s14], [sflag:$0x2] =	stream.linear.gather @!p1 [hbm4b:s15+s16], $0xA0, $0x38;
	[tilespmem:$0xA140] =	vst v63  }
0x27: {  	p1 =	sge.u32 s31, s8  }
.Ltmp2:
0x28: {  	_ = 	snop;
	(pc) =	sbr.rel @p1 .LBB2_7-.Ltmp2, $1  }
0x29: {  	_ =	sdelay $0x3  }
0x2a: {  	s14 =	simm.s32 $0x1  }
0x2b: {  	s14 =	simm.s32 @!p0 $0x0  }
0x2c: {  	s15 =	smul.u32 $0x280, s14  }
0x2d: {  	_ =	swait.ge [sflag:s7], $0xA0  }
0x2e: {  	[sflag:s7] =	ssyncset.done $0x0;
	s16 =	sshrl.u32 s15, $0x2  }
0x2f: {  	[sflag:s7] =	ssyncadd.s32 $0xFFFFFF60;
	s15 =	sadd.s32 $0x0, s16  }
0x30: {  	v0 =	vld.msk [tilespmem:s15+$0x0 ss:$0x1], $0xffff;
	_ =	sdelay $0x4  }
0x31: {  	vm2 =	vgt.s32 v0, $0x0  }
0x32: {  	v0 =	vnsel vm2, $0x0, v0  }
0x33: {  	v0 =	vmin.u32 v0, $0x419F  }
0x34: {  	v0 =	vshll.u32 v0, $0x4  }
0x35: {  	s14 =	smul.u32 $0x14000, s14;
	_ =	sdelay $0x1  }
0x36: {  	s14 =	sshrl.u32 s14, $0x2  }
0x37: {  	s14 =	sor.u32 $0x140, s14  }
0x38: {  	[tilespmem:s14], [sflag:$0x1] =	stream.indirect_vreg.gather [hbm:s5], $0x80, v0, vm0, $0x38;
	[tilespmem:$0xA140] =	vst v63  }
0x39: {  	s17 =	sadd.s32 $0x10, s16;
	s15 =	sadd.s32 $0x400, s14  }
0x3a: {  	[tilespmem:s15], [sflag:$0x1] =	stream.indirect_vreg.gather [hbm:s5], $0x80, v0, vm1, $0x38;
	[tilespmem:$0xA140] =	vst v63  }
0x3b: {  	s18 =	simm.s32 $0x80;
	v0 =	vld.msk [tilespmem:s17+$0x0 ss:$0x1], $0xffff;
	s17 =	smov.u32 s14  }
.LBB2_3:
0x3c: {  	p1 =	sne.s32 s18, $0x240;
	_ =	sdelay $0x4  }
0x3d: {  	vm2 =	vgt.s32 v0, $0x0  }
0x3e: {  	v0 =	vnsel vm2, $0x0, v0  }
0x3f: {  	v0 =	vmin.u32 v0, $0x419F  }
0x40: {  	v0 =	vshll.u32 v0, $0x4;
	_ =	sdelay $0x3  }
.Ltmp3:
0x41: {  	s19 =	sshra.s32 s18, $0x2;
	s17 =	sadd.s32 $0x800, s17;
	(pc) =	sbr.rel @p1 .LBB2_3-.Ltmp3, $4  }
0x42: {  	[tilespmem:s17], [sflag:$0x1] =	stream.indirect_vreg.gather [hbm:s5], $0x80, v0, vm0, $0x38;
	[tilespmem:$0xA140] =	vst v63  }
0x43: {  	s19 =	sadd.s32 s19, s16;
	s20 =	sadd.s32 $0x400, s17  }
0x44: {  	[tilespmem:s20], [sflag:$0x1] =	stream.indirect_vreg.gather [hbm:s5], $0x80, v0, vm1, $0x38;
	[tilespmem:$0xA140] =	vst v63  }
0x45: {  	s18 =	sadd.s32 $0x40, s18;
	v0 =	vld.msk [tilespmem:s19+$0x0 ss:$0x1], $0xffff  }
0x46: {  	_ =	sdelay $0x3  }
0x47: {  	vm2 =	vgt.s32 v0, $0x0  }
0x48: {  	v0 =	vnsel vm2, $0x0, v0  }
0x49: {  	v0 =	vmin.u32 v0, $0x419F  }
0x4a: {  	v0 =	vshll.u32 v0, $0x4;
	_ =	sdelay $0x3  }
0x4b: {  	s16 =	sadd.s32 $0x800, s17  }
0x4c: {  	[tilespmem:s16], [sflag:$0x1] =	stream.indirect_vreg.gather [hbm:s5], $0x80, v0, vm0, $0x38;
	[tilespmem:$0xA140] =	vst v63  }
0x4d: {  	s16 =	sadd.s32 $0x400, s16  }
0x4e: {  	[tilespmem:s16], [sflag:$0x1] =	stream.indirect_vreg.gather [hbm:s5], $0x80, v0, vm1, $0x38;
	[tilespmem:$0xA140] =	vst v63  }
0x4f: {  	s13 =	sshll.u32 s13, $0x4;
	_ =	swait.ge [sflag:s6], $0x5000  }
0x50: {  	s13 =	sadd.s32 s13, s9;
	[sflag:s6] =	ssyncset.done $0x0  }
0x51: {  	s17 =	sadd.s32 $0x0, s13;
	s16 =	simm.s32 $0x80;
	[sflag:s6] =	ssyncadd.s32 $0xFFFFB000  }
.LBB2_5:
0x52: {  	[hbm:s17] =	stream.linear.scatter [tilespmem:s14], [sflag:$0x3], $0x400, $0x38;
	[tilespmem:$0xA140] =	vst v63  }
0x53: {  	s17 =	smov.u32 s16;
	s14 =	smov.u32 s15;
	p1 =	sne.s32 s16, $0x980  }
.Ltmp4:
0x54: {  	s16 =	sadd.s32 $0x80, s16;
	(pc) =	sbr.rel @p1 .LBB2_5-.Ltmp4, $2  }
0x55: {  	_ =	sdelay $0x2  }
0x56: {  	s15 =	sadd.s32 $0x400, s15;
	s17 =	sadd.s32 s17, s13  }
.Ltmp5:
0x57: {  	_ = 	snop;
	(pc) =	sbr.rel .LBB2_6-.Ltmp5, $1  }
0x58: {  	_ =	sdelay $0x3  }
.LBB2_8:
0x59: {  	_ =	sfence.sel $0x180000  }
0x5a: {  	s2 =	simm.s32 $0x2;
	[bflag:$0x0] =	sbarrier.arrive $0xFFFF  }
0x5b: {  	s30 =	simm.s32 $0x3;
	[sflag:s2] =	ssyncpa.u1 $0x1  }
0x5c: {  	s31 =	simm.s32 $0x1;
	[sflag:s30] =	ssyncpa.u1 $0x1  }
0x5d: {  	[sflag:s31] =	ssyncpa.u1 $0x1  }
0x5e: {  	p0 =	sne.s32 s0, $0x0;
	_ =	strace $0x90000053  }
0x5f: {  	s0 =	sadd.s32 @!p0 $0x100000, s1;
	[bflag:$0x2] =	sbarrier.arrive $0xFFFF  }
0x60: {  	[sflag:s0] =	ssyncadd.tile.s32 @!p0 $0x1;
	_ =	shalt  }
.Lfunc_end2:
_tile_overlayer_lowered:
.L_overlay_start_2:
0x61: {  	(tag) =	ssettag $0x2  }
0x62: {  	s0 =	rddreg [dreg:$0x0];
	s2 =	stileid.u32  }
0x63: {  	s1 =	rddreg [dreg:$0x1];
	p0 =	sne.s32 s2, $0x0  }
0x64: {  	s3 =	rddreg [dreg:$0x2];
	[bflag:$0x3] =	sbarrier.arrive $0xFFFF;
	s2 =	simm.s32 @!p0 $0x1C01  }
0x65: {  	[timem:s3], [sflag:s2] =	dma.local @!p0 [hbm:s0], s1  }
0x66: {  	s0 =	simm.s32 @!p0 $0x1  }
0x67: {  	_ =	swait.ge @!p0 [sflag:s0], s1  }
0x68: {  	s1 =	ssub.s32 @!p0 $0x0, s1;
	[sflag:s0] =	ssyncset.done @!p0 $0x0  }
0x69: {  	[sflag:s0] =	ssyncadd.s32 @!p0 s1  }
0x6a: {  	[bflag:$0x3] =	sbarrier.arrive $0xFFFF  }
0x6b: {  	_ =	shalt  }

// kernel: gather_offload_async_start.2
scs
__scs_entry_jumppad:
0x0: {  	(pc) =	sbr.rel $0x88, $3  }
0x1: {  	(tag) =	ssettag $0x0;
	lr =	simm.s32 $0x1  }
0x2: {  	[smem:$0x3F9C] =	sst lr;
	_ =	strace $0xD0000000  }
0x3: {  	_ = 	snop  }
0x4: {  	_ = 	snop  }
0x5: {  	_ = 	snop  }
0x6: {  	_ = 	snop  }
0x7: {  	_ = 	snop  }
__scs_overlays_trampoline_lowered:
0x8: {  	[smem:$0x3FAB] =	sst s0  }
0x9: {  	[smem:$0x3FAC] =	sst s1  }
0xa: {  	[smem:$0x3FAD] =	sst s2  }
0xb: {  	[smem:$0x3FAE] =	sst s3  }
0xc: {  	[smem:$0x3FAF] =	sst s4  }
0xd: {  	[smem:$0x3FB0] =	sst s5  }
0xe: {  	[smem:$0x3FB1] =	sst s6  }
0xf: {  	[smem:$0x3FB2] =	sst s7  }
0x10: {  	[smem:$0x3FB3] =	sst s8  }
0x11: {  	[smem:$0x3FB4] =	sst s9;
	s0 =	simm.s32 @!p0 $0x0  }
0x12: {  	s1 =	sld [smem:$0x3F9A];
	s0 =	simm.s32 @p0 $0x1  }
0x13: {  	[smem:$0x3FB5] =	sst s0;
	s0 =	simm.s32 @!p1 $0x0  }
0x14: {  	s2 =	sld [smem:$0x3F99];
	s0 =	simm.s32 @p1 $0x1  }
0x15: {  	[smem:$0x3FB6] =	sst s0;
	s0 =	simm.s32 @!p2 $0x0  }
0x16: {  	s3 =	sld [smem:$0x3FDB];
	s0 =	simm.s32 @p2 $0x1  }
0x17: {  	s4 =	simm.s32 $0x1BF5;
	[smem:$0x3FB8] =	sst s0  }
0x18: {  	s0 =	sld [smem:$0x3F9B];
	_ =	swait.ge [sflag:s4], $0x0  }
0x19: {  	s7 =	sld [smem:$0x3F9C]  }
0x1a: {  	s8 =	sadd.s32 $0xFFFFE003, lr  }
0x1b: {  	s9 =	sadd.s32 $0xFFFFFEF7, lr;
	s5 =	simm.s32 $0xFFFFFFFF;
	p2 =	slt.u32 s8, $0xFFFFF086  }
0x1c: {  	p1 =	slt.u32 s9, $0xF7A;
	s5 =	simm.s32 @!p2 $0x0  }
0x1d: {  	s5 =	simm.s32 @p1 $0x1;
	p0 =	seq.s32 s7, s2  }
0x1e: {  	s7 =	smul.u32 @!p0 $0xF7A, s2;
	p2 =	seq.s32 @!p0 s5, $0x0  }
0x1f: {  	s9 =	smul.u32 $0xF7A, s1;
	s8 =	simm.s32 @!p0 $0x1BF5;
	p2 =	por !p2, p0  }
0x20: {  	[sflag:s8] =	ssyncset.s32 @!p0 $0xFFFFF086;
	s6 =	sadd.s32 @!p0 s3, s7;
	s7 =	simm.s32 @!p0 $0x108  }
0x21: {  	s3 =	sadd.s32 s3, s9;
	s6 =	sadd.s32 @!p0 $0x88, s6;
	s7 =	simm.s32 @p2 $0x1082  }
0x22: {  	[simem:s7], [sflag:s8] =	dma.local @!p0 [hbm:s6], $0xF7A  }
0x23: {  	s9 =	sor.u32 $0xD0000000, s2;
	s6 =	simm.s32 $0x108;
	_ =	swait.ge @!p0 [sflag:s8], $0x0  }
0x24: {  	s3 =	sadd.s32 $0x88, s3;
	s6 =	simm.s32 @!p1 $0x1082;
	[sflag:s4] =	ssyncset.s32 $0xFFFFF086  }
0x25: {  	[simem:s6], [sflag:s4] =	dma.local [hbm:s3], $0xF7A  }
0x26: {  	[smem:$0x3F9C] =	sst s1;
	(tag) =	ssettag s2;
	_ =	strace s9  }
0x27: {  	s1 =	sld [smem:$0x3FAC]  }
0x28: {  	s2 =	sld [smem:$0x3FAD]  }
0x29: {  	s4 =	sld [smem:$0x3FAF]  }
0x2a: {  	p0 =	seq.s32 s5, $0x0;
	s5 =	sld [smem:$0x3FB0]  }
0x2b: {  	s6 =	sld [smem:$0x3FB1]  }
0x2c: {  	s7 =	sld [smem:$0x3FB2]  }
0x2d: {  	s3 =	simm.s32 $0x108;
	s8 =	sld [smem:$0x3FB3]  }
0x2e: {  	s3 =	simm.s32 @!p0 $0x1082;
	s9 =	sld [smem:$0x3FB4]  }
0x2f: {  	lr =	sadd.s32 s0, s3;
	s0 =	sld [smem:$0x3FAB]  }
0x30: {  	s3 =	sld [smem:$0x3FAE]  }
0x31: {  	[smem:$0x3FB7] =	sst s10  }
0x32: {  	s10 =	sld [smem:$0x3FB5];
	_ =	sdelay $0x3  }
0x33: {  	p0 =	seq.s32 s10, $0x1;
	s10 =	sld [smem:$0x3FB7];
	_ =	sdelay $0x3  }
0x34: {  	[smem:$0x3FB7] =	sst s10  }
0x35: {  	s10 =	sld [smem:$0x3FB6];
	_ =	sdelay $0x3  }
0x36: {  	p1 =	seq.s32 s10, $0x1;
	s10 =	sld [smem:$0x3FB7];
	_ =	sdelay $0x3  }
0x37: {  	[smem:$0x3FB7] =	sst s10  }
0x38: {  	s10 =	sld [smem:$0x3FB8]  }
0x39: {  	_ = 	snop;
	(pc) =	sbr.ind lr, $3  }
0x3a: {  	_ = 	snop  }
0x3b: {  	_ = 	snop  }
0x3c: {  	p2 =	seq.s32 s10, $0x1;
	s10 =	sld [smem:$0x3FB7]  }
0x3d: {  	_ =	shalt  }
0x3e: {  	_ =	shalt  }
0x3f: {  	_ =	shalt  }
0x40: {  	_ =	shalt  }
0x41: {  	_ =	shalt  }
0x42: {  	_ =	shalt  }
0x43: {  	_ =	shalt  }
0x44: {  	_ =	shalt  }
0x45: {  	_ =	shalt  }
0x46: {  	_ =	shalt  }
0x47: {  	_ =	shalt  }
0x48: {  	_ =	shalt  }
0x49: {  	_ =	shalt  }
0x4a: {  	_ =	shalt  }
0x4b: {  	_ =	shalt  }
0x4c: {  	_ =	shalt  }
0x4d: {  	_ =	shalt  }
0x4e: {  	_ =	shalt  }
0x4f: {  	_ =	shalt  }
0x50: {  	_ =	shalt  }
0x51: {  	_ =	shalt  }
0x52: {  	_ =	shalt  }
0x53: {  	_ =	shalt  }
0x54: {  	_ =	shalt  }
0x55: {  	_ =	shalt  }
0x56: {  	_ =	shalt  }
0x57: {  	_ =	shalt  }
0x58: {  	_ =	shalt  }
0x59: {  	_ =	shalt  }
0x5a: {  	_ =	shalt  }
0x5b: {  	_ =	shalt  }
0x5c: {  	_ =	shalt  }
0x5d: {  	_ =	shalt  }
0x5e: {  	_ =	shalt  }
0x5f: {  	_ =	shalt  }
0x60: {  	_ =	shalt  }
0x61: {  	_ =	shalt  }
0x62: {  	_ =	shalt  }
0x63: {  	_ =	shalt  }
0x64: {  	_ =	shalt  }
0x65: {  	_ =	shalt  }
0x66: {  	_ =	shalt  }
0x67: {  	_ =	shalt  }
0x68: {  	_ =	shalt  }
0x69: {  	_ =	shalt  }
0x6a: {  	_ =	shalt  }
0x6b: {  	_ =	shalt  }
0x6c: {  	_ =	shalt  }
0x6d: {  	_ =	shalt  }
0x6e: {  	_ =	shalt  }
0x6f: {  	_ =	shalt  }
0x70: {  	_ =	shalt  }
0x71: {  	_ =	shalt  }
0x72: {  	_ =	shalt  }
0x73: {  	_ =	shalt  }
0x74: {  	_ =	shalt  }
0x75: {  	_ =	shalt  }
0x76: {  	_ =	shalt  }
0x77: {  	_ =	shalt  }
0x78: {  	_ =	shalt  }
0x79: {  	_ =	shalt  }
0x7a: {  	_ =	shalt  }
0x7b: {  	_ =	shalt  }
0x7c: {  	_ =	shalt  }
0x7d: {  	_ =	shalt  }
0x7e: {  	_ =	shalt  }
0x7f: {  	_ =	shalt  }
0x80: {  	_ =	shalt  }
0x81: {  	_ =	shalt  }
0x82: {  	_ =	shalt  }
0x83: {  	_ =	shalt  }
0x84: {  	_ =	shalt  }
0x85: {  	_ =	shalt  }
0x86: {  	_ =	shalt  }
0x87: {  	_ =	shalt  }
.Lfunc_end0:
.L_simem_size_0:
called_computation.4_lowered:
.L_overlay_start_0:
0x88: {  	s2 =	sld [smem:$0x3FD9]  }
0x89: {  	s3 =	sld [smem:$0x3FFE];
	_ =	sdelay $0x1  }
0x8a: {  	s1 =	srdreg.scid  }
0x8b: {  	s0 =	sand.u32 $0x1, s1  }
0x8c: {  	s16 =	sshll.u32 s0, $0xA;
	s2 =	sadd.s32 s3, s2  }
0x8d: {  	s2 =	sadd.s32 s2, s16  }
0x8e: {  	[smem:$0x3FC3] =	sst s2  }
0x8f: {  	_ = 	snop  }
0x90: {  	(tm) =	ssettm $0x1  }
0x91: {  	s17 =	sld [smem:$0x3FFB];
	_ =	sdelay $0x3  }
0x92: {  	_ =	strace s17  }
0x93: {  	s2 =	sld [smem:$0x3FFC];
	_ =	sdelay $0x3  }
0x94: {  	_ =	strace s2  }
0x95: {  	s2 =	sld [smem:$0x3FFD];
	_ =	sdelay $0x3  }
0x96: {  	_ =	strace s2  }
0x97: {  	_ =	strace $0x8FFFFFFF  }
0x98: {  	s18 =	sld [smem:$0x3FDB];
	_ =	sdelay $0x1  }
0x99: {  	s19 =	simm.s32 $_scs_section_size  }
0x9a: {  	s4 =	simm.s32 $_size__tile_overlayer_lowered;
	s5 =	simm.s32 $_tile_overlayer_lowered  }
0x9b: {  	s22 =	simm.s32 $0x1BFF;
	s21 =	sshll.u32 s5, $0x1;
	s2 =	sadd.s32 s19, s18  }
0x9c: {  	s6 =	simm.s32 $0x0;
	s20 =	sshll.u32 s4, $0x1;
	s4 =	sadd.s32 s21, s2  }
0x9d: {  	[timem:s6], [sflag:s22] =	dma.local [hbm:s4], s20  }
0x9e: {  	_ =	swait.ge [sflag:s22], s20  }
0x9f: {  	s3 =	ssub.s32 $0x0, s20;
	[sflag:s22] =	ssyncset.done $0x0  }
0xa0: {  	[sflag:s22] =	ssyncadd.s32 s3;
	_ =	sdelay $0x1  }
0xa1: {  	s23 =	simm.s32 $0x1B8B  }
0xa2: {  	_ =	swait.ge [sflag:s23], $0x1  }
0xa3: {  	[sflag:s23] =	ssyncset.done $0x0  }
0xa4: {  	s25 =	simm.s32 $0x1B8E;
	s24 =	sld [smem:$0x3FFE];
	[sflag:s23] =	ssyncadd.s32 $0xFFFFFFFF  }
0xa5: {  	s26 =	simm.s32 $execute0_lowered;
	[smem:$0x3FD2] =	sst s25  }
0xa6: {  	s4 =	sshll.u32 s26, $0x1;
	_ =	strace $0x80000055;
	[dreg:$0x1] =	wrdreg $0xFFFFFFFF  }
0xa7: {  	s28 =	simm.s32 $_size_execute0_lowered;
	s2 =	sadd.s32 s2, s4;
	[dreg:$0x0] =	wrdreg $0x0  }
0xa8: {  	s4 =	sshll.u32 s28, $0x1;
	[dreg:$0x2] =	wrdreg s2  }
0xa9: {  	[dreg:$0x3] =	wrdreg s4  }
0xaa: {  	[dreg:$0x4] =	wrdreg $0xC0  }
0xab: {  	_ =	task [dreg:s6], $0x5FFFF  }
0xac: {  	[dreg:$0x1] =	wrdreg $0xFFFFFFFF  }
0xad: {  	[dreg:$0x0] =	wrdreg $0x60  }
0xae: {  	[dreg:$0x2] =	wrdreg s24  }
0xaf: {  	[dreg:$0x3] =	wrdreg $0x9  }
0xb0: {  	_ =	task.clear_ibuf [dreg:s6], $0x4FFFF;
	_ =	strace $0x90000055  }
0xb1: {  	s29 =	simm.s32 $0x9;
	_ =	strace $0x80000057  }
0xb2: {  	_ =	swait.ge [sflag:s29], $0x1  }
0xb3: {  	[sflag:s29] =	ssyncadd.s32 $0xFFFFFFFF  }
0xb4: {  	_ =	strace $0x90000057  }
0xb5: {  	_ =	sfence  }
0xb6: {  	s30 =	sld [smem:$0x0];
	_ =	sdelay $0x2  }
0xb7: {  	s31 =	sshll.u32 s1, $0xD;
	s1 =	sshrl.u32 s1, $0x2  }
0xb8: {  	s3 =	sand.u32 $0x4000, s31;
	s1 =	sadd.s32 s1, s30  }
0xb9: {  	s0 =	sor.u32 s3, s0;
	s1 =	sshll.u32 s1, $0x11  }
0xba: {  	s0 =	sor.u32 s1, s0  }
0xbb: {  	s0 =	sadd.s32 $0x8F2B, s0  }
0xbc: {  	[sflag:s0] =	ssyncadd.remote.s32 $0x1  }
0xbd: {  	_ =	sfence.sel $0xFFFF  }
0xbe: {  	[dreg:$0x0] =	wrdreg $0xFFFFFFFF;
	(pc) =	sbr.abs _section_cstart, $3  }
0xbf: {  	[dreg:$0x1] =	wrdreg $0xFFFFFFFF  }
0xc0: {  	_ =	task.clear_ibuf [dreg:s6], $0x2FFFF;
	_ =	strace $0x9FFFFFFF  }
0xc1: {  	(tm) =	ssettm $0x7FFFFFFF  }
tec
execute0_lowered:
.L_overlay_start_1:
0x0: {  	(tag) =	ssettag $0x1  }
0x1: {  	s0 =	srdreg.scid  }
0x2: {  	s1 =	sshll.u32 s0, $0x4  }
0x3: {  	s0 =	stileid.u32;
	s1 =	sand.u32 $0x10, s1  }
0x4: {  	s1 =	sor.u32 s0, s1  }
0x5: {  	s2 =	smin.u32 s1, $0x12  }
0x6: {  	s2 =	sadd.s32 s1, s2  }
0x7: {  	p0 =	slt.u32 s1, $0x12;
	s1 =	simm.s32 $0x140;
	s2 =	smul.u32 $0xA0, s2  }
0x8: {  	s1 =	simm.s32 @!p0 $0xA0  }
0x9: {  	s1 =	sadd.s32 s1, s2  }
0xa: {  	s3 =	smin.u32 s1, $0x1F40  }
0xb: {  	s7 =	ssub.s32 s3, s2  }
0xc: {  	p0 =	sgt.s32 s7, $0x0  }
0xd: {  	s7 =	simm.s32 @!p0 $0x0  }
0xe: {  	s31 =	smul.u32 $0xCCCD, s7  }
0xf: {  	s4 =	rddreg [dreg:$0x0];
	s6 =	simm.s32 $0x1  }
0x10: {  	s10 =	simm.s32 $0x3;
	s13 =	simm.s32 $0x0;
	s8 =	sshrl.u32 s31, $0x17  }
0x11: {  	s12 =	simm.s32 $0x0;
	s5 =	sadd.s32 $0x18E000, s4;
	s9 =	smul.u32 $0xA0, s8  }
.Ltmp0:
0x12: {  	s11 =	smov.u32 s2;
	s1 =	rddreg [dreg:$0x1];
	(pc) =	sbr.rel .LBB2_1-.Ltmp0, $4  }
0x13: {  	_ =	strace $0x80000056;
	p0 =	sne.s32 s7, s9;
	s9 =	simm.s32 $0x1  }
0x14: {  	[sflag:s6] =	ssyncpa.u1 $0x0;
	s7 =	simm.s32 $0x2;
	s9 =	simm.s32 @!p0 $0x0  }
0x15: {  	[sflag:s7] =	ssyncpa.u1 $0x0;
	p0 =	por $0x0, $0x0;
	s8 =	sadd.s32 s8, s9  }
0x16: {  	vm0 =	vmmov $0xff;
	vm1 =	vcmask $0x3F20;
	s9 =	sadd.s32 $0x1F800, s4;
	[sflag:s10] =	ssyncpa.u1 $0x0;
	s10 =	sadd.s32 $0x1, s8  }
.LBB2_6:
0x17: {  	[hbm:s17] =	stream.linear.scatter [tilespmem:s14], [sflag:$0x3], $0x400, $0x38;
	[tilespmem:$0xA140] =	vst v63  }
.LBB2_7:
0x18: {  	s13 =	sadd.s32 $0xA0, s11  }
0x19: {  	s15 =	smov.u32 s2;
	p2 =	slt.s32 s13, s3  }
0x1a: {  	s15 =	smov.u32 @p2 s13;
	p2 =	sne.s32 s12, s10  }
.Ltmp1:
0x1b: {  	p1 =	slt.u32 s12, $0x2;
	(pc) =	sbr.rel @!p2 .LBB2_8-.Ltmp1, $4  }
0x1c: {  	s14 =	simm.s32 @!p1 $0x3  }
0x1d: {  	s16 =	sadd.s32 $0x1, s12;
	_ =	swait.ge @!p1 [sflag:s14], $0x5000  }
0x1e: {  	p0 =	por !p0, !p0;
	s13 =	smov.u32 s11;
	[sflag:s14] =	ssyncset.done @!p1 $0x0  }
0x1f: {  	s12 =	smov.u32 s16;
	s11 =	smov.u32 s15;
	[sflag:s14] =	ssyncadd.s32 @!p1 $0xFFFFB000  }
.LBB2_1:
0x20: {  	p1 =	sge.u32 s12, s8  }
0x21: {  	s14 =	sxor.u32 @!p1 $0xFFFFFFFF, s12  }
0x22: {  	s14 =	sand.u32 @!p1 $0x1, s14  }
0x23: {  	s14 =	smul.u32 @!p1 $0x280, s14  }
0x24: {  	s31 =	sadd.s32 $0xFFFFFFFF, s12;
	s15 =	sshrl.u32 @!p1 s11, $0x3  }
0x25: {  	s16 =	sand.u32 @!p1 $0x7, s11;
	s15 =	sadd.s32 @!p1 s9, s15;
	s14 =	sshrl.u32 @!p1 s14, $0x2  }
0x26: {  	[tilespmem:s14], [sflag:$0x2] =	stream.linear.gather @!p1 [hbm4b:s15+s16], $0xA0, $0x38;
	[tilespmem:$0xA140] =	vst v63  }
0x27: {  	p1 =	sge.u32 s31, s8  }
.Ltmp2:
0x28: {  	_ = 	snop;
	(pc) =	sbr.rel @p1 .LBB2_7-.Ltmp2, $1  }
0x29: {  	_ =	sdelay $0x3  }
0x2a: {  	s14 =	simm.s32 $0x1  }
0x2b: {  	s14 =	simm.s32 @!p0 $0x0  }
0x2c: {  	s15 =	smul.u32 $0x280, s14  }
0x2d: {  	_ =	swait.ge [sflag:s7], $0xA0  }
0x2e: {  	[sflag:s7] =	ssyncset.done $0x0;
	s16 =	sshrl.u32 s15, $0x2  }
0x2f: {  	[sflag:s7] =	ssyncadd.s32 $0xFFFFFF60;
	s15 =	sadd.s32 $0x0, s16  }
0x30: {  	v0 =	vld.msk [tilespmem:s15+$0x0 ss:$0x1], $0xffff;
	_ =	sdelay $0x4  }
0x31: {  	v1 =	vand.u32 $0x7, v0;
	v2 =	vshll.u32 v0, $0x4  }
0x32: {  	vm2 =	veq.s32 v0, $0x80000000;
	v0 =	vmul.u32 $0x20D000, v1;
	v1 =	vand.u32 $0x3FFF80, v2  }
0x33: {  	v1 =	vsel vm2, $0xFFFFFF80, v1  }
0x34: {  	v0 =	vsel vm2, $0xFFDF3000, v0;
	v2 =	vand.u32 $0xFFFFFC00, v1  }
0x35: {  	v1 =	vand.u32 $0x380, v1;
	v0 =	vadd.s32 v0, v2  }
0x36: {  	v0 =	vor.u32 v1, v0  }
0x37: {  	v0 =	vshrl.u32 v0, $0x3  }
0x38: {  	s14 =	smul.u32 $0x14000, s14;
	_ =	sdelay $0x1  }
0x39: {  	s14 =	sshrl.u32 s14, $0x2  }
0x3a: {  	s14 =	sor.u32 $0x140, s14  }
0x3b: {  	[tilespmem:s14], [sflag:$0x1] =	stream.indirect_vreg.gather [hbm:s5], $0x80, v0, vm0, $0x38;
	[tilespmem:$0xA140] =	vst v63  }
0x3c: {  	s17 =	sadd.s32 $0x10, s16;
	s15 =	sadd.s32 $0x400, s14  }
0x3d: {  	[tilespmem:s15], [sflag:$0x1] =	stream.indirect_vreg.gather [hbm:s5], $0x80, v0, vm1, $0x38;
	[tilespmem:$0xA140] =	vst v63  }
0x3e: {  	s18 =	simm.s32 $0x80;
	v0 =	vld.msk [tilespmem:s17+$0x0 ss:$0x1], $0xffff;
	s17 =	smov.u32 s14  }
.LBB2_3:
0x3f: {  	p1 =	sne.s32 s18, $0x240;
	_ =	sdelay $0x4  }
0x40: {  	v1 =	vand.u32 $0x7, v0;
	v2 =	vshll.u32 v0, $0x4  }
0x41: {  	vm2 =	veq.s32 v0, $0x80000000;
	v0 =	vmul.u32 $0x20D000, v1;
	v1 =	vand.u32 $0x3FFF80, v2  }
0x42: {  	v1 =	vsel vm2, $0xFFFFFF80, v1  }
0x43: {  	v0 =	vsel vm2, $0xFFDF3000, v0;
	v2 =	vand.u32 $0xFFFFFC00, v1  }
0x44: {  	v1 =	vand.u32 $0x380, v1;
	v0 =	vadd.s32 v0, v2  }
0x45: {  	v0 =	vor.u32 v1, v0  }
0x46: {  	v0 =	vshrl.u32 v0, $0x3;
	_ =	sdelay $0x3  }
.Ltmp3:
0x47: {  	s19 =	sshra.s32 s18, $0x2;
	s17 =	sadd.s32 $0x800, s17;
	(pc) =	sbr.rel @p1 .LBB2_3-.Ltmp3, $4  }
0x48: {  	[tilespmem:s17], [sflag:$0x1] =	stream.indirect_vreg.gather [hbm:s5], $0x80, v0, vm0, $0x38;
	[tilespmem:$0xA140] =	vst v63  }
0x49: {  	s19 =	sadd.s32 s19, s16;
	s20 =	sadd.s32 $0x400, s17  }
0x4a: {  	[tilespmem:s20], [sflag:$0x1] =	stream.indirect_vreg.gather [hbm:s5], $0x80, v0, vm1, $0x38;
	[tilespmem:$0xA140] =	vst v63  }
0x4b: {  	s18 =	sadd.s32 $0x40, s18;
	v0 =	vld.msk [tilespmem:s19+$0x0 ss:$0x1], $0xffff  }
0x4c: {  	_ =	sdelay $0x3  }
0x4d: {  	v1 =	vand.u32 $0x7, v0;
	v2 =	vshll.u32 v0, $0x4  }
0x4e: {  	vm2 =	veq.s32 v0, $0x80000000;
	v61 =	vmul.u32 $0x20D000, v1;
	v62 =	vand.u32 $0x3FFF80, v2  }
0x4f: {  	v1 =	vsel vm2, $0xFFFFFF80, v62  }
0x50: {  	v0 =	vsel vm2, $0xFFDF3000, v61;
	v63 =	vand.u32 $0xFFFFFC00, v1  }
0x51: {  	v1 =	vand.u32 $0x380, v1;
	v0 =	vadd.s32 v0, v63  }
0x52: {  	v0 =	vor.u32 v1, v0  }
0x53: {  	v0 =	vshrl.u32 v0, $0x3;
	_ =	sdelay $0x3  }
0x54: {  	s16 =	sadd.s32 $0x800, s17  }
0x55: {  	[tilespmem:s16], [sflag:$0x1] =	stream.indirect_vreg.gather [hbm:s5], $0x80, v0, vm0, $0x38;
	[tilespmem:$0xA140] =	vst v63  }
0x56: {  	s16 =	sadd.s32 $0x400, s16  }
0x57: {  	[tilespmem:s16], [sflag:$0x1] =	stream.indirect_vreg.gather [hbm:s5], $0x80, v0, vm1, $0x38;
	[tilespmem:$0xA140] =	vst v63  }
0x58: {  	s13 =	sshll.u32 s13, $0x4;
	_ =	swait.ge [sflag:s6], $0x5000  }
0x59: {  	s13 =	sadd.s32 s13, s4;
	[sflag:s6] =	ssyncset.done $0x0  }
0x5a: {  	s17 =	sadd.s32 $0x0, s13;
	s16 =	simm.s32 $0x80;
	[sflag:s6] =	ssyncadd.s32 $0xFFFFB000  }
.LBB2_5:
0x5b: {  	[hbm:s17] =	stream.linear.scatter [tilespmem:s14], [sflag:$0x3], $0x400, $0x38;
	[tilespmem:$0xA140] =	vst v63  }
0x5c: {  	s17 =	smov.u32 s16;
	s14 =	smov.u32 s15;
	p1 =	sne.s32 s16, $0x980  }
.Ltmp4:
0x5d: {  	s16 =	sadd.s32 $0x80, s16;
	(pc) =	sbr.rel @p1 .LBB2_5-.Ltmp4, $2  }
0x5e: {  	_ =	sdelay $0x2  }
0x5f: {  	s15 =	sadd.s32 $0x400, s15;
	s17 =	sadd.s32 s17, s13  }
.Ltmp5:
0x60: {  	_ = 	snop;
	(pc) =	sbr.rel .LBB2_6-.Ltmp5, $1  }
0x61: {  	_ =	sdelay $0x3  }
.LBB2_8:
0x62: {  	_ =	sfence.sel $0x180000  }
0x63: {  	s2 =	simm.s32 $0x2;
	[bflag:$0x0] =	sbarrier.arrive $0xFFFF  }
0x64: {  	s30 =	simm.s32 $0x3;
	[sflag:s2] =	ssyncpa.u1 $0x1  }
0x65: {  	s31 =	simm.s32 $0x1;
	[sflag:s30] =	ssyncpa.u1 $0x1  }
0x66: {  	[sflag:s31] =	ssyncpa.u1 $0x1  }
0x67: {  	p0 =	sne.s32 s0, $0x0;
	_ =	strace $0x90000056  }
0x68: {  	s0 =	sadd.s32 @!p0 $0x100000, s1;
	[bflag:$0x2] =	sbarrier.arrive $0xFFFF  }
0x69: {  	[sflag:s0] =	ssyncadd.tile.s32 @!p0 $0x1;
	_ =	shalt  }
.Lfunc_end2:
_tile_overlayer_lowered:
.L_overlay_start_2:
0x6a: {  	(tag) =	ssettag $0x2  }
0x6b: {  	s0 =	rddreg [dreg:$0x0];
	s2 =	stileid.u32  }
0x6c: {  	s1 =	rddreg [dreg:$0x1];
	p0 =	sne.s32 s2, $0x0  }
0x6d: {  	s3 =	rddreg [dreg:$0x2];
	[bflag:$0x3] =	sbarrier.arrive $0xFFFF;
	s2 =	simm.s32 @!p0 $0x1C01  }
0x6e: {  	[timem:s3], [sflag:s2] =	dma.local @!p0 [hbm:s0], s1  }
0x6f: {  	s0 =	simm.s32 @!p0 $0x1  }
0x70: {  	_ =	swait.ge @!p0 [sflag:s0], s1  }
0x71: {  	s1 =	ssub.s32 @!p0 $0x0, s1;
	[sflag:s0] =	ssyncset.done @!p0 $0x0  }
0x72: {  	[sflag:s0] =	ssyncadd.s32 @!p0 s1  }
0x73: {  	[bflag:$0x3] =	sbarrier.arrive $0xFFFF  }
0x74: {  	_ =	shalt  }

// kernel: gather_offload_async_start
scs
__scs_entry_jumppad:
0x0: {  	(pc) =	sbr.rel $0x88, $3  }
0x1: {  	(tag) =	ssettag $0x0;
	lr =	simm.s32 $0x1  }
0x2: {  	[smem:$0x3F9C] =	sst lr;
	_ =	strace $0xD0000000  }
0x3: {  	_ = 	snop  }
0x4: {  	_ = 	snop  }
0x5: {  	_ = 	snop  }
0x6: {  	_ = 	snop  }
0x7: {  	_ = 	snop  }
__scs_overlays_trampoline_lowered:
0x8: {  	[smem:$0x3FAB] =	sst s0  }
0x9: {  	[smem:$0x3FAC] =	sst s1  }
0xa: {  	[smem:$0x3FAD] =	sst s2  }
0xb: {  	[smem:$0x3FAE] =	sst s3  }
0xc: {  	[smem:$0x3FAF] =	sst s4  }
0xd: {  	[smem:$0x3FB0] =	sst s5  }
0xe: {  	[smem:$0x3FB1] =	sst s6  }
0xf: {  	[smem:$0x3FB2] =	sst s7  }
0x10: {  	[smem:$0x3FB3] =	sst s8  }
0x11: {  	[smem:$0x3FB4] =	sst s9;
	s0 =	simm.s32 @!p0 $0x0  }
0x12: {  	s1 =	sld [smem:$0x3F9A];
	s0 =	simm.s32 @p0 $0x1  }
0x13: {  	[smem:$0x3FB5] =	sst s0;
	s0 =	simm.s32 @!p1 $0x0  }
0x14: {  	s2 =	sld [smem:$0x3F99];
	s0 =	simm.s32 @p1 $0x1  }
0x15: {  	[smem:$0x3FB6] =	sst s0;
	s0 =	simm.s32 @!p2 $0x0  }
0x16: {  	s3 =	sld [smem:$0x3FDB];
	s0 =	simm.s32 @p2 $0x1  }
0x17: {  	s4 =	simm.s32 $0x1BF5;
	[smem:$0x3FB8] =	sst s0  }
0x18: {  	s0 =	sld [smem:$0x3F9B];
	_ =	swait.ge [sflag:s4], $0x0  }
0x19: {  	s7 =	sld [smem:$0x3F9C]  }
0x1a: {  	s8 =	sadd.s32 $0xFFFFE003, lr  }
0x1b: {  	s9 =	sadd.s32 $0xFFFFFEF7, lr;
	s5 =	simm.s32 $0xFFFFFFFF;
	p2 =	slt.u32 s8, $0xFFFFF086  }
0x1c: {  	p1 =	slt.u32 s9, $0xF7A;
	s5 =	simm.s32 @!p2 $0x0  }
0x1d: {  	s5 =	simm.s32 @p1 $0x1;
	p0 =	seq.s32 s7, s2  }
0x1e: {  	s7 =	smul.u32 @!p0 $0xF7A, s2;
	p2 =	seq.s32 @!p0 s5, $0x0  }
0x1f: {  	s9 =	smul.u32 $0xF7A, s1;
	s8 =	simm.s32 @!p0 $0x1BF5;
	p2 =	por !p2, p0  }
0x20: {  	[sflag:s8] =	ssyncset.s32 @!p0 $0xFFFFF086;
	s6 =	sadd.s32 @!p0 s3, s7;
	s7 =	simm.s32 @!p0 $0x108  }
0x21: {  	s3 =	sadd.s32 s3, s9;
	s6 =	sadd.s32 @!p0 $0x88, s6;
	s7 =	simm.s32 @p2 $0x1082  }
0x22: {  	[simem:s7], [sflag:s8] =	dma.local @!p0 [hbm:s6], $0xF7A  }
0x23: {  	s9 =	sor.u32 $0xD0000000, s2;
	s6 =	simm.s32 $0x108;
	_ =	swait.ge @!p0 [sflag:s8], $0x0  }
0x24: {  	s3 =	sadd.s32 $0x88, s3;
	s6 =	simm.s32 @!p1 $0x1082;
	[sflag:s4] =	ssyncset.s32 $0xFFFFF086  }
0x25: {  	[simem:s6], [sflag:s4] =	dma.local [hbm:s3], $0xF7A  }
0x26: {  	[smem:$0x3F9C] =	sst s1;
	(tag) =	ssettag s2;
	_ =	strace s9  }
0x27: {  	s1 =	sld [smem:$0x3FAC]  }
0x28: {  	s2 =	sld [smem:$0x3FAD]  }
0x29: {  	s4 =	sld [smem:$0x3FAF]  }
0x2a: {  	p0 =	seq.s32 s5, $0x0;
	s5 =	sld [smem:$0x3FB0]  }
0x2b: {  	s6 =	sld [smem:$0x3FB1]  }
0x2c: {  	s7 =	sld [smem:$0x3FB2]  }
0x2d: {  	s3 =	simm.s32 $0x108;
	s8 =	sld [smem:$0x3FB3]  }
0x2e: {  	s3 =	simm.s32 @!p0 $0x1082;
	s9 =	sld [smem:$0x3FB4]  }
0x2f: {  	lr =	sadd.s32 s0, s3;
	s0 =	sld [smem:$0x3FAB]  }
0x30: {  	s3 =	sld [smem:$0x3FAE]  }
0x31: {  	[smem:$0x3FB7] =	sst s10  }
0x32: {  	s10 =	sld [smem:$0x3FB5];
	_ =	sdelay $0x3  }
0x33: {  	p0 =	seq.s32 s10, $0x1;
	s10 =	sld [smem:$0x3FB7];
	_ =	sdelay $0x3  }
0x34: {  	[smem:$0x3FB7] =	sst s10  }
0x35: {  	s10 =	sld [smem:$0x3FB6];
	_ =	sdelay $0x3  }
0x36: {  	p1 =	seq.s32 s10, $0x1;
	s10 =	sld [smem:$0x3FB7];
	_ =	sdelay $0x3  }
0x37: {  	[smem:$0x3FB7] =	sst s10  }
0x38: {  	s10 =	sld [smem:$0x3FB8]  }
0x39: {  	_ = 	snop;
	(pc) =	sbr.ind lr, $3  }
0x3a: {  	_ = 	snop  }
0x3b: {  	_ = 	snop  }
0x3c: {  	p2 =	seq.s32 s10, $0x1;
	s10 =	sld [smem:$0x3FB7]  }
0x3d: {  	_ =	shalt  }
0x3e: {  	_ =	shalt  }
0x3f: {  	_ =	shalt  }
0x40: {  	_ =	shalt  }
0x41: {  	_ =	shalt  }
0x42: {  	_ =	shalt  }
0x43: {  	_ =	shalt  }
0x44: {  	_ =	shalt  }
0x45: {  	_ =	shalt  }
0x46: {  	_ =	shalt  }
0x47: {  	_ =	shalt  }
0x48: {  	_ =	shalt  }
0x49: {  	_ =	shalt  }
0x4a: {  	_ =	shalt  }
0x4b: {  	_ =	shalt  }
0x4c: {  	_ =	shalt  }
0x4d: {  	_ =	shalt  }
0x4e: {  	_ =	shalt  }
0x4f: {  	_ =	shalt  }
0x50: {  	_ =	shalt  }
0x51: {  	_ =	shalt  }
0x52: {  	_ =	shalt  }
0x53: {  	_ =	shalt  }
0x54: {  	_ =	shalt  }
0x55: {  	_ =	shalt  }
0x56: {  	_ =	shalt  }
0x57: {  	_ =	shalt  }
0x58: {  	_ =	shalt  }
0x59: {  	_ =	shalt  }
0x5a: {  	_ =	shalt  }
0x5b: {  	_ =	shalt  }
0x5c: {  	_ =	shalt  }
0x5d: {  	_ =	shalt  }
0x5e: {  	_ =	shalt  }
0x5f: {  	_ =	shalt  }
0x60: {  	_ =	shalt  }
0x61: {  	_ =	shalt  }
0x62: {  	_ =	shalt  }
0x63: {  	_ =	shalt  }
0x64: {  	_ =	shalt  }
0x65: {  	_ =	shalt  }
0x66: {  	_ =	shalt  }
0x67: {  	_ =	shalt  }
0x68: {  	_ =	shalt  }
0x69: {  	_ =	shalt  }
0x6a: {  	_ =	shalt  }
0x6b: {  	_ =	shalt  }
0x6c: {  	_ =	shalt  }
0x6d: {  	_ =	shalt  }
0x6e: {  	_ =	shalt  }
0x6f: {  	_ =	shalt  }
0x70: {  	_ =	shalt  }
0x71: {  	_ =	shalt  }
0x72: {  	_ =	shalt  }
0x73: {  	_ =	shalt  }
0x74: {  	_ =	shalt  }
0x75: {  	_ =	shalt  }
0x76: {  	_ =	shalt  }
0x77: {  	_ =	shalt  }
0x78: {  	_ =	shalt  }
0x79: {  	_ =	shalt  }
0x7a: {  	_ =	shalt  }
0x7b: {  	_ =	shalt  }
0x7c: {  	_ =	shalt  }
0x7d: {  	_ =	shalt  }
0x7e: {  	_ =	shalt  }
0x7f: {  	_ =	shalt  }
0x80: {  	_ =	shalt  }
0x81: {  	_ =	shalt  }
0x82: {  	_ =	shalt  }
0x83: {  	_ =	shalt  }
0x84: {  	_ =	shalt  }
0x85: {  	_ =	shalt  }
0x86: {  	_ =	shalt  }
0x87: {  	_ =	shalt  }
.Lfunc_end0:
.L_simem_size_0:
called_computation.2_lowered:
.L_overlay_start_0:
0x88: {  	s2 =	sld [smem:$0x3FD9]  }
0x89: {  	s3 =	sld [smem:$0x3FFE];
	_ =	sdelay $0x1  }
0x8a: {  	s1 =	srdreg.scid  }
0x8b: {  	s0 =	sand.u32 $0x1, s1  }
0x8c: {  	s16 =	sshll.u32 s0, $0xA;
	s2 =	sadd.s32 s3, s2  }
0x8d: {  	s2 =	sadd.s32 s2, s16  }
0x8e: {  	[smem:$0x3FC3] =	sst s2  }
0x8f: {  	_ = 	snop  }
0x90: {  	(tm) =	ssettm $0x1  }
0x91: {  	s17 =	sld [smem:$0x3FFB];
	_ =	sdelay $0x3  }
0x92: {  	_ =	strace s17  }
0x93: {  	s2 =	sld [smem:$0x3FFC];
	_ =	sdelay $0x3  }
0x94: {  	_ =	strace s2  }
0x95: {  	s2 =	sld [smem:$0x3FFD];
	_ =	sdelay $0x3  }
0x96: {  	_ =	strace s2  }
0x97: {  	_ =	strace $0x8FFFFFFF  }
0x98: {  	s18 =	sld [smem:$0x3FDB];
	_ =	sdelay $0x1  }
0x99: {  	s19 =	simm.s32 $_scs_section_size  }
0x9a: {  	s4 =	simm.s32 $_size__tile_overlayer_lowered;
	s5 =	simm.s32 $_tile_overlayer_lowered  }
0x9b: {  	s22 =	simm.s32 $0x1BFF;
	s21 =	sshll.u32 s5, $0x1;
	s2 =	sadd.s32 s19, s18  }
0x9c: {  	s6 =	simm.s32 $0x0;
	s20 =	sshll.u32 s4, $0x1;
	s4 =	sadd.s32 s21, s2  }
0x9d: {  	[timem:s6], [sflag:s22] =	dma.local [hbm:s4], s20  }
0x9e: {  	_ =	swait.ge [sflag:s22], s20  }
0x9f: {  	s3 =	ssub.s32 $0x0, s20;
	[sflag:s22] =	ssyncset.done $0x0  }
0xa0: {  	[sflag:s22] =	ssyncadd.s32 s3;
	_ =	sdelay $0x1  }
0xa1: {  	s23 =	simm.s32 $0x1B8B  }
0xa2: {  	_ =	swait.ge [sflag:s23], $0x1  }
0xa3: {  	[sflag:s23] =	ssyncset.done $0x0  }
0xa4: {  	s25 =	simm.s32 $0x1B8E;
	s24 =	sld [smem:$0x3FFE];
	[sflag:s23] =	ssyncadd.s32 $0xFFFFFFFF  }
0xa5: {  	s26 =	simm.s32 $execute0_lowered;
	[smem:$0x3FD2] =	sst s25  }
0xa6: {  	s4 =	sshll.u32 s26, $0x1;
	_ =	strace $0x80000049;
	[dreg:$0x1] =	wrdreg $0xFFFFFFFF  }
0xa7: {  	s28 =	simm.s32 $_size_execute0_lowered;
	s2 =	sadd.s32 s2, s4;
	[dreg:$0x0] =	wrdreg $0x0  }
0xa8: {  	s4 =	sshll.u32 s28, $0x1;
	[dreg:$0x2] =	wrdreg s2  }
0xa9: {  	[dreg:$0x3] =	wrdreg s4  }
0xaa: {  	[dreg:$0x4] =	wrdreg $0xC0  }
0xab: {  	_ =	task [dreg:s6], $0x5FFFF  }
0xac: {  	[dreg:$0x1] =	wrdreg $0xFFFFFFFF  }
0xad: {  	[dreg:$0x0] =	wrdreg $0x60  }
0xae: {  	[dreg:$0x2] =	wrdreg s24  }
0xaf: {  	[dreg:$0x3] =	wrdreg $0x9  }
0xb0: {  	_ =	task.clear_ibuf [dreg:s6], $0x4FFFF;
	_ =	strace $0x90000049  }
0xb1: {  	s29 =	simm.s32 $0x9;
	_ =	strace $0x8000004B  }
0xb2: {  	_ =	swait.ge [sflag:s29], $0x1  }
0xb3: {  	[sflag:s29] =	ssyncadd.s32 $0xFFFFFFFF  }
0xb4: {  	_ =	strace $0x9000004B  }
0xb5: {  	_ =	sfence  }
0xb6: {  	s30 =	sld [smem:$0x0];
	_ =	sdelay $0x2  }
0xb7: {  	s31 =	sshll.u32 s1, $0xD;
	s1 =	sshrl.u32 s1, $0x2  }
0xb8: {  	s3 =	sand.u32 $0x4000, s31;
	s1 =	sadd.s32 s1, s30  }
0xb9: {  	s0 =	sor.u32 s3, s0;
	s1 =	sshll.u32 s1, $0x11  }
0xba: {  	s0 =	sor.u32 s1, s0  }
0xbb: {  	s0 =	sadd.s32 $0x8F2B, s0  }
0xbc: {  	[sflag:s0] =	ssyncadd.remote.s32 $0x1  }
0xbd: {  	_ =	sfence.sel $0xFFFF  }
0xbe: {  	[dreg:$0x0] =	wrdreg $0xFFFFFFFF;
	(pc) =	sbr.abs _section_cstart, $3  }
0xbf: {  	[dreg:$0x1] =	wrdreg $0xFFFFFFFF  }
0xc0: {  	_ =	task.clear_ibuf [dreg:s6], $0x2FFFF;
	_ =	strace $0x9FFFFFFF  }
0xc1: {  	(tm) =	ssettm $0x7FFFFFFF  }
tec
execute0_lowered:
.L_overlay_start_1:
0x0: {  	(tag) =	ssettag $0x1  }
0x1: {  	s0 =	stileid.u32  }
0x2: {  	s1 =	srdreg.scid;
	s2 =	rddreg [dreg:$0x0]  }
0x3: {  	s5 =	simm.s32 $0x1;
	s8 =	simm.s32 $0x1;
	s9 =	simm.s32 $0x3  }
0x4: {  	s10 =	simm.s32 $0x0;
	s3 =	sand.u32 $0x1, s1;
	s4 =	sshll.u32 s0, $0x1  }
0x5: {  	s13 =	simm.s32 $0x0;
	s12 =	simm.s32 $0x0;
	s6 =	sor.u32 s4, s3  }
0x6: {  	s1 =	rddreg [dreg:$0x1];
	_ =	strace $0x8000004A;
	s4 =	smul.u32 $0xA0, s6  }
0x7: {  	s3 =	sadd.s32 $0x400, s2;
	p0 =	slt.u32 s6, $0x13;
	s6 =	simm.s32 $0x1400  }
.Ltmp0:
0x8: {  	s6 =	simm.s32 @!p0 $0x0;
	s7 =	ssub.s32 $0x1F40, s4;
	(pc) =	sbr.rel .LBB2_1-.Ltmp0, $4  }
0x9: {  	s8 =	simm.s32 @!p0 $0x0;
	p0 =	sne.s32 s7, s6;
	s7 =	simm.s32 $0x1  }
0xa: {  	[sflag:s5] =	ssyncpa.u1 $0x0;
	s6 =	simm.s32 $0x2;
	s7 =	simm.s32 @!p0 $0x0  }
0xb: {  	s11 =	smov.u32 s4;
	[sflag:s6] =	ssyncpa.u1 $0x0;
	s7 =	sadd.s32 s8, s7  }
0xc: {  	vm0 =	vmmov $0xffff;
	s8 =	sadd.s32 $0x2400, s2;
	[sflag:s9] =	ssyncpa.u1 $0x0;
	s9 =	sadd.s32 $0x1, s7  }
.LBB2_4:
0xd: {  	v5 =	vld.msk [tilespmem:s18+$0x0 ss:$0x1], $0xffff  }
0xe: {  	v6 =	vand.u32 $0x7, v1;
	v7 =	vshrl.u32 v1, $0x3  }
0xf: {  	v3 =	vor.u32 v4, v3;
	vm1 =	veq.s32 v1, $0x80000000;
	v53 =	vand.u32 $0x1FFF, v7  }
0x10: {  	v2 =	vor.u32 v2, v3;
	v54 =	vsel vm1, $0xFFFFFFFF, v6;
	v1 =	vsel vm1, $0xFFFFFFFF, v53  }
0x11: {  	v6 =	vshll.u32 v54, $0x7;
	v3 =	vand.u32 $0xFFFF0000, v54;
	v55 =	vand.u32 $0x7F, v1  }
0x12: {  	v1 =	vshll.u32 v1, $0x3;
	v6 =	vand.u32 $0x380, v6;
	v56 =	vshrl.u32 v5, $0x3  }
0x13: {  	v1 =	vand.u32 $0xFFFFFC00, v1;
	vm1 =	veq.s32 v5, $0x80000000;
	v57 =	vand.u32 $0x1FFF, v56  }
0x14: {  	v1 =	vadd.s32 v3, v1;
	v5 =	vand.u32 $0x7, v5;
	v3 =	vsel vm1, $0xFFFFFFFF, v57  }
0x15: {  	v1 =	vor.u32 v6, v1;
	v5 =	vsel vm1, $0xFFFFFFFF, v5;
	v58 =	vshll.u32 v3, $0x3  }
0x16: {  	v59 =	vshll.u32 v5, $0x7;
	v5 =	vand.u32 $0xFFFF0000, v5;
	v6 =	vand.u32 $0xFFFFFC00, v58  }
0x17: {  	v1 =	vor.u32 v55, v1;
	v61 =	vand.u32 $0x380, v59;
	v60 =	vadd.s32 v5, v6  }
0x18: {  	[tilespmem:s16], [sflag:$0x1] =	stream.indirect_vreg.gather [hbm4b:s3+s10], $0x1, v0, vm0, $0x4038;
	v62 =	vand.u32 $0x7F, v3;
	v63 =	vor.u32 v61, v60;
	[tilespmem:$0x280] =	vst v63  }
0x19: {  	(ifvalue) =	ssetifvalue $0x7FFFFFFF;
	v0 =	vor.u32 v62, v63  }
0x1a: {  	[tilespmem:s15], [sflag:$0x1] =	stream.indirect_vreg.gather [hbm4b:s3+s10], $0x1, v2, vm0, $0x4038;
	[tilespmem:$0x280] =	vst v63  }
0x1b: {  	s29 =	sadd.s32 $0x10, s15;
	(ifvalue) =	ssetifvalue $0x7FFFFFFF  }
0x1c: {  	[tilespmem:s29], [sflag:$0x1] =	stream.indirect_vreg.gather [hbm4b:s3+s10], $0x1, v1, vm0, $0x4038;
	[tilespmem:$0x280] =	vst v63  }
0x1d: {  	s15 =	sadd.s32 $0x10, s29;
	(ifvalue) =	ssetifvalue $0x7FFFFFFF  }
0x1e: {  	[tilespmem:s15], [sflag:$0x1] =	stream.indirect_vreg.gather [hbm4b:s3+s10], $0x1, v0, vm0, $0x4038;
	[tilespmem:$0x280] =	vst v63  }
0x1f: {  	_ =	swait.ge [sflag:s5], $0xA0  }
0x20: {  	s30 =	sshrl.u32 s13, $0x3;
	[sflag:s5] =	ssyncset.done $0x0  }
0x21: {  	s31 =	sand.u32 $0x7, s13;
	s15 =	sadd.s32 s8, s30;
	[sflag:s5] =	ssyncadd.s32 $0xFFFFFF60  }
0x22: {  	[hbm4b:s15+s31] =	stream.linear.scatter [tilespmem:s14], [sflag:$0x3], $0xA0, $0x38;
	[tilespmem:$0x280] =	vst v63  }
.LBB2_5:
0x23: {  	s15 =	sadd.s32 $0x1400, s11  }
0x24: {  	p1 =	sgt.s32 s15, $0x1F3F  }
0x25: {  	s15 =	smov.u32 @p1 s4;
	p1 =	sne.s32 s12, s9  }
.Ltmp1:
0x26: {  	p0 =	slt.u32 s12, $0x2;
	(pc) =	sbr.rel @!p1 .LBB2_6-.Ltmp1, $4  }
0x27: {  	s14 =	simm.s32 @!p0 $0x3  }
0x28: {  	_ =	swait.ge @!p0 [sflag:s14], $0xA0  }
0x29: {  	s16 =	sadd.s32 $0x1, s12;
	s13 =	smov.u32 s11;
	[sflag:s14] =	ssyncset.done @!p0 $0x0  }
0x2a: {  	s12 =	smov.u32 s16;
	s11 =	smov.u32 s15;
	[sflag:s14] =	ssyncadd.s32 @!p0 $0xFFFFFF60  }
.LBB2_1:
0x2b: {  	p0 =	sge.u32 s12, s7  }
0x2c: {  	s14 =	sxor.u32 @!p0 $0x1, s12  }
0x2d: {  	s14 =	smul.u32 @!p0 $0x280, s14  }
0x2e: {  	s31 =	sadd.s32 $0xFFFFFFFF, s12;
	s15 =	sshrl.u32 @!p0 s11, $0x3  }
0x2f: {  	s16 =	sand.u32 @!p0 $0x7, s11;
	s15 =	sadd.s32 @!p0 s2, s15;
	s14 =	sshra.s32 @!p0 s14, $0x2  }
0x30: {  	[tilespmem:s14], [sflag:$0x2] =	stream.linear.gather @!p0 [hbm4b:s15+s16], $0xA0, $0x38;
	[tilespmem:$0x280] =	vst v63  }
0x31: {  	p0 =	sge.u32 s31, s7  }
.Ltmp2:
0x32: {  	_ = 	snop;
	(pc) =	sbr.rel @p0 .LBB2_5-.Ltmp2, $1  }
0x33: {  	_ =	sdelay $0x3  }
0x34: {  	s14 =	sand.u32 $0x1, s12  }
0x35: {  	_ =	swait.ge [sflag:s6], $0xA0;
	p0 =	seq.s32 s14, $0x1;
	s14 =	simm.s32 $0xA0  }
0x36: {  	[sflag:s6] =	ssyncset.done $0x0;
	s14 =	simm.s32 @!p0 $0x0  }
0x37: {  	[sflag:s6] =	ssyncadd.s32 $0xFFFFFF60;
	(ifvalue) =	ssetifvalue $0x7FFFFFFF;
	v0 =	vld.msk [tilespmem:s14+$0x0 ss:$0x1], $0xffff;
	_ =	sdelay $0x4  }
0x38: {  	s15 =	sadd.s32 $0x10, s14;
	v2 =	vshrl.u32 v0, $0x3  }
0x39: {  	v1 =	vld.msk [tilespmem:s15+$0x0 ss:$0x1], $0xffff;
	vm1 =	veq.s32 v0, $0x80000000;
	v2 =	vand.u32 $0x1FFF, v2  }
0x3a: {  	v0 =	vand.u32 $0x7, v0;
	v2 =	vsel vm1, $0xFFFFFFFF, v2  }
0x3b: {  	v0 =	vsel vm1, $0xFFFFFFFF, v0;
	v3 =	vshll.u32 v2, $0x3  }
0x3c: {  	v4 =	vand.u32 $0xFFFF0000, v0;
	v0 =	vshll.u32 v0, $0x7;
	v3 =	vand.u32 $0xFFFFFC00, v3  }
0x3d: {  	v0 =	vand.u32 $0x380, v0;
	v3 =	vadd.s32 v4, v3  }
0x3e: {  	v2 =	vand.u32 $0x7F, v2;
	v4 =	vshrl.u32 v1, $0x3;
	v0 =	vor.u32 v0, v3  }
0x3f: {  	vm1 =	veq.s32 v1, $0x80000000;
	v4 =	vand.u32 $0x1FFF, v4;
	v0 =	vor.u32 v2, v0  }
0x40: {  	s15 =	sadd.s32 $0x10, s15;
	v1 =	vand.u32 $0x7, v1;
	v3 =	vsel vm1, $0xFFFFFFFF, v4  }
0x41: {  	s14 =	sor.u32 $0x140, s14;
	v2 =	vsel vm1, $0xFFFFFFFF, v1;
	v1 =	vld.msk [tilespmem:s15+$0x0 ss:$0x1], $0xffff;
	v4 =	vshll.u32 v3, $0x3  }
0x42: {  	s17 =	simm.s32 $0x30;
	s16 =	smov.u32 s14;
	v5 =	vshll.u32 v2, $0x7;
	v6 =	vand.u32 $0xFFFF0000, v2;
	v4 =	vand.u32 $0xFFFFFC00, v4  }
0x43: {  	s18 =	sadd.s32 $0x10, s15;
	(ifvalue) =	ssetifvalue $0x7FFFFFFF;
	s15 =	sadd.s32 $0x10, s14;
	v2 =	vand.u32 $0x7F, v3;
	v3 =	vadd.s32 v6, v4;
	v4 =	vand.u32 $0x380, v5  }
.LBB2_3:
0x44: {  	[tilespmem:s16], [sflag:$0x1] =	stream.indirect_vreg.gather [hbm4b:s3+s10], $0x1, v0, vm0, $0x4038;
	[tilespmem:$0x280] =	vst v63  }
0x45: {  	s17 =	sadd.s32 $0x10, s17  }
0x46: {  	v5 =	vand.u32 $0x7, v1;
	v6 =	vshrl.u32 v1, $0x3;
	v3 =	vor.u32 v4, v3;
	v0 =	vmovc v1;
	v1 =	vld.msk [tilespmem:s18+$0x0 ss:$0x1], $0xffff;
	p0 =	slt.u32 s17, $0x90  }
.Ltmp3:
0x47: {  	s16 =	smov.u32 s15;
	vm1 =	veq.s32 v0, $0x80000000;
	v4 =	vand.u32 $0x1FFF, v6;
	v0 =	vor.u32 v2, v3;
	(pc) =	sbr.rel @p0 .LBB2_3-.Ltmp3, $4  }
0x48: {  	v3 =	vsel vm1, $0xFFFFFFFF, v5;
	v4 =	vsel vm1, $0xFFFFFFFF, v4  }
0x49: {  	v2 =	vand.u32 $0x7F, v4;
	v4 =	vshll.u32 v4, $0x3;
	v5 =	vshll.u32 v3, $0x7  }
0x4a: {  	v3 =	vand.u32 $0xFFFF0000, v3;
	v4 =	vand.u32 $0xFFFFFC00, v4  }
0x4b: {  	s18 =	sadd.s32 $0x10, s18;
	s15 =	sadd.s32 $0x10, s15;
	v3 =	vadd.s32 v3, v4;
	v4 =	vand.u32 $0x380, v5;
	(ifvalue) =	ssetifvalue $0x7FFFFFFF  }
.Ltmp4:
0x4c: {  	_ = 	snop;
	(pc) =	sbr.rel .LBB2_4-.Ltmp4, $1  }
0x4d: {  	_ =	sdelay $0x3  }
.LBB2_6:
0x4e: {  	_ =	sfence.sel $0x180000  }
0x4f: {  	s2 =	simm.s32 $0x2;
	[bflag:$0x0] =	sbarrier.arrive $0xFFFF  }
0x50: {  	s30 =	simm.s32 $0x3;
	[sflag:s2] =	ssyncpa.u1 $0x1  }
0x51: {  	s31 =	simm.s32 $0x1;
	[sflag:s30] =	ssyncpa.u1 $0x1  }
0x52: {  	[sflag:s31] =	ssyncpa.u1 $0x1  }
0x53: {  	p0 =	sne.s32 s0, $0x0;
	_ =	strace $0x9000004A  }
0x54: {  	s0 =	sadd.s32 @!p0 $0x100000, s1;
	[bflag:$0x2] =	sbarrier.arrive $0xFFFF  }
0x55: {  	[sflag:s0] =	ssyncadd.tile.s32 @!p0 $0x1;
	_ =	shalt  }
.Lfunc_end2:
_tile_overlayer_lowered:
.L_overlay_start_2:
0x56: {  	(tag) =	ssettag $0x2  }
0x57: {  	s0 =	rddreg [dreg:$0x0];
	s2 =	stileid.u32  }
0x58: {  	s1 =	rddreg [dreg:$0x1];
	p0 =	sne.s32 s2, $0x0  }
0x59: {  	s3 =	rddreg [dreg:$0x2];
	[bflag:$0x3] =	sbarrier.arrive $0xFFFF;
	s2 =	simm.s32 @!p0 $0x1C01  }
0x5a: {  	[timem:s3], [sflag:s2] =	dma.local @!p0 [hbm:s0], s1  }
0x5b: {  	s0 =	simm.s32 @!p0 $0x1  }
0x5c: {  	_ =	swait.ge @!p0 [sflag:s0], s1  }
0x5d: {  	s1 =	ssub.s32 @!p0 $0x0, s1;
	[sflag:s0] =	ssyncset.done @!p0 $0x0  }
0x5e: {  	[sflag:s0] =	ssyncadd.s32 @!p0 s1  }
0x5f: {  	[bflag:$0x3] =	sbarrier.arrive $0xFFFF  }
0x60: {  	_ =	shalt  }

// kernel: kernel.5.cloned.1.call-start
scs
__scs_entry_jumppad:
0x0: {  	(pc) =	sbr.rel $0x88, $3  }
0x1: {  	(tag) =	ssettag $0x0;
	lr =	simm.s32 $0x1  }
0x2: {  	[smem:$0x3F9C] =	sst lr;
	_ =	strace $0xD0000000  }
0x3: {  	_ = 	snop  }
0x4: {  	_ = 	snop  }
0x5: {  	_ = 	snop  }
0x6: {  	_ = 	snop  }
0x7: {  	_ = 	snop  }
__scs_overlays_trampoline_lowered:
0x8: {  	[smem:$0x3FAB] =	sst s0  }
0x9: {  	[smem:$0x3FAC] =	sst s1  }
0xa: {  	[smem:$0x3FAD] =	sst s2  }
0xb: {  	[smem:$0x3FAE] =	sst s3  }
0xc: {  	[smem:$0x3FAF] =	sst s4  }
0xd: {  	[smem:$0x3FB0] =	sst s5  }
0xe: {  	[smem:$0x3FB1] =	sst s6  }
0xf: {  	[smem:$0x3FB2] =	sst s7  }
0x10: {  	[smem:$0x3FB3] =	sst s8  }
0x11: {  	[smem:$0x3FB4] =	sst s9;
	s0 =	simm.s32 @!p0 $0x0  }
0x12: {  	s1 =	sld [smem:$0x3F9A];
	s0 =	simm.s32 @p0 $0x1  }
0x13: {  	[smem:$0x3FB5] =	sst s0;
	s0 =	simm.s32 @!p1 $0x0  }
0x14: {  	s2 =	sld [smem:$0x3F99];
	s0 =	simm.s32 @p1 $0x1  }
0x15: {  	[smem:$0x3FB6] =	sst s0;
	s0 =	simm.s32 @!p2 $0x0  }
0x16: {  	s3 =	sld [smem:$0x3FDB];
	s0 =	simm.s32 @p2 $0x1  }
0x17: {  	s4 =	simm.s32 $0x1BF5;
	[smem:$0x3FB8] =	sst s0  }
0x18: {  	s0 =	sld [smem:$0x3F9B];
	_ =	swait.ge [sflag:s4], $0x0  }
0x19: {  	s7 =	sld [smem:$0x3F9C]  }
0x1a: {  	s8 =	sadd.s32 $0xFFFFE003, lr  }
0x1b: {  	s9 =	sadd.s32 $0xFFFFFEF7, lr;
	s5 =	simm.s32 $0xFFFFFFFF;
	p2 =	slt.u32 s8, $0xFFFFF086  }
0x1c: {  	p1 =	slt.u32 s9, $0xF7A;
	s5 =	simm.s32 @!p2 $0x0  }
0x1d: {  	s5 =	simm.s32 @p1 $0x1;
	p0 =	seq.s32 s7, s2  }
0x1e: {  	s7 =	smul.u32 @!p0 $0xF7A, s2;
	p2 =	seq.s32 @!p0 s5, $0x0  }
0x1f: {  	s9 =	smul.u32 $0xF7A, s1;
	s8 =	simm.s32 @!p0 $0x1BF5;
	p2 =	por !p2, p0  }
0x20: {  	[sflag:s8] =	ssyncset.s32 @!p0 $0xFFFFF086;
	s6 =	sadd.s32 @!p0 s3, s7;
	s7 =	simm.s32 @!p0 $0x108  }
0x21: {  	s3 =	sadd.s32 s3, s9;
	s6 =	sadd.s32 @!p0 $0x88, s6;
	s7 =	simm.s32 @p2 $0x1082  }
0x22: {  	[simem:s7], [sflag:s8] =	dma.local @!p0 [hbm:s6], $0xF7A  }
0x23: {  	s9 =	sor.u32 $0xD0000000, s2;
	s6 =	simm.s32 $0x108;
	_ =	swait.ge @!p0 [sflag:s8], $0x0  }
0x24: {  	s3 =	sadd.s32 $0x88, s3;
	s6 =	simm.s32 @!p1 $0x1082;
	[sflag:s4] =	ssyncset.s32 $0xFFFFF086  }
0x25: {  	[simem:s6], [sflag:s4] =	dma.local [hbm:s3], $0xF7A  }
0x26: {  	[smem:$0x3F9C] =	sst s1;
	(tag) =	ssettag s2;
	_ =	strace s9  }
0x27: {  	s1 =	sld [smem:$0x3FAC]  }
0x28: {  	s2 =	sld [smem:$0x3FAD]  }
0x29: {  	s4 =	sld [smem:$0x3FAF]  }
0x2a: {  	p0 =	seq.s32 s5, $0x0;
	s5 =	sld [smem:$0x3FB0]  }
0x2b: {  	s6 =	sld [smem:$0x3FB1]  }
0x2c: {  	s7 =	sld [smem:$0x3FB2]  }
0x2d: {  	s3 =	simm.s32 $0x108;
	s8 =	sld [smem:$0x3FB3]  }
0x2e: {  	s3 =	simm.s32 @!p0 $0x1082;
	s9 =	sld [smem:$0x3FB4]  }
0x2f: {  	lr =	sadd.s32 s0, s3;
	s0 =	sld [smem:$0x3FAB]  }
0x30: {  	s3 =	sld [smem:$0x3FAE]  }
0x31: {  	[smem:$0x3FB7] =	sst s10  }
0x32: {  	s10 =	sld [smem:$0x3FB5];
	_ =	sdelay $0x3  }
0x33: {  	p0 =	seq.s32 s10, $0x1;
	s10 =	sld [smem:$0x3FB7];
	_ =	sdelay $0x3  }
0x34: {  	[smem:$0x3FB7] =	sst s10  }
0x35: {  	s10 =	sld [smem:$0x3FB6];
	_ =	sdelay $0x3  }
0x36: {  	p1 =	seq.s32 s10, $0x1;
	s10 =	sld [smem:$0x3FB7];
	_ =	sdelay $0x3  }
0x37: {  	[smem:$0x3FB7] =	sst s10  }
0x38: {  	s10 =	sld [smem:$0x3FB8]  }
0x39: {  	_ = 	snop;
	(pc) =	sbr.ind lr, $3  }
0x3a: {  	_ = 	snop  }
0x3b: {  	_ = 	snop  }
0x3c: {  	p2 =	seq.s32 s10, $0x1;
	s10 =	sld [smem:$0x3FB7]  }
0x3d: {  	_ =	shalt  }
0x3e: {  	_ =	shalt  }
0x3f: {  	_ =	shalt  }
0x40: {  	_ =	shalt  }
0x41: {  	_ =	shalt  }
0x42: {  	_ =	shalt  }
0x43: {  	_ =	shalt  }
0x44: {  	_ =	shalt  }
0x45: {  	_ =	shalt  }
0x46: {  	_ =	shalt  }
0x47: {  	_ =	shalt  }
0x48: {  	_ =	shalt  }
0x49: {  	_ =	shalt  }
0x4a: {  	_ =	shalt  }
0x4b: {  	_ =	shalt  }
0x4c: {  	_ =	shalt  }
0x4d: {  	_ =	shalt  }
0x4e: {  	_ =	shalt  }
0x4f: {  	_ =	shalt  }
0x50: {  	_ =	shalt  }
0x51: {  	_ =	shalt  }
0x52: {  	_ =	shalt  }
0x53: {  	_ =	shalt  }
0x54: {  	_ =	shalt  }
0x55: {  	_ =	shalt  }
0x56: {  	_ =	shalt  }
0x57: {  	_ =	shalt  }
0x58: {  	_ =	shalt  }
0x59: {  	_ =	shalt  }
0x5a: {  	_ =	shalt  }
0x5b: {  	_ =	shalt  }
0x5c: {  	_ =	shalt  }
0x5d: {  	_ =	shalt  }
0x5e: {  	_ =	shalt  }
0x5f: {  	_ =	shalt  }
0x60: {  	_ =	shalt  }
0x61: {  	_ =	shalt  }
0x62: {  	_ =	shalt  }
0x63: {  	_ =	shalt  }
0x64: {  	_ =	shalt  }
0x65: {  	_ =	shalt  }
0x66: {  	_ =	shalt  }
0x67: {  	_ =	shalt  }
0x68: {  	_ =	shalt  }
0x69: {  	_ =	shalt  }
0x6a: {  	_ =	shalt  }
0x6b: {  	_ =	shalt  }
0x6c: {  	_ =	shalt  }
0x6d: {  	_ =	shalt  }
0x6e: {  	_ =	shalt  }
0x6f: {  	_ =	shalt  }
0x70: {  	_ =	shalt  }
0x71: {  	_ =	shalt  }
0x72: {  	_ =	shalt  }
0x73: {  	_ =	shalt  }
0x74: {  	_ =	shalt  }
0x75: {  	_ =	shalt  }
0x76: {  	_ =	shalt  }
0x77: {  	_ =	shalt  }
0x78: {  	_ =	shalt  }
0x79: {  	_ =	shalt  }
0x7a: {  	_ =	shalt  }
0x7b: {  	_ =	shalt  }
0x7c: {  	_ =	shalt  }
0x7d: {  	_ =	shalt  }
0x7e: {  	_ =	shalt  }
0x7f: {  	_ =	shalt  }
0x80: {  	_ =	shalt  }
0x81: {  	_ =	shalt  }
0x82: {  	_ =	shalt  }
0x83: {  	_ =	shalt  }
0x84: {  	_ =	shalt  }
0x85: {  	_ =	shalt  }
0x86: {  	_ =	shalt  }
0x87: {  	_ =	shalt  }
.Lfunc_end0:
.L_simem_size_0:
called_computation.5_lowered:
.L_overlay_start_0:
0x88: {  	s2 =	sld [smem:$0x3FD9]  }
0x89: {  	s3 =	sld [smem:$0x3FFE];
	_ =	sdelay $0x1  }
0x8a: {  	s1 =	srdreg.scid  }
0x8b: {  	s0 =	sand.u32 $0x1, s1  }
0x8c: {  	s14 =	sshll.u32 s0, $0xA;
	s2 =	sadd.s32 s3, s2  }
0x8d: {  	s2 =	sadd.s32 s2, s14  }
0x8e: {  	[smem:$0x3FC3] =	sst s2  }
0x8f: {  	_ = 	snop  }
0x90: {  	s2 =	sld [smem:$0x3FD0];
	_ =	sdelay $0x2  }
0x91: {  	s15 =	simm.s32 $0xA;
	s4 =	simm.s32 $0x10  }
0x92: {  	[smem:s4], [sflag:s15] =	dma.local [hbm:s2], $0x1  }
0x93: {  	_ =	swait.eq [sflag:s15], $0x1  }
0x94: {  	[sflag:s15] =	ssyncset.done $0x0  }
0x95: {  	[sflag:s15] =	ssyncadd.s32 $0xFFFFFFFF  }
0x96: {  	s16 =	sld [smem:$0x10];
	(tm) =	ssettm $0x1  }
0x97: {  	s17 =	sld [smem:$0x3FFB];
	_ =	sdelay $0x3  }
0x98: {  	_ =	strace s17  }
0x99: {  	s3 =	sld [smem:$0x3FFC];
	_ =	sdelay $0x3  }
0x9a: {  	_ =	strace s3  }
0x9b: {  	s3 =	sld [smem:$0x3FFD];
	_ =	sdelay $0x3  }
0x9c: {  	_ =	strace s3  }
0x9d: {  	_ =	strace $0x8FFFFFFF  }
0x9e: {  	s18 =	sld [smem:$0x3FDB];
	_ =	sdelay $0x1  }
0x9f: {  	s19 =	simm.s32 $_scs_section_size  }
0xa0: {  	s5 =	simm.s32 $_size__tile_overlayer_lowered;
	s6 =	simm.s32 $_tile_overlayer_lowered  }
0xa1: {  	s22 =	simm.s32 $0x1BFF;
	s21 =	sshll.u32 s6, $0x1;
	s3 =	sadd.s32 s19, s18  }
0xa2: {  	s7 =	simm.s32 $0x0;
	s20 =	sshll.u32 s5, $0x1;
	s5 =	sadd.s32 s21, s3  }
0xa3: {  	[timem:s7], [sflag:s22] =	dma.local [hbm:s5], s20  }
0xa4: {  	_ =	swait.ge [sflag:s22], s20  }
0xa5: {  	s4 =	ssub.s32 $0x0, s20;
	[sflag:s22] =	ssyncset.done $0x0  }
0xa6: {  	[sflag:s22] =	ssyncadd.s32 s4;
	_ =	sdelay $0x1  }
0xa7: {  	s23 =	simm.s32 $0x1B8B  }
0xa8: {  	_ =	swait.ge [sflag:s23], $0x1  }
0xa9: {  	[sflag:s23] =	ssyncset.done $0x0  }
0xaa: {  	s25 =	simm.s32 $0x1B8E;
	s24 =	sld [smem:$0x3FFE];
	[sflag:s23] =	ssyncadd.s32 $0xFFFFFFFF  }
0xab: {  	s26 =	simm.s32 $execute0_lowered;
	[smem:$0x3FD2] =	sst s25  }
0xac: {  	s5 =	sshll.u32 s26, $0x1;
	_ =	strace $0x8000004F;
	[dreg:$0x1] =	wrdreg $0xFFFFFFFF  }
0xad: {  	s28 =	simm.s32 $_size_execute0_lowered;
	s3 =	sadd.s32 s3, s5;
	[dreg:$0x0] =	wrdreg $0x0  }
0xae: {  	s5 =	sshll.u32 s28, $0x1;
	[dreg:$0x2] =	wrdreg s3  }
0xaf: {  	[dreg:$0x3] =	wrdreg s5  }
0xb0: {  	[dreg:$0x4] =	wrdreg $0xC0  }
0xb1: {  	_ =	task [dreg:s7], $0x5FFFF  }
0xb2: {  	[dreg:$0x1] =	wrdreg $0xFFFFFFFF  }
0xb3: {  	[dreg:$0x0] =	wrdreg $0x60  }
0xb4: {  	[dreg:$0x2] =	wrdreg s24  }
0xb5: {  	[dreg:$0x3] =	wrdreg s16  }
0xb6: {  	[dreg:$0x4] =	wrdreg $0x9  }
0xb7: {  	_ =	task.clear_ibuf [dreg:s7], $0x5FFFF;
	_ =	strace $0x9000004F  }
0xb8: {  	s29 =	simm.s32 $0x9;
	_ =	strace $0x80000051  }
0xb9: {  	_ =	swait.ge [sflag:s29], $0x1  }
0xba: {  	[sflag:s29] =	ssyncadd.s32 $0xFFFFFFFF  }
0xbb: {  	_ =	strace $0x90000051  }
0xbc: {  	_ =	sfence  }
0xbd: {  	s30 =	sld [smem:$0x0];
	_ =	sdelay $0x2  }
0xbe: {  	s31 =	sshll.u32 s1, $0xD;
	s1 =	sshrl.u32 s1, $0x2  }
0xbf: {  	s3 =	sand.u32 $0x4000, s31;
	s1 =	sadd.s32 s1, s30  }
0xc0: {  	s0 =	sor.u32 s3, s0;
	s1 =	sshll.u32 s1, $0x11  }
0xc1: {  	s0 =	sor.u32 s1, s0  }
0xc2: {  	s0 =	sadd.s32 $0x8F2B, s0  }
0xc3: {  	[sflag:s0] =	ssyncadd.remote.s32 $0x1  }
0xc4: {  	_ =	sfence.sel $0xFFFF  }
0xc5: {  	[dreg:$0x0] =	wrdreg $0xFFFFFFFF;
	(pc) =	sbr.abs _section_cstart, $3  }
0xc6: {  	[dreg:$0x1] =	wrdreg $0xFFFFFFFF  }
0xc7: {  	_ =	task.clear_ibuf [dreg:s7], $0x2FFFF;
	_ =	strace $0x9FFFFFFF  }
0xc8: {  	(tm) =	ssettm $0x7FFFFFFF  }
0xc9: {  	_ =	shalt  }
tec
execute0_lowered:
.L_overlay_start_1:
0x0: {  	(tag) =	ssettag $0x1  }
0x1: {  	s1 =	srdreg.scid  }
0x2: {  	s0 =	stileid.u32;
	s2 =	rddreg [dreg:$0x0]  }
0x3: {  	s7 =	rddreg [dreg:$0x1];
	s3 =	simm.s32 $0x0;
	s13 =	simm.s32 $0x400  }
0x4: {  	s14 =	simm.s32 $0x2580;
	s15 =	simm.s32 $0x4580;
	s16 =	simm.s32 $0x6580  }
0x5: {  	s18 =	simm.s32 $0x7600;
	s19 =	simm.s32 $0x0;
	s4 =	sand.u32 $0x1, s1  }
0x6: {  	s31 =	sshll.u32 s0, $0x1;
	s6 =	sshrl.u32 s0, $0x2;
	[smem:$0x7FF] =	sst s3  }
0x7: {  	s5 =	sor.u32 s4, s31;
	s9 =	sshll.u32 s6, $0xE;
	s4 =	ssub.s32 $0x2, s4  }
0x8: {  	s11 =	sshll.u32 s6, $0xA;
	s6 =	smul.u32 $0x290400, s6;
	s1 =	sshll.u32 s5, $0x7  }
0x9: {  	s10 =	sshll.u32 s5, $0x5;
	s12 =	sshrl.u32 s4, $0x1;
	s5 =	sand.u32 $0x3, s5  }
0xa: {  	s8 =	sand.u32 $0x380, s1;
	s1 =	rddreg [dreg:$0x2];
	_ =	strace $0x80000050  }
0xb: {  	s10 =	sadd.s32 s10, s2;
	s12 =	ssub.s32 s4, s12;
	s17 =	smul.u32 $0x52080, s5  }
0xc: {  	s9 =	sor.u32 s9, s8;
	s11 =	sor.u32 s11, s8;
	s5 =	sor.u32 s8, s6  }
0xd: {  	v0 =	vlaneseq.u32;
	s8 =	sadd.s32 $0x148200, s10;
	s10 =	simm.s32 $0x7580;
	s9 =	sshrl.u32 s9, $0x3  }
0xe: {  	s11 =	sshrl.u32 s11, $0x3;
	v1 =	vor.u32 s17, v0;
	s17 =	simm.s32 $0x6D80;
	s9 =	sadd.s32 s9, s2  }
0xf: {  	s4 =	sadd.s32 s7, s11;
	s11 =	simm.s32 $0x1;
	s6 =	sadd.s32 $0x148600, s9  }
0x10: {  	v2 =	vimm.f32 $0.0e+00;
	v3 =	vimm.s32 $0x0;
	s7 =	sadd.s32 $0x14A600, s9;
	s9 =	smax.u32 s12, $0x1;
	s12 =	simm.s32 $0x80  }
.LBB2_1:
0x11: {  	[tilespmem:s10], [sflag:$0x1] =	stream.linear.gather [hbm4b:s4+s3], $0x80, $0x38;
	[tilespmem:$0x7700] =	vst v63  }
0x12: {  	_ =	swait.ge [sflag:s11], $0x80  }
0x13: {  	[sflag:s11] =	ssyncset.done $0x0  }
0x14: {  	[sflag:s11] =	ssyncadd.s32 $0xFFFFFF80  }
0x15: {  	s20 =	simm.s32 $0x40;
	s22 =	simm.s32 $0x0;
	v4 =	vld [tilespmem:$0x7580]  }
.LBB2_2:
0x16: {  	p0 =	sne.s32 s20, $0x7FC0;
	[tilespmem:s22+$0x2580] =	vst v2;
	s21 =	smov.u32 s20;
	s20 =	sadd.s32 $0x40, s20  }
.Ltmp0:
0x17: {  	[tilespmem:s22+$0x4580] =	vst v3;
	(pc) =	sbr.rel @p0 .LBB2_2-.Ltmp0, $2  }
0x18: {  	_ =	sdelay $0x2  }
0x19: {  	s22 =	sshra.s32 s21, $0x2  }
0x1a: {  	[tilespmem:s22+$0x2580] =	vst v2  }
0x1b: {  	s21 =	simm.s32 $0x0;
	[tilespmem:s22+$0x4580] =	vst v3;
	s20 =	simm.s32 $0x40;
	s22 =	simm.s32 $0x0  }
.LBB2_4:
0x1c: {  	p0 =	sne.s32 s20, $0x1FC0;
	[tilespmem:s22+$0x6580] =	vst v2;
	s23 =	smov.u32 s20;
	s20 =	sadd.s32 $0x40, s20  }
.Ltmp1:
0x1d: {  	[tilespmem:s22+$0x6D80] =	vst v3;
	(pc) =	sbr.rel @p0 .LBB2_4-.Ltmp1, $2  }
0x1e: {  	_ =	sdelay $0x2  }
0x1f: {  	s22 =	sshra.s32 s23, $0x2  }
0x20: {  	[tilespmem:s22+$0x6580] =	vst v2  }
0x21: {  	[tilespmem:s22+$0x6D80] =	vst v3;
	v5 =	vmov v1;
	s20 =	simm.s32 $0x0  }
.LBB2_6:
0x22: {  	s22 =	smul.u32 $0x12C00, s20;
	_ =	sdelay $0x1  }
0x23: {  	s22 =	sadd.s32 s5, s22  }
0x24: {  	s22 =	sshrl.u32 s22, $0x3  }
0x25: {  	s23 =	simm.s32 $0x0;
	s22 =	sadd.s32 s2, s22  }
0x26: {  	[tilespmem:s23], [sflag:$0x1] =	stream.strided.gather [hbm4b:s22+s12], $0x2580, s13, s12, $0x38;
	[tilespmem:$0x7700] =	vst v63  }
0x27: {  	_ =	swait.ge [sflag:s11], $0x2580  }
0x28: {  	[sflag:s11] =	ssyncset.done $0x0  }
0x29: {  	s28 =	simm.s32 $0x0;
	[sflag:s11] =	ssyncadd.s32 $0xFFFFDA80  }
0x2a: {  	v13 =	vld [tilespmem:s28+$0x0]  }
0x2b: {  	v14 =	vld [tilespmem:s28+$0x10]  }
0x2c: {  	v18 =	vld [tilespmem:s28+$0x20]  }
0x2d: {  	v9 =	vld [tilespmem:s28+$0x30]  }
0x2e: {  	v6 =	vld [tilespmem:s28+$0x50]  }
0x2f: {  	vm7 =	vge.f32 v13, v4  }
0x30: {  	vm6 =	vge.f32 v14, v4;
	v8 =	vsel vm7, $0x3F800000, v2  }
0x31: {  	vm5 =	vge.f32 v18, v4;
	v10 =	vsel vm6, $0x3F800000, v2;
	(xrf0) =	vmax.scan.msk.f32 $0xffff, v8  }
0x32: {  	v7 =	vld [tilespmem:s28+$0x40];
	vm4 =	vge.f32 v9, v4;
	(xrf0) =	vmax.scan.msk.f32 $0xffff, v10;
	v10 =	vsel vm5, $0x3F800000, v2  }
0x33: {  	vm1 =	vge.f32 v6, v4;
	v11 =	vsel vm4, $0x3F800000, v2;
	v8 =	vld [tilespmem:s28+$0x60];
	(xrf0) =	vmax.scan.msk.f32 $0xffff, v10  }
0x34: {  	(xrf0) =	vmax.scan.msk.f32 $0xffff, v11;
	v11 =	vsel vm1, $0x3F800000, v2;
	_ =	sdelay $0x2  }
0x35: {  	vm3 =	vge.f32 v7, v4;
	v10 =	vld [tilespmem:s28+$0x70];
	(xrf0) =	vmax.scan.msk.f32 $0xffff, v11;
	v11, _, _ =	vpop (xrf0)  }
0x36: {  	v12 =	vsel vm3, $0x3F800000, v2;
	vm2 =	vge.f32 v8, v4;
	(v2sf) =	vpush v11, $0xF;
	v11, _, _ =	vpop (xrf0)  }
0x37: {  	(v2sf) =	vpush v11, $0xF;
	v11 =	vsel vm2, $0x3F800000, v2  }
0x38: {  	(xrf0) =	vmax.scan.msk.f32 $0xffff, v12  }
0x39: {  	v12, _, _ =	vpop (xrf0)  }
0x3a: {  	vm0 =	vge.f32 v10, v4;
	(xrf0) =	vmax.scan.msk.f32 $0xffff, v11;
	(v2sf) =	vpush v12, $0xF;
	v11, _, _ =	vpop (xrf0)  }
0x3b: {  	(v2sf) =	vpush v11, $0xF;
	v11 =	vsel vm0, $0x3F800000, v2;
	_ =	sdelay $0x1  }
0x3c: {  	v12, _, _ =	vpop (xrf0);
	(xrf0) =	vmax.scan.msk.f32 $0xffff, v11  }
0x3d: {  	(v2sf) =	vpush v12, $0xF;
	v11, _, _ =	vpop (xrf0)  }
0x3e: {  	(v2sf) =	vpush v11, $0xF  }
0x3f: {  	v11, _, _ =	vpop (xrf0)  }
0x40: {  	(v2sf) =	vpush v11, $0xF;
	_ =	sdelay $0x1  }
0x41: {  	v11, _, _ =	vpop (xrf0)  }
0x42: {  	(v2sf) =	vpush v11, $0xF;
	_ =	sdelay $0x2  }
0x43: {  	s29 =	spop (v2sf)  }
0x44: {  	v15 =	vadd.s32 s21, v0;
	p0 =	sgt.f32 s29, $0.0e+00;
	s30 =	spop (v2sf)  }
0x45: {  	vm8 =	vlt.s32 v15, $0x2000;
	s22 =	simm.s32 $0x10;
	p2 =	sgt.f32 s30, $0.0e+00  }
0x46: {  	s23 =	simm.s32 $0x10;
	vm7 =	vmand vm8, vm7;
	vm8 =	vlt.s32 v15, $0x1FFF;
	s31 =	spop (v2sf);
	s22 =	simm.s32 @!p0 $0x0  }
0x47: {  	v15 =	vnsel vm8, $0x1FFF, v15;
	p1 =	sgt.f32 s31, $0.0e+00;
	s25 =	sadd.s32 s21, s22;
	s23 =	simm.s32 @!p2 $0x0  }
0x48: {  	v12 =	vadd.s32 $0x30, v5;
	v11 =	vmovc v5;
	v5 =	vadd.s32 $0x80, v5;
	s22 =	simm.s32 $0x10;
	s24 =	spop (v2sf);
	v16 =	vadd.s32 s25, v0;
	s21 =	sadd.s32 s23, s25  }
0x49: {  	v20 =	vadd.s32 $0x20, v11;
	v21 =	vadd.s32 $0x10, v11;
	s23 =	simm.s32 $0x10;
	p0 =	sgt.f32 s24, $0.0e+00;
	s26 =	spop (v2sf);
	vm8 =	vlt.s32 v16, $0x2000  }
0x4a: {  	s25 =	simm.s32 $0x10;
	vm9 =	vlt.s32 v16, $0x1FFF;
	v17 =	vadd.s32 s21, v0;
	s23 =	simm.s32 @!p1 $0x0;
	vm6 =	vmand vm6, vm8;
	s28 =	spop (v2sf)  }
0x4b: {  	vm8 =	vlt.s32 v17, $0x2000;
	vm10 =	vlt.s32 v17, $0x1FFF;
	s21 =	sadd.s32 s23, s21;
	v19 =	vnsel vm9, $0x1FFF, v16;
	s25 =	simm.s32 @!p0 $0x0;
	p1 =	sgt.f32 s28, $0.0e+00  }
0x4c: {  	p0 =	sgt.f32 s26, $0.0e+00;
	v16 =	vadd.s32 s21, v0;
	vm8 =	vmand vm5, vm8;
	v22 =	vnsel vm10, $0x1FFF, v17;
	s21 =	sadd.s32 s25, s21;
	s29 =	spop (v2sf)  }
0x4d: {  	[tilespmem:v15+s14+$0x0] =	vst.idx.msk vm7, v13;
	s24 =	simm.s32 $0x10;
	vm5 =	vlt.s32 v16, $0x2000;
	vm14 =	vlt.s32 v16, $0x1FFF;
	v17 =	vadd.s32 s21, v0;
	s22 =	simm.s32 @!p1 $0x0;
	p1 =	sgt.f32 s29, $0.0e+00  }
0x4e: {  	[tilespmem:v15+s15+$0x0] =	vst.idx.msk vm7, v11;
	s23 =	simm.s32 $0x10;
	s24 =	simm.s32 @!p0 $0x0;
	vm5 =	vmand vm4, vm5;
	v15 =	vnsel vm14, $0x1FFF, v16;
	vm4 =	vlt.s32 v17, $0x2000;
	s21 =	sadd.s32 s22, s21  }
0x4f: {  	vm15 =	vlt.s32 v17, $0x1FFF;
	vm3 =	vmand vm3, vm4;
	s30 =	spop (v2sf);
	s22 =	sadd.s32 s24, s21;
	v13 =	vadd.s32 s21, v0;
	s23 =	simm.s32 @!p1 $0x0  }
0x50: {  	[tilespmem:v19+s14+$0x0] =	vst.idx.msk vm6, v14;
	v14 =	vnsel vm15, $0x1FFF, v17;
	p0 =	sgt.f32 s30, $0.0e+00;
	v16 =	vadd.s32 s22, v0;
	vm4 =	vlt.s32 v13, $0x2000;
	s31 =	sadd.s32 s23, s22  }
0x51: {  	[tilespmem:v19+s15+$0x0] =	vst.idx.msk vm6, v21;
	vm7 =	vlt.s32 v13, $0x1FFF;
	s23 =	simm.s32 $0x10;
	vm6 =	vlt.s32 v16, $0x2000;
	v17 =	vadd.s32 s31, v0  }
0x52: {  	[tilespmem:v22+s14+$0x0] =	vst.idx.msk vm8, v18;
	s23 =	simm.s32 @!p0 $0x0;
	vm4 =	vmand vm1, vm4;
	v13 =	vnsel vm7, $0x1FFF, v13;
	vm7 =	vlt.s32 v16, $0x1FFF  }
0x53: {  	s22 =	simm.s32 $0x200;
	[tilespmem:v22+s15+$0x0] =	vst.idx.msk vm8, v20;
	vm1 =	vmand vm2, vm6;
	vm2 =	vlt.s32 v17, $0x2000;
	s21 =	sadd.s32 s23, s31;
	vm6 =	vlt.s32 v17, $0x1FFF  }
.LBB2_7:
0x54: {  	v18 =	vadd.s32 $0x30, v5;
	p0 =	sne.s32 s22, $0x9400;
	[tilespmem:v15+s14+$0x0] =	vst.idx.msk vm5, v9;
	s23 =	smov.u32 s22;
	s22 =	sadd.s32 $0x200, s22  }
0x55: {  	v9 =	vnsel vm7, $0x1FFF, v16;
	s23 =	sshra.s32 s23, $0x2;
	[tilespmem:v15+s15+$0x0] =	vst.idx.msk vm5, v12;
	v12 =	vmov v18  }
0x56: {  	vm0 =	vmand vm0, vm2;
	v15 =	vadd.s32 $0x40, v11;
	[tilespmem:v14+s14+$0x0] =	vst.idx.msk vm3, v7  }
0x57: {  	v7 =	vnsel vm6, $0x1FFF, v17;
	[tilespmem:v14+s15+$0x0] =	vst.idx.msk vm3, v15  }
0x58: {  	v14 =	vadd.s32 $0x50, v11;
	[tilespmem:v13+s14+$0x0] =	vst.idx.msk vm4, v6  }
0x59: {  	[tilespmem:v13+s15+$0x0] =	vst.idx.msk vm4, v14  }
0x5a: {  	v6 =	vadd.s32 $0x60, v11;
	[tilespmem:v9+s14+$0x0] =	vst.idx.msk vm1, v8  }
0x5b: {  	[tilespmem:v9+s15+$0x0] =	vst.idx.msk vm1, v6  }
0x5c: {  	v6 =	vadd.s32 $0x70, v11;
	v11 =	vmov v5;
	[tilespmem:v7+s14+$0x0] =	vst.idx.msk vm0, v10  }
0x5d: {  	[tilespmem:v7+s15+$0x0] =	vst.idx.msk vm0, v6  }
0x5e: {  	v14 =	vld [tilespmem:s23+$0x10]  }
0x5f: {  	v15 =	vld [tilespmem:s23+$0x0]  }
0x60: {  	v13 =	vld [tilespmem:s23+$0x20]  }
0x61: {  	v9 =	vld [tilespmem:s23+$0x30]  }
0x62: {  	v7 =	vld [tilespmem:s23+$0x40];
	_ =	sdelay $0x1  }
0x63: {  	v16 =	vadd.s32 s21, v0;
	v6 =	vld [tilespmem:s23+$0x50];
	vm0 =	vge.f32 v15, v4  }
0x64: {  	vm7 =	vge.f32 v14, v4;
	vm6 =	vge.f32 v13, v4;
	v8 =	vsel vm0, $0x3F800000, v2  }
0x65: {  	vm1 =	vlt.s32 v16, $0x2000;
	v10 =	vsel vm7, $0x3F800000, v2;
	v17 =	vsel vm6, $0x3F800000, v2;
	(xrf0) =	vmax.scan.msk.f32 $0xffff, v8  }
0x66: {  	vm8 =	vlt.s32 v16, $0x1FFF;
	vm4 =	vmand vm1, vm0;
	vm5 =	vge.f32 v9, v4;
	v8 =	vld [tilespmem:s23+$0x60];
	(xrf0) =	vmax.scan.msk.f32 $0xffff, v10  }
0x67: {  	v18 =	vsel vm5, $0x3F800000, v2;
	v10 =	vld [tilespmem:s23+$0x70];
	(xrf0) =	vmax.scan.msk.f32 $0xffff, v17  }
0x68: {  	vm3 =	vge.f32 v7, v4;
	vm1 =	vge.f32 v6, v4;
	(xrf0) =	vmax.scan.msk.f32 $0xffff, v18  }
0x69: {  	v17 =	vsel vm3, $0x3F800000, v2;
	v19 =	vsel vm1, $0x3F800000, v2  }
0x6a: {  	(xrf0) =	vmax.scan.msk.f32 $0xffff, v19  }
0x6b: {  	vm2 =	vge.f32 v8, v4;
	v18, _, _ =	vpop (xrf0);
	(xrf0) =	vmax.scan.msk.f32 $0xffff, v17  }
0x6c: {  	vm0 =	vge.f32 v10, v4;
	v20 =	vsel vm2, $0x3F800000, v2;
	(v2sf) =	vpush v18, $0xF;
	v18, _, _ =	vpop (xrf0)  }
0x6d: {  	v19 =	vsel vm0, $0x3F800000, v2;
	(v2sf) =	vpush v18, $0xF;
	v18, _, _ =	vpop (xrf0);
	(xrf0) =	vmax.scan.msk.f32 $0xffff, v20  }
0x6e: {  	(v2sf) =	vpush v18, $0xF;
	v17, _, _ =	vpop (xrf0);
	(xrf0) =	vmax.scan.msk.f32 $0xffff, v19  }
0x6f: {  	(v2sf) =	vpush v17, $0xF  }
0x70: {  	v17, _, _ =	vpop (xrf0)  }
0x71: {  	v18, _, _ =	vpop (xrf0);
	(v2sf) =	vpush v17, $0xF  }
0x72: {  	(v2sf) =	vpush v18, $0xF  }
0x73: {  	v17, _, _ =	vpop (xrf0)  }
0x74: {  	(v2sf) =	vpush v17, $0xF;
	v17, _, _ =	vpop (xrf0)  }
0x75: {  	(v2sf) =	vpush v17, $0xF;
	_ =	sdelay $0x5  }
0x76: {  	s23 =	spop (v2sf)  }
0x77: {  	p1 =	sgt.f32 s23, $0.0e+00;
	s23 =	spop (v2sf)  }
0x78: {  	s24 =	simm.s32 $0x10;
	p3 =	sgt.f32 s23, $0.0e+00;
	s23 =	spop (v2sf)  }
0x79: {  	s24 =	simm.s32 @!p1 $0x0;
	s25 =	spop (v2sf)  }
0x7a: {  	p2 =	sgt.f32 s23, $0.0e+00;
	s23 =	simm.s32 $0x10;
	s21 =	sadd.s32 s21, s24  }
0x7b: {  	s23 =	simm.s32 @!p3 $0x0;
	p1 =	sgt.f32 s25, $0.0e+00;
	s24 =	simm.s32 $0x10  }
0x7c: {  	v16 =	vnsel vm8, $0x1FFF, v16;
	v5 =	vadd.s32 $0x80, v5;
	v17 =	vadd.s32 s21, v0;
	s21 =	sadd.s32 s23, s21;
	s23 =	spop (v2sf);
	s24 =	simm.s32 @!p2 $0x0  }
0x7d: {  	vm8 =	vlt.s32 v17, $0x2000;
	v18 =	vadd.s32 s21, v0;
	s25 =	spop (v2sf);
	s21 =	sadd.s32 s24, s21;
	s24 =	simm.s32 $0x10  }
0x7e: {  	vm9 =	vlt.s32 v17, $0x1FFF;
	p2 =	sgt.f32 s25, $0.0e+00;
	vm7 =	vmand vm7, vm8;
	s24 =	simm.s32 @!p1 $0x0  }
0x7f: {  	vm8 =	vlt.s32 v18, $0x2000;
	vm10 =	vlt.s32 v18, $0x1FFF;
	v20 =	vadd.s32 s21, v0;
	s21 =	sadd.s32 s24, s21;
	s24 =	simm.s32 $0x10  }
0x80: {  	v19 =	vadd.s32 $0x20, v11;
	p1 =	sgt.f32 s23, $0.0e+00;
	v17 =	vnsel vm9, $0x1FFF, v17;
	s23 =	spop (v2sf);
	s24 =	simm.s32 @!p2 $0x0  }
0x81: {  	vm6 =	vmand vm6, vm8;
	vm8 =	vlt.s32 v20, $0x2000;
	vm9 =	vlt.s32 v20, $0x1FFF;
	s25 =	spop (v2sf);
	p2 =	sgt.f32 s23, $0.0e+00;
	s23 =	simm.s32 $0x10  }
0x82: {  	v21 =	vadd.s32 $0x10, v11;
	v18 =	vnsel vm10, $0x1FFF, v18;
	v22 =	vadd.s32 s21, v0;
	s21 =	sadd.s32 s24, s21;
	s23 =	simm.s32 @!p1 $0x0  }
0x83: {  	[tilespmem:v16+s14+$0x0] =	vst.idx.msk vm4, v15;
	s23 =	sadd.s32 s23, s21;
	v15 =	vnsel vm9, $0x1FFF, v20;
	v20 =	vadd.s32 s21, v0;
	s21 =	simm.s32 $0x10  }
0x84: {  	vm5 =	vmand vm5, vm8;
	p1 =	sgt.f32 s25, $0.0e+00;
	vm8 =	vlt.s32 v22, $0x2000;
	vm10 =	vlt.s32 v22, $0x1FFF;
	s21 =	simm.s32 @!p2 $0x0  }
.Ltmp2:
0x85: {  	[tilespmem:v16+s15+$0x0] =	vst.idx.msk vm4, v11;
	v16 =	vadd.s32 s23, v0;
	s21 =	sadd.s32 s21, s23;
	s23 =	simm.s32 $0x10;
	(pc) =	sbr.rel @p0 .LBB2_7-.Ltmp2, $4  }
0x86: {  	vm3 =	vmand vm3, vm8;
	vm4 =	vlt.s32 v20, $0x2000;
	vm8 =	vlt.s32 v20, $0x1FFF;
	[tilespmem:v17+s14+$0x0] =	vst.idx.msk vm7, v14;
	s23 =	simm.s32 @!p1 $0x0  }
0x87: {  	v14 =	vnsel vm10, $0x1FFF, v22;
	[tilespmem:v17+s15+$0x0] =	vst.idx.msk vm7, v21;
	vm7 =	vlt.s32 v16, $0x2000;
	v17 =	vadd.s32 s21, v0;
	s21 =	sadd.s32 s23, s21  }
0x88: {  	vm4 =	vmand vm1, vm4;
	[tilespmem:v18+s14+$0x0] =	vst.idx.msk vm6, v13;
	vm1 =	vmand vm2, vm7;
	vm2 =	vlt.s32 v17, $0x2000  }
0x89: {  	v13 =	vnsel vm8, $0x1FFF, v20;
	vm7 =	vlt.s32 v16, $0x1FFF;
	[tilespmem:v18+s15+$0x0] =	vst.idx.msk vm6, v19;
	vm6 =	vlt.s32 v17, $0x1FFF  }
0x8a: {  	_ =	sdelay $0x4  }
0x8b: {  	[tilespmem:v15+s14+$0x0] =	vst.idx.msk vm5, v9  }
0x8c: {  	v61 =	vnsel vm7, $0x1FFF, v16;
	[tilespmem:v15+s15+$0x0] =	vst.idx.msk vm5, v12  }
0x8d: {  	v62 =	vadd.s32 $0x40, v11;
	vm0 =	vmand vm0, vm2;
	[tilespmem:v14+s14+$0x0] =	vst.idx.msk vm3, v7  }
0x8e: {  	s20 =	sadd.s32 $0x1, s20;
	v7 =	vnsel vm6, $0x1FFF, v17;
	[tilespmem:v14+s15+$0x0] =	vst.idx.msk vm3, v62  }
0x8f: {  	v63 =	vadd.s32 $0x50, v11;
	p0 =	sne.s32 s20, $0x23;
	[tilespmem:v13+s14+$0x0] =	vst.idx.msk vm4, v6  }
.Ltmp3:
0x90: {  	[tilespmem:v13+s15+$0x0] =	vst.idx.msk vm4, v63;
	(pc) =	sbr.rel @p0 .LBB2_6-.Ltmp3, $4  }
0x91: {  	v6 =	vadd.s32 $0x60, v11;
	[tilespmem:v61+s14+$0x0] =	vst.idx.msk vm1, v8  }
0x92: {  	[tilespmem:v61+s15+$0x0] =	vst.idx.msk vm1, v6  }
0x93: {  	v6 =	vadd.s32 $0x70, v11;
	[tilespmem:v7+s14+$0x0] =	vst.idx.msk vm0, v10  }
0x94: {  	[tilespmem:v7+s15+$0x0] =	vst.idx.msk vm0, v6  }
0x95: {  	s22 =	simm.s32 $0x0  }
0x96: {  	v5 =	vld [tilespmem:s22+$0x2580];
	_ =	sdelay $0x4  }
0x97: {  	vm0 =	vge.f32 v5, v4  }
0x98: {  	v6 =	vsel vm0, $0x1, v3  }
0x99: {  	(xrf0) =	vadd.scan.msk.s32 $0xffff, v6;
	_ =	sdelay $0x1  }
0x9a: {  	s20 =	simm.s32 $0x0  }
0x9b: {  	v6 =	vmov s20  }
0x9c: {  	v6 =	vadd.s32 $0xFFFFFFFF, v6  }
0x9d: {  	v6 =	vbroadcast v6, $0x0  }
0x9e: {  	v7, _, _ =	vpop (xrf0)  }
0x9f: {  	v6 =	vadd.s32 v7, v6;
	(v2sf) =	vpush v7, $0xF  }
0xa0: {  	vm1 =	vlt.s32 v6, $0x800;
	vm2 =	vgt.s32 v6, $0x0  }
0xa1: {  	vm0 =	vmand vm0, vm1;
	v6 =	vnsel vm2, $0x0, v6  }
0xa2: {  	v6 =	vmin.u32 v6, $0x7FF  }
0xa3: {  	v8 =	vld [tilespmem:s22+$0x4580];
	_ =	sdelay $0x3  }
0xa4: {  	[tilespmem:v6+s16+$0x0] =	vst.idx.msk vm0, v5  }
0xa5: {  	s23 =	simm.s32 $0x80;
	s22 =	simm.s32 $0x10;
	[tilespmem:v6+s17+$0x0] =	vst.idx.msk vm0, v8  }
.LBB2_10:
0xa6: {  	p0 =	sne.s32 s23, $0x7FC0;
	v5 =	vld [tilespmem:s22+$0x2580];
	_ =	sdelay $0x4  }
0xa7: {  	vm0 =	vge.f32 v5, v4;
	s24 =	spop (v2sf)  }
0xa8: {  	v6 =	vsel vm0, $0x1, v3;
	s20 =	sadd.s32 s20, s24  }
0xa9: {  	v7 =	vmov s20;
	(xrf0) =	vadd.scan.msk.s32 $0xffff, v6  }
0xaa: {  	v6 =	vadd.s32 $0xFFFFFFFF, v7  }
0xab: {  	v6 =	vbroadcast v6, $0x0;
	_ =	sdelay $0x3  }
0xac: {  	v7, _, _ =	vpop (xrf0)  }
0xad: {  	v6 =	vadd.s32 v7, v6;
	(v2sf) =	vpush v7, $0xF  }
0xae: {  	vm1 =	vlt.s32 v6, $0x800;
	vm2 =	vgt.s32 v6, $0x0  }
0xaf: {  	vm0 =	vmand vm0, vm1;
	v6 =	vnsel vm2, $0x0, v6  }
0xb0: {  	v6 =	vmin.u32 v6, $0x7FF  }
0xb1: {  	v7 =	vld [tilespmem:s22+$0x4580]  }
.Ltmp4:
0xb2: {  	(pc) =	sbr.rel @p0 .LBB2_10-.Ltmp4, $3  }
0xb3: {  	_ =	sdelay $0x1  }
0xb4: {  	[tilespmem:v6+s16+$0x0] =	vst.idx.msk vm0, v5  }
0xb5: {  	s22 =	sshra.s32 s23, $0x2;
	s23 =	sadd.s32 $0x40, s23;
	[tilespmem:v6+s17+$0x0] =	vst.idx.msk vm0, v7  }
0xb6: {  	v5 =	vld [tilespmem:s22+$0x2580];
	_ =	sdelay $0x4  }
0xb7: {  	vm0 =	vge.f32 v5, v4  }
0xb8: {  	v4 =	vsel vm0, $0x1, v3  }
0xb9: {  	(xrf0) =	vadd.scan.msk.s32 $0xffff, v4;
	_ =	sdelay $0x4  }
0xba: {  	s23 =	spop (v2sf)  }
0xbb: {  	s20 =	sadd.s32 s20, s23;
	v4, _, _ =	vpop (xrf0)  }
0xbc: {  	v6 =	vmov s20;
	(v2sf) =	vpush v4, $0xF  }
0xbd: {  	v6 =	vadd.s32 $0xFFFFFFFF, v6  }
0xbe: {  	v6 =	vbroadcast v6, $0x0;
	_ =	sdelay $0x1  }
0xbf: {  	v4 =	vadd.s32 v4, v6  }
0xc0: {  	vm1 =	vlt.s32 v4, $0x800;
	vm2 =	vgt.s32 v4, $0x0  }
0xc1: {  	vm0 =	vmand vm0, vm1;
	v4 =	vnsel vm2, $0x0, v4  }
0xc2: {  	v4 =	vmin.u32 v4, $0x7FF  }
0xc3: {  	v63 =	vld [tilespmem:s22+$0x4580];
	_ =	sdelay $0x3  }
0xc4: {  	[tilespmem:v4+s16+$0x0] =	vst.idx.msk vm0, v5  }
0xc5: {  	[tilespmem:v4+s17+$0x0] =	vst.idx.msk vm0, v63  }
0xc6: {  	[hbm4b:s6+s12] =	stream.strided.scatter [tilespmem:s16], [sflag:$0x1], $0x800, s13, s12, $0x38;
	[tilespmem:$0x7700] =	vst v63  }
0xc7: {  	s31 =	spop (v2sf)  }
0xc8: {  	_ =	swait.ge [sflag:s11], $0x800  }
0xc9: {  	[sflag:s11] =	ssyncset.done $0x0  }
0xca: {  	[sflag:s11] =	ssyncadd.s32 $0xFFFFF800  }
0xcb: {  	[hbm4b:s7+s12] =	stream.strided.scatter [tilespmem:s17], [sflag:$0x1], $0x800, s13, s12, $0x38;
	[tilespmem:$0x7700] =	vst v63  }
0xcc: {  	_ =	swait.ge [sflag:s11], $0x800  }
0xcd: {  	[sflag:s11] =	ssyncset.done $0x0  }
0xce: {  	s19 =	sadd.s32 $0x1, s19;
	v4 =	vmov s21;
	s20 =	sadd.s32 s20, s31;
	[sflag:s11] =	ssyncadd.s32 $0xFFFFF800  }
0xcf: {  	p0 =	sne.s32 s19, s9;
	[tilespmem:$0x7600] =	vst v4;
	v4 =	vmov s20  }
.Ltmp5:
0xd0: {  	[tilespmem:$0x7680] =	vst v4;
	(pc) =	sbr.rel @p0 .LBB2_1-.Ltmp5, $4  }
0xd1: {  	[hbm4b:s8+s3] =	stream.linear.scatter [tilespmem:s18], [sflag:$0x1], $0x100, $0x38;
	[tilespmem:$0x7700] =	vst v63  }
0xd2: {  	_ =	swait.ge [sflag:s11], $0x100  }
0xd3: {  	[sflag:s11] =	ssyncset.done $0x0  }
0xd4: {  	[sflag:s11] =	ssyncadd.s32 $0xFFFFFF00  }
0xd5: {  	_ =	sfence.sel $0x180000  }
0xd6: {  	[bflag:$0x0] =	sbarrier.arrive $0xFFFF  }
0xd7: {  	p0 =	sne.s32 s0, $0x0;
	_ =	strace $0x90000050  }
0xd8: {  	s0 =	sadd.s32 @!p0 $0x100000, s1;
	[bflag:$0x2] =	sbarrier.arrive $0xFFFF  }
0xd9: {  	[sflag:s0] =	ssyncadd.tile.s32 @!p0 $0x1;
	_ =	shalt  }
.Lfunc_end2:
_tile_overlayer_lowered:
.L_overlay_start_2:
0xda: {  	(tag) =	ssettag $0x2  }
0xdb: {  	s0 =	rddreg [dreg:$0x0];
	s2 =	stileid.u32  }
0xdc: {  	s1 =	rddreg [dreg:$0x1];
	p0 =	sne.s32 s2, $0x0  }
0xdd: {  	s3 =	rddreg [dreg:$0x2];
	[bflag:$0x3] =	sbarrier.arrive $0xFFFF;
	s2 =	simm.s32 @!p0 $0x1C01  }
0xde: {  	[timem:s3], [sflag:s2] =	dma.local @!p0 [hbm:s0], s1  }
0xdf: {  	s0 =	simm.s32 @!p0 $0x1  }
0xe0: {  	_ =	swait.ge @!p0 [sflag:s0], s1  }
0xe1: {  	s1 =	ssub.s32 @!p0 $0x0, s1;
	[sflag:s0] =	ssyncset.done @!p0 $0x0  }
0xe2: {  	[sflag:s0] =	ssyncadd.s32 @!p0 s1  }
0xe3: {  	[bflag:$0x3] =	sbarrier.arrive $0xFFFF  }
0xe4: {  	_ =	shalt  }

// kernel: sparse-core-data-format-call.1.cloned.1.call-start
scs
called_computation.1_lowered:
.L_overlay_start_0:
0x0: {  	s2 =	sld [smem:$0x3FD9]  }
0x1: {  	s3 =	sld [smem:$0x3FFE];
	_ =	sdelay $0x1  }
0x2: {  	s1 =	srdreg.scid  }
0x3: {  	s0 =	sand.u32 $0x1, s1  }
0x4: {  	s18 =	sshll.u32 s0, $0xA;
	s2 =	sadd.s32 s3, s2  }
0x5: {  	s2 =	sadd.s32 s2, s18  }
0x6: {  	[smem:$0x3FC3] =	sst s2  }
0x7: {  	_ = 	snop  }
0x8: {  	s2 =	sld [smem:$0x3FC8];
	(tm) =	ssettm $0x1  }
0x9: {  	s19 =	sld [smem:$0x3FFB];
	_ =	sdelay $0x3  }
0xa: {  	_ =	strace s19  }
0xb: {  	s3 =	sld [smem:$0x3FFC];
	_ =	sdelay $0x3  }
0xc: {  	_ =	strace s3  }
0xd: {  	s3 =	sld [smem:$0x3FFD];
	_ =	sdelay $0x3  }
0xe: {  	_ =	strace s3  }
0xf: {  	_ =	strace $0x8FFFFFFF  }
0x10: {  	s20 =	sld [smem:$0x3FDB];
	_ =	sdelay $0x1  }
0x11: {  	s4 =	simm.s32 $_scs_section_size  }
0x12: {  	s5 =	simm.s32 $_size__tile_overlayer_lowered;
	s6 =	simm.s32 $_tile_overlayer_lowered  }
0x13: {  	s23 =	simm.s32 $0x1BFF;
	s22 =	sshll.u32 s6, $0x1;
	s3 =	sadd.s32 s4, s20  }
0x14: {  	s7 =	simm.s32 $0x0;
	s21 =	sshll.u32 s5, $0x1;
	s5 =	sadd.s32 s22, s3  }
0x15: {  	[timem:s7], [sflag:s23] =	dma.local [hbm:s5], s21  }
0x16: {  	_ =	swait.ge [sflag:s23], s21  }
0x17: {  	s4 =	ssub.s32 $0x0, s21;
	[sflag:s23] =	ssyncset.done $0x0  }
0x18: {  	[sflag:s23] =	ssyncadd.s32 s4;
	_ =	sdelay $0x1  }
0x19: {  	s24 =	simm.s32 $0x1B8B  }
0x1a: {  	_ =	swait.ge [sflag:s24], $0x1  }
0x1b: {  	[sflag:s24] =	ssyncset.done $0x0  }
0x1c: {  	s26 =	simm.s32 $0x1B8E;
	s25 =	sld [smem:$0x3FFE];
	[sflag:s24] =	ssyncadd.s32 $0xFFFFFFFF  }
0x1d: {  	s27 =	simm.s32 $execute0_lowered;
	[smem:$0x3FD2] =	sst s26  }
0x1e: {  	s5 =	sshll.u32 s27, $0x1;
	_ =	strace $0x8000004C;
	[dreg:$0x1] =	wrdreg $0xFFFFFFFF  }
0x1f: {  	s28 =	simm.s32 $_size_execute0_lowered;
	s3 =	sadd.s32 s3, s5;
	[dreg:$0x0] =	wrdreg $0x0  }
0x20: {  	s5 =	sshll.u32 s28, $0x1;
	[dreg:$0x2] =	wrdreg s3  }
0x21: {  	[dreg:$0x3] =	wrdreg s5  }
0x22: {  	[dreg:$0x4] =	wrdreg $0xC0  }
0x23: {  	_ =	task [dreg:s7], $0x5FFFF  }
0x24: {  	[dreg:$0x1] =	wrdreg $0xFFFFFFFF  }
0x25: {  	[dreg:$0x0] =	wrdreg $0x60  }
0x26: {  	[dreg:$0x2] =	wrdreg s2  }
0x27: {  	[dreg:$0x3] =	wrdreg s25  }
0x28: {  	[dreg:$0x4] =	wrdreg $0x9  }
0x29: {  	_ =	task.clear_ibuf [dreg:s7], $0x5FFFF;
	_ =	strace $0x9000004C  }
0x2a: {  	s29 =	simm.s32 $0x9;
	_ =	strace $0x8000004E  }
0x2b: {  	_ =	swait.ge [sflag:s29], $0x1  }
0x2c: {  	[sflag:s29] =	ssyncadd.s32 $0xFFFFFFFF  }
0x2d: {  	_ =	strace $0x9000004E  }
0x2e: {  	_ =	sfence  }
0x2f: {  	s30 =	sld [smem:$0x0];
	_ =	sdelay $0x2  }
0x30: {  	s31 =	sshll.u32 s1, $0xD;
	s1 =	sshrl.u32 s1, $0x2  }
0x31: {  	s3 =	sand.u32 $0x4000, s31;
	s1 =	sadd.s32 s1, s30  }
0x32: {  	s0 =	sor.u32 s3, s0;
	s1 =	sshll.u32 s1, $0x11  }
0x33: {  	s0 =	sor.u32 s1, s0  }
0x34: {  	s0 =	sadd.s32 $0x8F2B, s0  }
0x35: {  	[sflag:s0] =	ssyncadd.remote.s32 $0x1  }
0x36: {  	_ =	sfence.sel $0xFFFF  }
0x37: {  	[dreg:$0x0] =	wrdreg $0xFFFFFFFF;
	(pc) =	sbr.abs _section_cstart, $3  }
0x38: {  	[dreg:$0x1] =	wrdreg $0xFFFFFFFF  }
0x39: {  	_ =	task.clear_ibuf [dreg:s7], $0x2FFFF;
	_ =	strace $0x9FFFFFFF  }
0x3a: {  	(tm) =	ssettm $0x7FFFFFFF  }
0x3b: {  	_ =	shalt  }
tec
execute0_lowered:
.L_overlay_start_1:
0x0: {  	(tag) =	ssettag $0x1  }
0x1: {  	s6 =	rddreg [dreg:$0x0];
	s0 =	srdreg.scid  }
0x2: {  	_ =	strace $0x8000004D;
	s2 =	stileid.u32;
	s1 =	simm.s32 $0x1  }
0x3: {  	s31 =	simm.s32 $0x2;
	s17 =	simm.s32 $0x0;
	s16 =	simm.s32 $0x0  }
0x4: {  	s18 =	simm.s32 $0x0;
	s10 =	simm.s32 $0x0;
	s11 =	simm.s32 $0x0  }
.Ltmp0:
0x5: {  	s13 =	simm.s32 $0x0;
	s0 =	sshll.u32 s0, $0x4;
	(pc) =	sbr.rel .LBB1_1-.Ltmp0, $4  }
0x6: {  	s14 =	simm.s32 $0x0;
	s9 =	simm.s32 $0x0;
	s0 =	sand.u32 $0x10, s0  }
0x7: {  	[sflag:s1] =	ssyncpa.u1 $0x0;
	s7 =	sand.u32 $0x7, s2;
	s0 =	sor.u32 s2, s0  }
0x8: {  	[sflag:s31] =	ssyncpa.u1 $0x0;
	[dreg:$0x3] =	wrdreg s7;
	s8 =	sshrl.u32 s0, $0x3  }
0x9: {  	s15 =	smov.u32 s7;
	s12 =	smov.u32 s8;
	[dreg:$0x4] =	wrdreg s8  }
.LBB1_9:
0xa: {  	s10 =	rddreg [dreg:$0x5]  }
0xb: {  	s11 =	rddreg [dreg:$0x6]  }
0xc: {  	s21 =	rddreg [dreg:$0x10]  }
0xd: {  	s22 =	rddreg [dreg:$0xe]  }
0xe: {  	s24 =	rddreg [dreg:$0xf]  }
0xf: {  	s13 =	rddreg [dreg:$0x8]  }
0x10: {  	s4 =	rddreg [dreg:$0x1]  }
0x11: {  	s29 =	rddreg [dreg:$0x11]  }
0x12: {  	s6 =	rddreg [dreg:$0x0]  }
0x13: {  	s7 =	rddreg [dreg:$0x3]  }
0x14: {  	s8 =	rddreg [dreg:$0x4]  }
0x15: {  	s12 =	rddreg [dreg:$0x7]  }
0x16: {  	s14 =	rddreg [dreg:$0x9]  }
0x17: {  	s0 =	sshll.u32 s10, $0x7;
	p0 =	sgt.s32 s11, $0x0;
	s2 =	smov.u32 s11  }
0x18: {  	s1 =	sshll.u32 s11, $0x3;
	s3 =	sand.u32 $0xFFFFFC00, s0;
	s2 =	simm.s32 @!p0 $0x0  }
0x19: {  	s1 =	sand.u32 $0xFFFFFC00, s1;
	s0 =	sand.u32 $0x380, s0;
	s2 =	sadd.s32 s2, s21  }
0x1a: {  	s1 =	sadd.s32 s1, s3;
	p0 =	sgt.s32 s2, $0x7F;
	s2 =	ssub.s32 $0x80, s2  }
0x1b: {  	s25 =	smul.u32 $0x41A00, s13;
	s0 =	sor.u32 s0, s1;
	s2 =	simm.s32 @p0 $0x0  }
0x1c: {  	s15 =	rddreg [dreg:$0xa];
	s0 =	sshrl.u32 s0, $0x7;
	s1 =	smul.u32 s2, s22  }
0x1d: {  	s16 =	rddreg [dreg:$0xb];
	s23 =	smulhi.u32 $0x1861862, s0  }
0x1e: {  	s31 =	simm.s32 $0x5400;
	s17 =	rddreg [dreg:$0xc];
	s1 =	smul.u32 s24, s1  }
0x1f: {  	s18 =	rddreg [dreg:$0xd];
	s27 =	sand.u32 $0x7, s11;
	s2 =	smul.u32 $0xA8, s23  }
0x20: {  	s26 =	sshrl.u32 s11, $0x3;
	s28 =	sshll.u32 s27, $0x12;
	s3 =	sadd.s32 s4, s25  }
0x21: {  	s1 =	smul.u32 $0x64, s1;
	s0 =	ssub.s32 s0, s2;
	s2 =	sand.u32 $0xF, s26  }
0x22: {  	s4 =	sor.u32 $0x8000, s29;
	s0 =	sshll.u32 s0, $0x4;
	s2 =	sadd.s32 s2, s3  }
0x23: {  	s30 =	sor.u32 $0x80, s28;
	s1 =	sand.u32 $0x3FFFFFFC, s1;
	s0 =	sadd.s32 s0, s2  }
0x24: {  	[hbm4b:s0+s30] =	stream.strided.scatter [tilespmem:s4], [sflag:$0x2], s1, s31, s30, $0x20;
	[tilespmem:$0x10100] =	vst v63  }
.LBB1_10:
0x25: {  	p0 =	slt.u32 s9, $0x2  }
0x26: {  	s0 =	smov.u32 s18;
	s2 =	smov.u32 s17;
	p1 =	sgt.s32 @!p0 s18, $0x7  }
0x27: {  	s4 =	smov.u32 s14;
	s1 =	sshra.s32 @!p0 s18, $0x1F;
	p1 =	por !p1, p0  }
0x28: {  	p2 =	sgt.s32 @!p0 s17, $0xA7;
	s1 =	sand.u32 @!p0 s1, s18;
	s0 =	simm.s32 @p1 $0x7  }
0x29: {  	s3 =	ssub.s32 @!p0 $0x0, s16;
	p2 =	por !p2, p0;
	s0 =	ssub.s32 @!p0 s0, s1  }
0x2a: {  	s3 =	smin.u32 @!p0 s16, s3;
	s1 =	sadd.s32 @!p0 $0xFFFFFFF9, s0;
	s0 =	ssub.s32 @!p0 $0x8, s0  }
0x2b: {  	p1 =	sgt.s32 @!p0 s1, $0x0;
	s0 =	smul.u32 @!p0 $0x64, s0;
	s1 =	sshra.s32 @!p0 s17, $0x1F  }
0x2c: {  	s2 =	simm.s32 @p2 $0xA7;
	s1 =	sand.u32 @!p0 s1, s17;
	p1 =	por !p1, p0  }
0x2d: {  	s0 =	simm.s32 @!p1 $0x0;
	s1 =	ssub.s32 @!p0 s2, s1;
	p1 =	sgt.s32 @!p0 s3, $0x7F  }
0x2e: {  	s3 =	ssub.s32 @!p0 $0x80, s3;
	s2 =	sadd.s32 @!p0 $0xFFFFFF59, s1;
	p1 =	por !p1, p0  }
0x2f: {  	s1 =	ssub.s32 @!p0 $0xA8, s1;
	p2 =	sgt.s32 @!p0 s2, $0x0;
	s3 =	simm.s32 @!p1 $0x0  }
0x30: {  	s2 =	sadd.s32 $0x4, s12;
	p1 =	por !p2, p0;
	s0 =	smul.u32 @!p0 s3, s0  }
0x31: {  	s3 =	sadd.s32 $0x80, s14;
	s1 =	simm.s32 @!p1 $0x0;
	p1 =	sgt.s32 s2, $0xA7  }
0x32: {  	s0 =	smul.u32 @!p0 s1, s0;
	s4 =	smov.u32 @p1 s3  }
0x33: {  	s1 =	sadd.s32 $0x8, s15;
	s3 =	smov.u32 s15;
	p2 =	sgt.s32 s4, $0x4F  }
0x34: {  	s9 =	sadd.s32 $0x1, s9;
	s3 =	smov.u32 @p2 s1  }
0x35: {  	s16 =	smov.u32 s11;
	s2 =	smov.u32 @p1 s8;
	p1 =	sgt.s32 s3, $0x7  }
0x36: {  	s18 =	smov.u32 s13;
	s3 =	smov.u32 @p1 s7;
	p1 =	sne.s32 s9, $0x2C  }
.Ltmp1:
0x37: {  	s11 =	smov.u32 s14;
	s13 =	smov.u32 s15;
	(pc) =	sbr.rel @!p1 .LBB1_11-.Ltmp1, $4  }
0x38: {  	s17 =	smov.u32 s10;
	s0 =	sand.u32 @!p0 $0x3FFFFFFC, s0;
	s1 =	simm.s32 @!p0 $0x2  }
0x39: {  	s10 =	smov.u32 s12;
	s12 =	smov.u32 s2;
	_ =	swait.ge @!p0 [sflag:s1], s0  }
0x3a: {  	s4 =	simm.s32 @p2 $0x0;
	s0 =	ssub.s32 @!p0 $0x0, s0;
	[sflag:s1] =	ssyncset.done @!p0 $0x0  }
0x3b: {  	s14 =	smov.u32 s4;
	[sflag:s1] =	ssyncadd.s32 @!p0 s0;
	s15 =	smov.u32 s3  }
.LBB1_1:
0x3c: {  	p0 =	sgt.u32 s9, $0x29  }
0x3d: {  	s1 =	smov.u32 s15;
	s4 =	smov.u32 s14;
	p1 =	sgt.s32 @!p0 s15, $0x7  }
0x3e: {  	s0 =	sand.u32 @!p0 $0x1FFFFFF, s12;
	s3 =	sshra.s32 @!p0 s15, $0x1F;
	p1 =	por !p1, p0  }
0x3f: {  	s5 =	sshra.s32 @!p0 s14, $0x1F;
	s1 =	simm.s32 @p1 $0x7;
	p1 =	sgt.s32 @!p0 s14, $0xFFFFFFD0  }
0x40: {  	s2 =	smulhi.u32 @!p0 $0x1861862, s0;
	s3 =	sand.u32 @!p0 s3, s15;
	p1 =	por !p1, p0  }
0x41: {  	s5 =	sand.u32 @!p0 s5, s14;
	s1 =	ssub.s32 @!p0 s1, s3;
	s4 =	simm.s32 @p1 $0xFFFFFFD0  }
0x42: {  	p1 =	sgt.s32 @!p0 s12, $0xA7;
	s1 =	sadd.s32 @!p0 $0xFFFFFFF9, s1;
	s3 =	ssub.s32 @!p0 s4, s5  }
0x43: {  	p1 =	por !p1, p0;
	s5 =	smov.u32 s12;
	s4 =	sadd.s32 @!p0 $0x30, s3  }
0x44: {  	s5 =	simm.s32 @p1 $0xA7;
	p2 =	sgt.s32 @!p0 s4, $0x7F;
	s4 =	sshra.s32 @!p0 s12, $0x1F  }
0x45: {  	p1 =	sgt.s32 @!p0 s1, $0x0;
	s1 =	sshll.u32 @!p0 s1, $0x7;
	s4 =	sand.u32 @!p0 s4, s12  }
0x46: {  	s3 =	ssub.s32 @!p0 $0x50, s3;
	s1 =	ssub.s32 @!p0 $0x80, s1;
	s4 =	ssub.s32 @!p0 s5, s4  }
0x47: {  	p1 =	por !p1, p0;
	p2 =	por !p2, p0;
	s5 =	sadd.s32 @!p0 $0xFFFFFF59, s4  }
0x48: {  	s1 =	simm.s32 @!p1 $0x0;
	s3 =	simm.s32 @!p2 $0x0;
	p2 =	sgt.s32 @!p0 s5, $0x0  }
0x49: {  	s4 =	ssub.s32 @!p0 $0xA8, s4;
	s1 =	smul.u32 @!p0 s3, s1;
	p1 =	por !p2, p0  }
0x4a: {  	s2 =	smul.u32 @!p0 $0xA8, s2;
	s4 =	simm.s32 @!p1 $0x0  }
0x4b: {  	s1 =	smul.u32 @!p0 s4, s1  }
0x4c: {  	s4 =	smul.u32 @!p0 $0x34800, s15  }
0x4d: {  	s0 =	ssub.s32 @!p0 s0, s2;
	s3 =	sxor.u32 @!p0 $0xFFFFFFFF, s9;
	s5 =	smul.u32 @!p0 $0xA80, s14  }
0x4e: {  	s0 =	sshll.u32 @!p0 s0, $0x4;
	s3 =	sshll.u32 @!p0 s3, $0xE;
	s2 =	sadd.s32 @!p0 s6, s4  }
0x4f: {  	s3 =	sand.u32 @!p0 $0x4000, s3;
	s1 =	sand.u32 @!p0 $0x3FFFFF80, s1;
	s2 =	sadd.s32 @!p0 s5, s2  }
0x50: {  	s4 =	simm.s32 @!p0 $0x5400;
	s0 =	sadd.s32 @!p0 s0, s2;
	s2 =	simm.s32 @!p0 $0x80  }
0x51: {  	[tilespmem:s3], [sflag:$0x1] =	stream.strided.gather @!p0 [hbm4b:s0+s2], s1, s4, s2, $0x38;
	[tilespmem:$0x10100] =	vst v63  }
0x52: {  	p0 =	seq.s32 s9, $0x0  }
0x53: {  	p1 =	seq.s32 @!p0 s9, $0x2B  }
0x54: {  	p0 =	por p0, p1  }
.Ltmp2:
0x55: {  	_ = 	snop;
	(pc) =	sbr.rel @p0 .LBB1_10-.Ltmp2, $1  }
0x56: {  	_ =	sdelay $0x3  }
0x57: {  	[dreg:$0xd] =	wrdreg s18  }
0x58: {  	[dreg:$0xc] =	wrdreg s17  }
0x59: {  	[dreg:$0xb] =	wrdreg s16  }
0x5a: {  	[dreg:$0xa] =	wrdreg s15  }
0x5b: {  	[dreg:$0x9] =	wrdreg s14;
	p0 =	sgt.s32 s13, $0x7  }
0x5c: {  	s0 =	smov.u32 s13;
	s1 =	sshra.s32 s13, $0x1F;
	s23 =	ssub.s32 $0x0, s11  }
0x5d: {  	s2 =	sshra.s32 s11, $0x1F;
	p1 =	sgt.s32 s10, $0xA7;
	s3 =	smov.u32 s10  }
0x5e: {  	s4 =	sshra.s32 s10, $0x1F;
	p2 =	sgt.s32 s11, $0xFFFFFFD0;
	s5 =	smov.u32 s11  }
0x5f: {  	s0 =	simm.s32 @!p0 $0x7;
	s1 =	sand.u32 s1, s13;
	s3 =	simm.s32 @!p1 $0xA7  }
0x60: {  	s4 =	sand.u32 s4, s10;
	s2 =	sand.u32 s23, s2;
	s5 =	simm.s32 @!p2 $0xFFFFFFD0  }
0x61: {  	s0 =	ssub.s32 s0, s1;
	s24 =	ssub.s32 s3, s4;
	[dreg:$0x10] =	wrdreg s2  }
0x62: {  	s25 =	sadd.s32 s2, s5;
	s2 =	sadd.s32 $0x1, s13;
	s1 =	sadd.s32 $0xFFFFFFF9, s0  }
0x63: {  	s4 =	ssub.s32 $0x8, s0;
	s26 =	sadd.s32 $0xFFFFFF59, s24;
	s27 =	sadd.s32 $0x30, s25  }
0x64: {  	p0 =	sgt.s32 s1, $0x0;
	p1 =	sgt.s32 s26, $0x0;
	s1 =	ssub.s32 $0xA8, s24  }
0x65: {  	s0 =	ssub.s32 $0x50, s25;
	s4 =	simm.s32 @p0 $0x0;
	s1 =	simm.s32 @p1 $0x0  }
0x66: {  	p0 =	sgt.s32 s27, $0x7F;
	[dreg:$0xf] =	wrdreg s1;
	s1 =	smul.u32 s4, s1  }
0x67: {  	s3 =	sadd.s32 $0x80, s11;
	s0 =	simm.s32 @p0 $0x0;
	p0 =	slt.s32 s2, $0x8  }
0x68: {  	s2 =	simm.s32 @!p0 $0x8;
	p0 =	slt.s32 s3, $0x50;
	s0 =	smul.u32 s0, s1  }
0x69: {  	s22 =	ssub.s32 s2, s13;
	s3 =	simm.s32 @!p0 $0x50;
	s1 =	sadd.s32 $0x1, s10  }
0x6a: {  	s23 =	ssub.s32 s3, s11;
	p1 =	slt.s32 s1, $0xA8;
	p0 =	slt.s32 s22, $0x1  }
0x6b: {  	[dreg:$0x7] =	wrdreg s12;
	s1 =	simm.s32 @!p1 $0xA8;
	p1 =	slt.s32 @!p0 s23, $0x1  }
0x6c: {  	[dreg:$0x8] =	wrdreg s13;
	s24 =	ssub.s32 s1, s10;
	p1 =	por p0, p1  }
0x6d: {  	[dreg:$0x6] =	wrdreg s11;
	p2 =	slt.s32 @!p1 s24, $0x1  }
0x6e: {  	[dreg:$0x5] =	wrdreg s10;
	p1 =	por p1, p2  }
.Ltmp3:
0x6f: {  	s29 =	simm.s32 $0x1;
	s0 =	sshll.u32 s0, $0x7;
	(pc) =	sbr.rel @p1 .LBB1_9-.Ltmp3, $4  }
0x70: {  	[dreg:$0xe] =	wrdreg s4;
	s28 =	sand.u32 $0x3FFFFF80, s0;
	s0 =	sand.u32 $0x1, s9  }
0x71: {  	_ =	swait.ge [sflag:s29], s28;
	s31 =	smul.u32 $0x4080, s0  }
0x72: {  	s30 =	ssub.s32 $0x0, s28;
	[sflag:s29] =	ssyncset.done $0x0  }
0x73: {  	[sflag:s29] =	ssyncadd.s32 s30;
	[dreg:$0x11] =	wrdreg s31  }
0x74: {  	s25 =	sshll.u32 @!p0 s0, $0xE;
	s0 =	rddreg [dreg:$0x11]  }
0x75: {  	s27 =	simm.s32 $0x0;
	s26 =	sor.u32 @!p0 $0x8000, s0  }
.LBB1_4:
0x76: {  	s0 =	smul.u32 $0x10200, s27  }
0x77: {  	s1 =	sshll.u32 s27, $0x10  }
0x78: {  	s1 =	sshra.s32 s1, $0x2;
	s0 =	sshra.s32 s0, $0x2  }
0x79: {  	s2 =	simm.s32 $0x0;
	s29 =	sadd.s32 s1, s25;
	s28 =	sadd.s32 s0, s26  }
0x7a: {  	s30 =	sadd.s32 $0x810, s28;
	s31 =	sadd.s32 $0x1020, s28;
	s0 =	sadd.s32 $0x1830, s28  }
0x7b: {  	s1 =	sadd.s32 $0x2040, s28;
	s3 =	sadd.s32 $0x2850, s28;
	s7 =	sadd.s32 $0x3060, s28  }
.LBB1_5:
0x7c: {  	s4 =	sshll.u32 s2, $0x9  }
0x7d: {  	s4 =	sshra.s32 s4, $0x2  }
0x7e: {  	s4 =	sadd.s32 s4, s29  }
0x7f: {  	v0 =	vmov s4;
	_ =	sdelay $0x2  }
0x80: {  	s5 =	simm.s32 $0x0  }
0x81: {  	s4 =	sand.u32 $0x380, s5  }
0x82: {  	p0 =	sne.s32 s24, $0x1;
	v1 =	vld.idx.msk [tilespmem:v0+s4+$0x60 ss:$0x1], $0xffff  }
.Ltmp4:
0x83: {  	s8 =	sand.u32 $0x7F, s2;
	s16 =	simm.s32 $0x1;
	v2 =	vld.idx.msk [tilespmem:v0+s4+$0x0 ss:$0x1], $0xffff;
	(pc) =	sbr.rel @!p0 .LBB1_7-.Ltmp4, $4  }
0x84: {  	s19 =	sadd.s32 s8, s28;
	s18 =	sadd.s32 s8, s30;
	s10 =	sand.u32 $0x7, s5;
	v3 =	vld.idx.msk [tilespmem:v0+s4+$0x10 ss:$0x1], $0xffff  }
0x85: {  	s21 =	sadd.s32 s8, s31;
	s6 =	sadd.s32 s8, s0;
	s15 =	smul.u32 $0x81, s10;
	v4 =	vld.idx.msk [tilespmem:v0+s4+$0x20 ss:$0x1], $0xffff  }
0x86: {  	s20 =	sadd.s32 s8, s1;
	s5 =	sadd.s32 s8, s3;
	s8 =	sadd.s32 s8, s7;
	v5 =	vld.idx.msk [tilespmem:v0+s4+$0x30 ss:$0x1], $0xffff  }
0x87: {  	s12 =	simm.s32 $0x80;
	s17 =	sadd.s32 s15, s19;
	s10 =	sadd.s32 s15, s8;
	v6 =	vld.idx.msk [tilespmem:v0+s4+$0x40 ss:$0x1], $0xffff  }
.LBB1_6:
0x88: {  	s11 =	sadd.s32 s15, s18  }
0x89: {  	v7 =	vld.idx.msk [tilespmem:v0+s4+$0x50 ss:$0x1], $0xffff;
	s4 =	sand.u32 $0x380, s12;
	[tilespmem:s10+$0x0 ss:$0x81] =	vst.msk $0xffff, v1;
	s10 =	smov.u32 s16;
	s16 =	sadd.s32 $0x1, s16  }
0x8a: {  	s13 =	sadd.s32 s15, s6;
	v1 =	vld.idx.msk [tilespmem:v0+s4+$0x60 ss:$0x1], $0xffff;
	p0 =	sne.s32 s24, s16;
	[tilespmem:s17+$0x0 ss:$0x81] =	vst.msk $0xffff, v2;
	s17 =	sadd.s32 s15, s21  }
.Ltmp5:
0x8b: {  	s14 =	sadd.s32 s15, s5;
	v2 =	vld.idx.msk [tilespmem:v0+s4+$0x0 ss:$0x1], $0xffff;
	[tilespmem:s11+$0x0 ss:$0x81] =	vst.msk $0xffff, v3;
	s11 =	sadd.s32 s15, s20;
	(pc) =	sbr.rel @p0 .LBB1_6-.Ltmp5, $4  }
0x8c: {  	s10 =	sand.u32 $0x7, s10;
	v3 =	vld.idx.msk [tilespmem:v0+s4+$0x10 ss:$0x1], $0xffff;
	[tilespmem:s17+$0x0 ss:$0x81] =	vst.msk $0xffff, v4  }
0x8d: {  	s15 =	smul.u32 $0x81, s10;
	v4 =	vld.idx.msk [tilespmem:v0+s4+$0x20 ss:$0x1], $0xffff;
	[tilespmem:s13+$0x0 ss:$0x81] =	vst.msk $0xffff, v5  }
0x8e: {  	v5 =	vld.idx.msk [tilespmem:v0+s4+$0x30 ss:$0x1], $0xffff;
	[tilespmem:s11+$0x0 ss:$0x81] =	vst.msk $0xffff, v6  }
0x8f: {  	s12 =	sadd.s32 $0x80, s12;
	s17 =	sadd.s32 s15, s19;
	s10 =	sadd.s32 s15, s8;
	v6 =	vld.idx.msk [tilespmem:v0+s4+$0x40 ss:$0x1], $0xffff;
	[tilespmem:s14+$0x0 ss:$0x81] =	vst.msk $0xffff, v7  }
.LBB1_7:
0x90: {  	_ =	sdelay $0x2  }
0x91: {  	[tilespmem:s10+$0x0 ss:$0x81] =	vst.msk $0xffff, v1;
	s2 =	sadd.s32 $0x1, s2  }
0x92: {  	s8 =	sadd.s32 s15, s18;
	v0 =	vld.idx.msk [tilespmem:v0+s4+$0x50 ss:$0x1], $0xffff;
	[tilespmem:s17+$0x0 ss:$0x81] =	vst.msk $0xffff, v2;
	p0 =	sne.s32 s2, s23  }
.Ltmp6:
0x93: {  	s19 =	sadd.s32 s15, s21;
	[tilespmem:s8+$0x0 ss:$0x81] =	vst.msk $0xffff, v3;
	(pc) =	sbr.rel @p0 .LBB1_5-.Ltmp6, $4  }
0x94: {  	s6 =	sadd.s32 s15, s6;
	[tilespmem:s19+$0x0 ss:$0x81] =	vst.msk $0xffff, v4  }
0x95: {  	s21 =	sadd.s32 s15, s20;
	[tilespmem:s6+$0x0 ss:$0x81] =	vst.msk $0xffff, v5  }
0x96: {  	s5 =	sadd.s32 s15, s5;
	[tilespmem:s21+$0x0 ss:$0x81] =	vst.msk $0xffff, v6  }
0x97: {  	[tilespmem:s5+$0x0 ss:$0x81] =	vst.msk $0xffff, v0  }
0x98: {  	s27 =	sadd.s32 $0x1, s27  }
0x99: {  	p0 =	sne.s32 s27, s22  }
.Ltmp7:
0x9a: {  	_ = 	snop;
	(pc) =	sbr.rel @p0 .LBB1_4-.Ltmp7, $4  }
.Ltmp8:
0x9b: {  	_ = 	snop;
	(pc) =	sbr.rel @!p0 .LBB1_9-.Ltmp8, $4  }
0x9c: {  	_ = 	snop  }
0x9d: {  	_ = 	snop  }
0x9e: {  	_ = 	snop  }
0x9f: {  	_ = 	snop  }
.LBB1_11:
0xa0: {  	_ =	sfence.sel $0x180000  }
0xa1: {  	s0 =	simm.s32 $0x1;
	[bflag:$0x0] =	sbarrier.arrive $0xFFFF  }
0xa2: {  	s30 =	simm.s32 $0x2;
	[sflag:s0] =	ssyncpa.u1 $0x1  }
0xa3: {  	[sflag:s30] =	ssyncpa.u1 $0x1  }
0xa4: {  	_ =	strace $0x9000004D  }
0xa5: {  	s31 =	stileid.u32;
	[bflag:$0x2] =	sbarrier.arrive $0xFFFF  }
0xa6: {  	p0 =	sne.s32 s31, $0x0;
	s0 =	rddreg [dreg:$0x2]  }
0xa7: {  	s0 =	sadd.s32 @!p0 $0x100000, s0  }
0xa8: {  	[sflag:s0] =	ssyncadd.tile.s32 @!p0 $0x1;
	_ =	shalt  }
.Lfunc_end1:
_tile_overlayer_lowered:
.L_overlay_start_2:
0xa9: {  	(tag) =	ssettag $0x2  }
0xaa: {  	s0 =	rddreg [dreg:$0x0];
	s2 =	stileid.u32  }
0xab: {  	s1 =	rddreg [dreg:$0x1];
	p0 =	sne.s32 s2, $0x0  }
0xac: {  	s3 =	rddreg [dreg:$0x2];
	[bflag:$0x3] =	sbarrier.arrive $0xFFFF;
	s2 =	simm.s32 @!p0 $0x1C01  }
0xad: {  	[timem:s3], [sflag:s2] =	dma.local @!p0 [hbm:s0], s1  }
0xae: {  	s0 =	simm.s32 @!p0 $0x1  }
0xaf: {  	_ =	swait.ge @!p0 [sflag:s0], s1  }
0xb0: {  	s1 =	ssub.s32 @!p0 $0x0, s1;
	[sflag:s0] =	ssyncset.done @!p0 $0x0  }
0xb1: {  	[sflag:s0] =	ssyncadd.s32 @!p0 s1  }
0xb2: {  	[bflag:$0x3] =	sbarrier.arrive $0xFFFF  }
0xb3: {  	_ =	shalt  }

// kernel: sparse-core-data-format-call.cloned.1.call-start
scs
called_computation_lowered:
.L_overlay_start_0:
0x0: {  	s1 =	sld [smem:$0x3FD9]  }
0x1: {  	s2 =	sld [smem:$0x3FFE];
	_ =	sdelay $0x1  }
0x2: {  	s3 =	srdreg.scid  }
0x3: {  	s0 =	sand.u32 $0x1, s3  }
0x4: {  	s17 =	sshll.u32 s0, $0xA;
	s1 =	sadd.s32 s2, s1  }
0x5: {  	s1 =	sadd.s32 s1, s17  }
0x6: {  	[smem:$0x3FC3] =	sst s1  }
0x7: {  	_ = 	snop  }
0x8: {  	(tm) =	ssettm $0x1  }
0x9: {  	s18 =	sld [smem:$0x3FFB];
	_ =	sdelay $0x3  }
0xa: {  	_ =	strace s18  }
0xb: {  	s1 =	sld [smem:$0x3FFC];
	_ =	sdelay $0x3  }
0xc: {  	_ =	strace s1  }
0xd: {  	s1 =	sld [smem:$0x3FFD];
	_ =	sdelay $0x3  }
0xe: {  	_ =	strace s1  }
0xf: {  	_ =	strace $0x8FFFFFFF  }
0x10: {  	s19 =	sld [smem:$0x3FDB];
	_ =	sdelay $0x1  }
0x11: {  	s20 =	simm.s32 $_scs_section_size  }
0x12: {  	s4 =	simm.s32 $_size__tile_overlayer_lowered;
	s5 =	simm.s32 $_tile_overlayer_lowered  }
0x13: {  	s23 =	simm.s32 $0x1BFF;
	s22 =	sshll.u32 s5, $0x1;
	s1 =	sadd.s32 s20, s19  }
0x14: {  	s6 =	simm.s32 $0x0;
	s21 =	sshll.u32 s4, $0x1;
	s4 =	sadd.s32 s22, s1  }
0x15: {  	[timem:s6], [sflag:s23] =	dma.local [hbm:s4], s21  }
0x16: {  	_ =	swait.ge [sflag:s23], s21  }
0x17: {  	s2 =	ssub.s32 $0x0, s21;
	[sflag:s23] =	ssyncset.done $0x0  }
0x18: {  	[sflag:s23] =	ssyncadd.s32 s2;
	_ =	sdelay $0x1  }
0x19: {  	s24 =	simm.s32 $0x1B8B  }
0x1a: {  	_ =	swait.ge [sflag:s24], $0x1  }
0x1b: {  	[sflag:s24] =	ssyncset.done $0x0  }
0x1c: {  	s26 =	simm.s32 $0x1B8E;
	s25 =	sld [smem:$0x3FFE];
	[sflag:s24] =	ssyncadd.s32 $0xFFFFFFFF  }
0x1d: {  	s27 =	simm.s32 $execute0_lowered;
	[smem:$0x3FD2] =	sst s26  }
0x1e: {  	s4 =	sshll.u32 s27, $0x1;
	_ =	strace $0x80000046;
	[dreg:$0x1] =	wrdreg $0xFFFFFFFF  }
0x1f: {  	s28 =	simm.s32 $_size_execute0_lowered;
	s1 =	sadd.s32 s1, s4;
	[dreg:$0x0] =	wrdreg $0x0  }
0x20: {  	s4 =	sshll.u32 s28, $0x1;
	[dreg:$0x2] =	wrdreg s1  }
0x21: {  	[dreg:$0x3] =	wrdreg s4  }
0x22: {  	[dreg:$0x4] =	wrdreg $0xC0  }
0x23: {  	_ =	task [dreg:s6], $0x5FFFF  }
0x24: {  	[dreg:$0x1] =	wrdreg $0xFFFFFFFF  }
0x25: {  	[dreg:$0x0] =	wrdreg $0x60  }
0x26: {  	[dreg:$0x2] =	wrdreg s25  }
0x27: {  	[dreg:$0x3] =	wrdreg $0x9  }
0x28: {  	_ =	task.clear_ibuf [dreg:s6], $0x4FFFF;
	_ =	strace $0x90000046  }
0x29: {  	s29 =	simm.s32 $0x9;
	_ =	strace $0x80000048  }
0x2a: {  	_ =	swait.ge [sflag:s29], $0x1  }
0x2b: {  	[sflag:s29] =	ssyncadd.s32 $0xFFFFFFFF  }
0x2c: {  	_ =	strace $0x90000048  }
0x2d: {  	_ =	sfence  }
0x2e: {  	s30 =	sld [smem:$0x0];
	_ =	sdelay $0x2  }
0x2f: {  	s31 =	sshll.u32 s3, $0xD;
	s3 =	sshrl.u32 s3, $0x2  }
0x30: {  	s2 =	sand.u32 $0x4000, s31;
	s1 =	sadd.s32 s3, s30  }
0x31: {  	s0 =	sor.u32 s2, s0;
	s1 =	sshll.u32 s1, $0x11  }
0x32: {  	s0 =	sor.u32 s1, s0  }
0x33: {  	s0 =	sadd.s32 $0x8F2B, s0  }
0x34: {  	[sflag:s0] =	ssyncadd.remote.s32 $0x1  }
0x35: {  	_ =	sfence.sel $0xFFFF  }
0x36: {  	[dreg:$0x0] =	wrdreg $0xFFFFFFFF;
	(pc) =	sbr.abs _section_cstart, $3  }
0x37: {  	[dreg:$0x1] =	wrdreg $0xFFFFFFFF  }
0x38: {  	_ =	task.clear_ibuf [dreg:s6], $0x2FFFF;
	_ =	strace $0x9FFFFFFF  }
0x39: {  	(tm) =	ssettm $0x7FFFFFFF  }
tec
execute0_lowered:
.L_overlay_start_1:
0x0: {  	(tag) =	ssettag $0x1  }
0x1: {  	s0 =	stileid.u32;
	s2 =	srdreg.scid  }
0x2: {  	s6 =	simm.s32 $0x1;
	s8 =	simm.s32 $0x2;
	s16 =	simm.s32 $0x0  }
0x3: {  	s9 =	simm.s32 $0x2000;
	s15 =	simm.s32 $0x0;
	s10 =	simm.s32 $0x0  }
0x4: {  	s11 =	simm.s32 $0x0;
	s14 =	simm.s32 $0x0;
	s1 =	sshll.u32 s0, $0x7  }
0x5: {  	s3 =	sshll.u32 s0, $0x4;
	s2 =	sshll.u32 s2, $0x8;
	s1 =	sand.u32 $0x380, s1  }
0x6: {  	s2 =	sor.u32 s3, s2;
	s3 =	rddreg [dreg:$0x0];
	s5 =	ssub.s32 $0x400, s1  }
0x7: {  	s4 =	sand.u32 $0x180, s2;
	s2 =	rddreg [dreg:$0x1];
	s30 =	sand.u32 $0x380, s5  }
0x8: {  	s31 =	ssub.s32 $0x2900, s4;
	s5 =	sshrl.u32 s5, $0xA;
	p0 =	sne.s32 s30, $0x0  }
.Ltmp0:
0x9: {  	s7 =	sshrl.u32 s31, $0x9;
	s6 =	simm.s32 @!p0 $0x0;
	(pc) =	sbr.rel .LBB1_1-.Ltmp0, $4  }
0xa: {  	_ =	strace $0x80000047;
	s7 =	sadd.s32 $0x1, s7;
	s6 =	sadd.s32 s6, s5  }
0xb: {  	s13 =	smov.u32 s1;
	s5 =	simm.s32 $0x1;
	s6 =	smul.u32 s6, s7  }
0xc: {  	s12 =	smov.u32 s4;
	p0 =	por $0x0, $0x0;
	[sflag:s5] =	ssyncpa.u1 $0x0  }
0xd: {  	s7 =	sadd.s32 $0x39B000, s3;
	[sflag:s8] =	ssyncpa.u1 $0x0;
	s8 =	sadd.s32 $0x1, s6  }
.LBB1_4:
0xe: {  	s21 =	sshra.s32 s21, $0x2;
	s27 =	sshll.u32 s10, $0xA;
	s22 =	sshll.u32 s11, $0x3  }
0xf: {  	s23 =	sshll.u32 s10, $0x7;
	s24 =	sand.u32 $0x78, s11;
	p1 =	sgt.s32 s10, $0x2888  }
0x10: {  	s25 =	sshra.s32 s10, $0x1F;
	s26 =	sshra.s32 s11, $0x1F;
	s20 =	sadd.s32 s21, s20  }
0x11: {  	v5 =	vld [tilespmem:s18+$0xFFFFFFD0];
	[tilespmem:s19+$0x2040 ss:$0x81] =	vst.msk $0xffff, v4;
	s21 =	sand.u32 $0xFFFFE000, s27;
	s22 =	sand.u32 $0xFFFFFC00, s22;
	s28 =	sand.u32 $0x380, s23  }
0x12: {  	v58 =	vld [tilespmem:s18+$0xFFFFFFE0];
	[tilespmem:s19+$0x2850 ss:$0x81] =	vst.msk $0xffff, v3;
	s23 =	smov.u32 s10;
	s30 =	sand.u32 s25, s10;
	s25 =	smov.u32 s11  }
0x13: {  	v59 =	vld [tilespmem:s18+$0xFFFFFFF0];
	[tilespmem:s19+$0x3060 ss:$0x81] =	vst.msk $0xffff, v2;
	s31 =	sand.u32 s26, s11;
	s21 =	sadd.s32 s22, s21;
	s22 =	sor.u32 s24, s28  }
0x14: {  	v60 =	vld [tilespmem:s18+$0x0];
	[tilespmem:s19+$0x0 ss:$0x81] =	vst.msk $0xffff, v1;
	s23 =	simm.s32 @!p1 $0x2888;
	p1 =	sgt.s32 s11, $0x380;
	s21 =	sshrl.u32 s21, $0xA  }
0x15: {  	v61 =	vld [tilespmem:s18+$0x10];
	[tilespmem:s20+$0x3870 ss:$0x81] =	vst.msk $0xffff, v0;
	s19 =	ssub.s32 s23, s30;
	s25 =	simm.s32 @!p1 $0x380;
	s29 =	smulhi.u32 $0x18F4E3, s21  }
0x16: {  	v62 =	vld [tilespmem:s18+$0x20];
	s23 =	ssub.s32 s25, s31;
	s26 =	sadd.s32 $0xFFFFD778, s19;
	s19 =	ssub.s32 $0x2908, s19;
	[tilespmem:s20+$0x810 ss:$0x81] =	vst.msk $0xffff, v5  }
0x17: {  	v63 =	vld [tilespmem:s18+$0xFFFFFFC0];
	[tilespmem:s20+$0x1020 ss:$0x81] =	vst.msk $0xffff, v58;
	p1 =	sgt.s32 s26, $0x7F;
	s28 =	sadd.s32 $0xFFFFFC80, s23;
	s24 =	sshrl.u32 s29, $0x2  }
0x18: {  	[tilespmem:s20+$0x1830 ss:$0x81] =	vst.msk $0xffff, v59;
	s23 =	ssub.s32 $0x400, s23;
	p2 =	sgt.s32 s28, $0x7F;
	s27 =	smul.u32 $0x2908, s24  }
0x19: {  	s30 =	sand.u32 $0x7, s11;
	[tilespmem:s20+$0x2040 ss:$0x81] =	vst.msk $0xffff, v60;
	s19 =	simm.s32 @p1 $0x0;
	s23 =	simm.s32 @p2 $0x0  }
0x1a: {  	[tilespmem:s20+$0x2850 ss:$0x81] =	vst.msk $0xffff, v61;
	s29 =	sshrl.u32 s22, $0x3;
	s19 =	smul.u32 s23, s19;
	s18 =	ssub.s32 s21, s27  }
0x1b: {  	[tilespmem:s20+$0x3060 ss:$0x81] =	vst.msk $0xffff, v62;
	s22 =	sshll.u32 s30, $0x12;
	s21 =	sadd.s32 s3, s29;
	s18 =	sshll.u32 s18, $0x7  }
0x1c: {  	[tilespmem:s20+$0x0 ss:$0x81] =	vst.msk $0xffff, v63;
	s31 =	sor.u32 $0x400, s22;
	s19 =	sand.u32 $0x3FFFFFFF, s19;
	s18 =	sadd.s32 s18, s21  }
0x1d: {  	[hbm4b:s18+s31] =	stream.strided.scatter [tilespmem:s17], [sflag:$0x2], s19, s9, s31, $0x20;
	[tilespmem:$0x10100] =	vst v63  }
.LBB1_5:
0x1e: {  	p1 =	slt.u32 s14, $0x2  }
0x1f: {  	s18 =	smov.u32 s16;
	p2 =	sgt.s32 @!p1 s16, $0x2888;
	s17 =	sshra.s32 @!p1 s16, $0x1F  }
0x20: {  	p3 =	sgt.s32 @!p1 s15, $0x380;
	s19 =	sshra.s32 @!p1 s15, $0x1F;
	p2 =	por !p2, p1  }
0x21: {  	s16 =	sand.u32 @!p1 s17, s16;
	p3 =	por !p3, p1;
	s17 =	smov.u32 s15  }
0x22: {  	s15 =	sand.u32 @!p1 s19, s15;
	s18 =	simm.s32 @p2 $0x2888;
	s17 =	simm.s32 @p3 $0x380  }
0x23: {  	s16 =	ssub.s32 @!p1 s18, s16;
	s15 =	ssub.s32 @!p1 s17, s15  }
0x24: {  	s19 =	smov.u32 s13;
	s17 =	sadd.s32 @!p1 $0xFFFFD778, s16;
	s18 =	sadd.s32 @!p1 $0xFFFFFC80, s15  }
0x25: {  	s16 =	ssub.s32 @!p1 $0x2908, s16;
	p2 =	sgt.s32 @!p1 s17, $0x7F;
	p3 =	sgt.s32 @!p1 s18, $0x7F  }
0x26: {  	s15 =	ssub.s32 @!p1 $0x400, s15;
	p2 =	por !p2, p1;
	p3 =	por !p3, p1  }
0x27: {  	s17 =	sadd.s32 $0x200, s12;
	s16 =	simm.s32 @!p2 $0x0;
	s15 =	simm.s32 @!p3 $0x0  }
0x28: {  	p2 =	sgt.s32 s17, $0x2903;
	s15 =	smul.u32 @!p1 s15, s16;
	s16 =	sadd.s32 $0x400, s13  }
0x29: {  	s19 =	smov.u32 @p2 s16  }
0x2a: {  	s17 =	smov.u32 @p2 s4;
	p2 =	sgt.s32 s19, $0x3FF  }
0x2b: {  	s19 =	smov.u32 @p2 s1;
	p2 =	sne.s32 s14, s8  }
.Ltmp1:
0x2c: {  	p0 =	por !p0, !p0;
	s18 =	simm.s32 @!p1 $0x2;
	(pc) =	sbr.rel @!p2 .LBB1_6-.Ltmp1, $4  }
0x2d: {  	s16 =	smov.u32 s10;
	s10 =	smov.u32 s12;
	s15 =	sand.u32 @!p1 $0x3FFFFFFF, s15  }
0x2e: {  	s12 =	smov.u32 s17;
	_ =	swait.ge @!p1 [sflag:s18], s15;
	s20 =	ssub.s32 @!p1 $0x0, s15  }
0x2f: {  	s15 =	smov.u32 s11;
	s14 =	sadd.s32 $0x1, s14;
	[sflag:s18] =	ssyncset.done @!p1 $0x0  }
0x30: {  	s11 =	smov.u32 s13;
	s13 =	smov.u32 s19;
	[sflag:s18] =	ssyncadd.s32 @!p1 s20  }
.LBB1_1:
0x31: {  	p1 =	sge.u32 s14, s6  }
0x32: {  	s17 =	sshrl.u32 @!p1 s13, $0x3  }
0x33: {  	s18 =	sshll.u32 @!p1 s12, $0x3;
	s17 =	smul.u32 @!p1 $0x14C00, s17  }
0x34: {  	s19 =	sshll.u32 @!p1 s13, $0x7;
	s18 =	sand.u32 @!p1 $0xFFFFFC00, s18  }
0x35: {  	s17 =	sadd.s32 @!p1 s17, s18;
	s18 =	sand.u32 @!p1 $0x380, s19  }
0x36: {  	s19 =	sand.u32 @!p1 $0x7F, s12;
	s17 =	sor.u32 @!p1 s18, s17  }
0x37: {  	s18 =	sor.u32 @!p1 s19, s17  }
0x38: {  	s19 =	smulhi.u32 @!p1 $0x3159721F, s18;
	_ =	sdelay $0x1  }
0x39: {  	s17 =	smulhi.u32 @!p1 $0x3159721F, s17;
	s19 =	sshrl.u32 @!p1 s19, $0xB  }
0x3a: {  	s19 =	smul.u32 @!p1 $0x2980, s19  }
0x3b: {  	s31 =	sadd.s32 $0xFFFFFFFF, s14;
	s20 =	sxor.u32 @!p1 $0xFFFFFFFF, s14;
	s17 =	sshrl.u32 @!p1 s17, $0xB  }
0x3c: {  	s20 =	sshll.u32 @!p1 s20, $0xE;
	s17 =	sand.u32 @!p1 $0x3FF, s17;
	s18 =	ssub.s32 @!p1 s18, s19  }
0x3d: {  	s17 =	smul.u32 @!p1 $0x530, s17;
	s19 =	sshrl.u32 @!p1 s18, $0x3;
	s18 =	sand.u32 @!p1 $0x7, s18  }
0x3e: {  	s20 =	sand.u32 @!p1 $0x4000, s20;
	s19 =	sadd.s32 @!p1 s7, s19;
	s18 =	sshll.u32 @!p1 s18, $0x12  }
0x3f: {  	s17 =	sadd.s32 @!p1 s17, s19;
	s18 =	sor.u32 @!p1 $0x400, s18;
	s19 =	simm.s32 @!p1 $0x14C00  }
0x40: {  	[tilespmem:s20], [sflag:$0x1] =	stream.strided.gather @!p1 [hbm4b:s17+s18], $0x4000, s19, s18, $0x38;
	[tilespmem:$0x10100] =	vst v63  }
0x41: {  	p1 =	sge.u32 s31, s6  }
.Ltmp2:
0x42: {  	_ = 	snop;
	(pc) =	sbr.rel @p1 .LBB1_5-.Ltmp2, $1  }
0x43: {  	_ =	sdelay $0x3  }
0x44: {  	s17 =	simm.s32 $0x1  }
0x45: {  	_ =	swait.ge [sflag:s5], $0x4000;
	s17 =	simm.s32 @!p0 $0x0  }
0x46: {  	[sflag:s5] =	ssyncset.done $0x0;
	s18 =	sshll.u32 s17, $0xE  }
0x47: {  	[sflag:s5] =	ssyncadd.s32 $0xFFFFC000;
	s18 =	sor.u32 $0x40, s18  }
0x48: {  	s17 =	smul.u32 $0x10200, s17;
	v0 =	vld [tilespmem:s18+$0x30]  }
0x49: {  	v1 =	vld [tilespmem:s18+$0xFFFFFFD0]  }
0x4a: {  	s17 =	sshrl.u32 s17, $0x2;
	v5 =	vld [tilespmem:s18+$0xFFFFFFE0]  }
0x4b: {  	v6 =	vld [tilespmem:s18+$0xFFFFFFF0];
	s20 =	sor.u32 $0x8000, s17  }
0x4c: {  	s31 =	sand.u32 $0x1, s14;
	v4 =	vld [tilespmem:s18+$0x0];
	s19 =	sadd.s32 $0x0, s20  }
0x4d: {  	v3 =	vld [tilespmem:s18+$0x10];
	s17 =	smul.u32 $0x10200, s31;
	[tilespmem:s19+$0x3870 ss:$0x81] =	vst.msk $0xffff, v0  }
0x4e: {  	v2 =	vld [tilespmem:s18+$0x20];
	[tilespmem:s19+$0x810 ss:$0x81] =	vst.msk $0xffff, v1  }
0x4f: {  	s17 =	sshrl.u32 s17, $0x2;
	v1 =	vld [tilespmem:s18+$0xFFFFFFC0];
	[tilespmem:s19+$0x1020 ss:$0x81] =	vst.msk $0xffff, v5;
	s18 =	sadd.s32 $0x80, s18  }
0x50: {  	s21 =	simm.s32 $0x4;
	s22 =	simm.s32 $0x8;
	s17 =	sor.u32 $0x8000, s17;
	[tilespmem:s19+$0x1830 ss:$0x81] =	vst.msk $0xffff, v6;
	v0 =	vld [tilespmem:s18+$0x30]  }
.LBB1_3:
0x51: {  	p1 =	sne.s32 s22, $0x1FC;
	v5 =	vld [tilespmem:s18+$0xFFFFFFD0];
	[tilespmem:s19+$0x2040 ss:$0x81] =	vst.msk $0xffff, v4  }
0x52: {  	v6 =	vld [tilespmem:s18+$0xFFFFFFE0];
	[tilespmem:s19+$0x2850 ss:$0x81] =	vst.msk $0xffff, v3  }
0x53: {  	s23 =	sshra.s32 s21, $0x2;
	s21 =	smov.u32 s22;
	v7 =	vld [tilespmem:s18+$0xFFFFFFF0];
	[tilespmem:s19+$0x3060 ss:$0x81] =	vst.msk $0xffff, v2  }
.Ltmp3:
0x54: {  	v4 =	vld [tilespmem:s18+$0x0];
	[tilespmem:s19+$0x0 ss:$0x81] =	vst.msk $0xffff, v1;
	s19 =	sadd.s32 s23, s20;
	(pc) =	sbr.rel @p1 .LBB1_3-.Ltmp3, $4  }
0x55: {  	v3 =	vld [tilespmem:s18+$0x10];
	[tilespmem:s19+$0x3870 ss:$0x81] =	vst.msk $0xffff, v0  }
0x56: {  	[tilespmem:s19+$0x810 ss:$0x81] =	vst.msk $0xffff, v5;
	v2 =	vld [tilespmem:s18+$0x20]  }
0x57: {  	v1 =	vld [tilespmem:s18+$0xFFFFFFC0];
	[tilespmem:s19+$0x1020 ss:$0x81] =	vst.msk $0xffff, v6;
	s18 =	sadd.s32 $0x80, s18  }
0x58: {  	s22 =	sadd.s32 $0x4, s22;
	v0 =	vld [tilespmem:s18+$0x30];
	[tilespmem:s19+$0x1830 ss:$0x81] =	vst.msk $0xffff, v7  }
.Ltmp4:
0x59: {  	_ = 	snop;
	(pc) =	sbr.rel .LBB1_4-.Ltmp4, $1  }
0x5a: {  	_ =	sdelay $0x3  }
.LBB1_6:
0x5b: {  	_ =	sfence.sel $0x180000  }
0x5c: {  	s1 =	simm.s32 $0x1;
	[bflag:$0x0] =	sbarrier.arrive $0xFFFF  }
0x5d: {  	s31 =	simm.s32 $0x2;
	[sflag:s1] =	ssyncpa.u1 $0x1  }
0x5e: {  	[sflag:s31] =	ssyncpa.u1 $0x1  }
0x5f: {  	p0 =	sne.s32 s0, $0x0;
	_ =	strace $0x90000047  }
0x60: {  	s0 =	sadd.s32 @!p0 $0x100000, s2;
	[bflag:$0x2] =	sbarrier.arrive $0xFFFF  }
0x61: {  	[sflag:s0] =	ssyncadd.tile.s32 @!p0 $0x1;
	_ =	shalt  }
.Lfunc_end1:
_tile_overlayer_lowered:
.L_overlay_start_2:
0x62: {  	(tag) =	ssettag $0x2  }
0x63: {  	s0 =	rddreg [dreg:$0x0];
	s2 =	stileid.u32  }
0x64: {  	s1 =	rddreg [dreg:$0x1];
	p0 =	sne.s32 s2, $0x0  }
0x65: {  	s3 =	rddreg [dreg:$0x2];
	[bflag:$0x3] =	sbarrier.arrive $0xFFFF;
	s2 =	simm.s32 @!p0 $0x1C01  }
0x66: {  	[timem:s3], [sflag:s2] =	dma.local @!p0 [hbm:s0], s1  }
0x67: {  	s0 =	simm.s32 @!p0 $0x1  }
0x68: {  	_ =	swait.ge @!p0 [sflag:s0], s1  }
0x69: {  	s1 =	ssub.s32 @!p0 $0x0, s1;
	[sflag:s0] =	ssyncset.done @!p0 $0x0  }
0x6a: {  	[sflag:s0] =	ssyncadd.s32 @!p0 s1  }
0x6b: {  	[bflag:$0x3] =	sbarrier.arrive $0xFFFF  }
0x6c: {  	_ =	shalt  }

</sc_bundles>
